<compile_context>
chip_gen: v7x
topology: tpu7x:2x2x1
jax: 0.10.2.dev20260603
libtpu: 0.0.44.dev20260713+nightly
codegen_flags: <defaults>
</compile_context>

<pallas_src>
import functools

import jax
import jax.numpy as jnp
from jax import lax
from jax.experimental import pallas as pl
from jax.experimental.pallas import tpu as pltpu
from jax.experimental.pallas import tpu_sc as plsc

_NI, _H, _W, _C = 32, 224, 224, 3
_R_SC = 48
_CH = 24
_NCH = _R_SC // _CH
_R0 = _H - _R_SC
_BR = _R0
_IB = 4
_NTC = _NI // _IB

_mesh = plsc.VectorSubcoreMesh(core_axis_name="c", subcore_axis_name="s")


@functools.partial(
    pl.kernel,
    mesh=_mesh,
    out_type=jax.ShapeDtypeStruct((_NI * 32,), jnp.float32),
    scratch_types=[
        pltpu.VMEM((_NCH, _CH, _W), jnp.int32),
        pltpu.VMEM((_NCH, _C, _CH, _W), jnp.float32),
        pltpu.VMEM((_NCH, _C, _CH, _W), jnp.float32),
        pltpu.VMEM((32,), jnp.float32),
        [pltpu.SemaphoreType.DMA] * (3 * _NCH),
    ],
)
def _sc_partials(in_h, tgt_h, msk_h, out_h, mbuf, ibuf, tbuf, obuf, sems):
    wid = lax.axis_index("s") * 2 + lax.axis_index("c")

    pend = []
    for k in range(_NCH):
        r0 = _R0 + k * _CH
        pend.append((
            pltpu.async_copy(msk_h.at[wid, pl.ds(r0, _CH), :],
                             mbuf.at[k], sems[3 * k]),
            pltpu.async_copy(in_h.at[wid, :, pl.ds(r0, _CH), :],
                             ibuf.at[k], sems[3 * k + 1]),
            pltpu.async_copy(tgt_h.at[wid, :, pl.ds(r0, _CH), :],
                             tbuf.at[k], sems[3 * k + 2]),
        ))

    numv = jnp.zeros((16,), jnp.float32)
    cntv = jnp.zeros((16,), jnp.float32)

    for k in range(_NCH):
        for cp in pend[k]:
            cp.wait()

        @plsc.parallel_loop(0, 2 * _CH, carry=(numv, cntv), unroll=2)
        def body(i, carry, k=k):
            nv, cv = carry
            r = lax.shift_right_logical(i, 1)
            co = (i & 1) * (_W // 2)
            for g in range(_W // 32):
                m = mbuf[k, r, pl.ds(co + 16 * g, 16)]
                mf = jnp.where(m != 0, 1.0, 0.0).astype(jnp.float32)
                cv = cv + mf
                d = jnp.zeros((16,), jnp.float32)
                for c in range(_C):
                    a = ibuf[k, c, r, pl.ds(co + 16 * g, 16)]
                    tt = tbuf[k, c, r, pl.ds(co + 16 * g, 16)]
                    d = d + jnp.abs(a - tt)
                nv = nv + d * mf
            return (nv, cv)

        numv, cntv = body

    obuf[pl.ds(0, 16)] = numv
    obuf[pl.ds(16, 16)] = cntv
    pltpu.sync_copy(obuf, out_h.at[pl.ds(wid * 32, 32)])


def _tc_body(x0_ref, x1_ref, x2_ref, t0_ref, t1_ref, t2_ref, m_ref, o_ref,
             acc_ref):
    i = pl.program_id(0)

    @pl.when(i == 0)
    def _():
        acc_ref[...] = jnp.zeros((2, _IB, _BR, _W), jnp.float32)

    mf = jnp.where(m_ref[...] != 0, 1.0, 0.0).astype(jnp.float32)
    d = (jnp.abs(x0_ref[:, 0] - t0_ref[:, 0])
         + jnp.abs(x1_ref[:, 0] - t1_ref[:, 0])
         + jnp.abs(x2_ref[:, 0] - t2_ref[:, 0]))
    acc_ref[0] += d * mf
    acc_ref[1] += mf

    @pl.when(i == _NTC - 1)
    def _():
        o_ref[0] = jnp.sum(acc_ref[0])
        o_ref[1] = jnp.sum(acc_ref[1])


def _chan_spec(c):
    return pl.BlockSpec((_IB, 1, _BR, _W), lambda i, c=c: (i, c, 0, 0))


_tc_partials = pl.pallas_call(
    _tc_body,
    grid=(_NTC,),
    in_specs=[_chan_spec(0), _chan_spec(1), _chan_spec(2),
              _chan_spec(0), _chan_spec(1), _chan_spec(2),
              pl.BlockSpec((_IB, _BR, _W), lambda i: (i, 0, 0))],
    out_specs=pl.BlockSpec(memory_space=pltpu.SMEM),
    out_shape=jax.ShapeDtypeStruct((2,), jnp.float32),
    scratch_shapes=[pltpu.VMEM((2, _IB, _BR, _W), jnp.float32)],
)


def _finish_body(x_ref, a_ref, o_ref):
    x = x_ref[...]
    lane = lax.broadcasted_iota(jnp.int32, (8, 128), 1)
    isnum = (lane % 32) < 16
    num = jnp.sum(jnp.where(isnum, x, 0.0)) + a_ref[0]
    cnt = jnp.sum(jnp.where(isnum, 0.0, x)) + a_ref[1]
    o_ref[0, 0] = num / (3.0 * cnt)


_finish = pl.pallas_call(
    _finish_body,
    in_specs=[
        pl.BlockSpec((8, 128), lambda: (0, 0)),
        pl.BlockSpec(memory_space=pltpu.SMEM),
    ],
    out_specs=pl.BlockSpec(memory_space=pltpu.SMEM),
    out_shape=jax.ShapeDtypeStruct((1, 1), jnp.float32),
)


def kernel(input, target, mask):
    it = input.transpose(0, 1, 4, 2, 3).reshape(_NI, _C, _H, _W)
    tg = target.transpose(0, 1, 4, 2, 3).reshape(_NI, _C, _H, _W)
    mk = mask.reshape(_NI, _H, _W)
    parts = _sc_partials(it, tg, mk)
    _hbm = lambda x: pltpu.with_memory_space_constraint(x, pltpu.MemorySpace.HBM)
    it_tc, tg_tc, mk_tc = _hbm(it), _hbm(tg), _hbm(mk)
    tcacc = _tc_partials(it_tc, it_tc, it_tc, tg_tc, tg_tc, tg_tc, mk_tc)
    return _finish(parts.reshape(8, 128), tcacc)[0, 0]

# --- scband reference (transcript-rebuilt; emitter-appended) ---
"""Pipeline reference for scband-masked-l1-loss-43190191128585 (READ-ONLY COPY).

The authoritative reference and input builder live on the scoring server;
editing this copy changes nothing except your own understanding.
"""

import jax, jax.numpy as jnp
import numpy as np


def setup_inputs(seed: int = 0) -> dict:
    key = jax.random.key(seed)
    k1, k2, k3 = jax.random.split(key, 3)
    inp = jax.random.normal(k1, (4, 8, 224, 224, 3), dtype=jnp.float32)
    tgt = jax.random.normal(k2, (4, 8, 224, 224, 3), dtype=jnp.float32)
    mask = jax.random.randint(k3, (4, 8, 224, 224), 0, 2, dtype=jnp.int32)
    return {"input": inp, "target": tgt, "mask": mask}


def reference(input, target, mask):
    # mask = mask.bool(); mask = unsqueeze(mask, 4)
    m = mask.astype(bool)[..., None]
    mb = jnp.broadcast_to(m, input.shape)
    # masked_select + mean  ==  sum(|in - tgt| over selected) / count(selected)
    diff = jnp.where(mb, jnp.abs(input - target), 0.0)
    cnt = jnp.sum(mb.astype(jnp.float32))
    loss = jnp.sum(diff) / cnt
    return loss

if __name__ == "__main__":
    import jax
    _d = setup_inputs()
    print(jax.jit(kernel)(*tuple(_d.values())))

</pallas_src>

<mosaic_0001>
#map = affine_map<(d0, d1) -> (0, 0, 0, 0)>
#map1 = affine_map<(d0, d1) -> (0, 0, 0)>
#map2 = affine_map<(d0, d1) -> (0)>
module attributes {stable_mosaic.version = 14 : i64} {
  func.func @_sc_partials(%arg0: i32, %arg1: i32, %arg2: memref<32x3x224x224xf32, #tpu.memory_space<hbm>>, %arg3: memref<32x3x224x224xf32, #tpu.memory_space<hbm>>, %arg4: memref<32x224x224xi32, #tpu.memory_space<hbm>>, %arg5: memref<1024xf32, #tpu.memory_space<hbm>>, %arg6: memref<2x24x224xi32, #tpu.memory_space<vmem>>, %arg7: memref<2x3x24x224xf32, #tpu.memory_space<vmem>>, %arg8: memref<2x3x24x224xf32, #tpu.memory_space<vmem>>, %arg9: memref<32xf32, #tpu.memory_space<vmem>>, %arg10: memref<!tpu.dma_semaphore, #tpu.memory_space<semaphore_mem>>, %arg11: memref<!tpu.dma_semaphore, #tpu.memory_space<semaphore_mem>>, %arg12: memref<!tpu.dma_semaphore, #tpu.memory_space<semaphore_mem>>, %arg13: memref<!tpu.dma_semaphore, #tpu.memory_space<semaphore_mem>>, %arg14: memref<!tpu.dma_semaphore, #tpu.memory_space<semaphore_mem>>, %arg15: memref<!tpu.dma_semaphore, #tpu.memory_space<semaphore_mem>>) attributes {dimension_semantics = [#tpu.dimension_semantics<core_parallel>, #tpu.dimension_semantics<subcore_parallel>], iteration_bounds = array<i64: 2, 16>, scalar_prefetch = 0 : i64, scratch_operands = 10 : i64, tpu.core_type = #tpu.core_type<sc_vector_subcore>, window_params = [{transform_indices = #map}, {transform_indices = #map}, {transform_indices = #map1}, {transform_indices = #map2}]} {
    %mul3A = arith.constant 2 : i32
    %mul3A_0 = arith.muli %arg1, %mul3A : i32
    %add3A = arith.addi %mul3A_0, %arg0 : i32
    %dma_start3A = arith.constant 0 : i32
    %dma_start3A_1 = arith.constant 0 : i32
    %dma_start3A_2 = arith.constant 0 : i32
    %dma_start3A_3 = tpu.memref_slice %arg6[%dma_start3A, %dma_start3A_1, %dma_start3A_2] : memref<2x24x224xi32, #tpu.memory_space<vmem>> -> memref<1x24x224xi32, #tpu.memory_space<vmem>>
    %dma_start3A_4 = tpu.memref_squeeze %dma_start3A_3 : memref<1x24x224xi32, #tpu.memory_space<vmem>> -> memref<24x224xi32, #tpu.memory_space<vmem>>
    %dma_start3A_5 = arith.constant 176 : i32
    %dma_start3A_6 = arith.constant 0 : i32
    %dma_start3A_7 = tpu.memref_slice %arg4[%add3A, %dma_start3A_5, %dma_start3A_6] : memref<32x224x224xi32, #tpu.memory_space<hbm>> -> memref<1x24x224xi32, #tpu.memory_space<hbm>>
    %dma_start3A_8 = tpu.memref_squeeze %dma_start3A_7 : memref<1x24x224xi32, #tpu.memory_space<hbm>> -> memref<24x224xi32, #tpu.memory_space<hbm>>
    %dma_start3A_9 = arith.constant 0 : i32
    %dma_start3A_10 = arith.constant 0 : i32
    %dma_start3A_11 = tpu.memref_slice %arg6[%dma_start3A, %dma_start3A_9, %dma_start3A_10] : memref<2x24x224xi32, #tpu.memory_space<vmem>> -> memref<1x24x224xi32, #tpu.memory_space<vmem>>
    %dma_start3A_12 = tpu.memref_squeeze %dma_start3A_11 : memref<1x24x224xi32, #tpu.memory_space<vmem>> -> memref<24x224xi32, #tpu.memory_space<vmem>>
    %dma_start3A_13 = arith.constant 176 : i32
    %dma_start3A_14 = arith.constant 0 : i32
    %dma_start3A_15 = tpu.memref_slice %arg4[%add3A, %dma_start3A_13, %dma_start3A_14] : memref<32x224x224xi32, #tpu.memory_space<hbm>> -> memref<1x24x224xi32, #tpu.memory_space<hbm>>
    %dma_start3A_16 = tpu.memref_squeeze %dma_start3A_15 : memref<1x24x224xi32, #tpu.memory_space<hbm>> -> memref<24x224xi32, #tpu.memory_space<hbm>>
    tpu.enqueue_dma source(%dma_start3A_16 : memref<24x224xi32, #tpu.memory_space<hbm>>) target(%dma_start3A_12 : memref<24x224xi32, #tpu.memory_space<vmem>>) target_semaphore(%arg10 : memref<!tpu.dma_semaphore, #tpu.memory_space<semaphore_mem>>)
    %dma_start3A_17 = arith.constant 0 : i32
    %dma_start3A_18 = arith.constant 0 : i32
    %dma_start3A_19 = arith.constant 0 : i32
    %dma_start3A_20 = arith.constant 0 : i32
    %dma_start3A_21 = tpu.memref_slice %arg7[%dma_start3A_17, %dma_start3A_18, %dma_start3A_19, %dma_start3A_20] : memref<2x3x24x224xf32, #tpu.memory_space<vmem>> -> memref<1x3x24x224xf32, #tpu.memory_space<vmem>>
    %dma_start3A_22 = tpu.memref_squeeze %dma_start3A_21 : memref<1x3x24x224xf32, #tpu.memory_space<vmem>> -> memref<3x24x224xf32, #tpu.memory_space<vmem>>
    %dma_start3A_23 = arith.constant 0 : i32
    %dma_start3A_24 = arith.constant 176 : i32
    %dma_start3A_25 = arith.constant 0 : i32
    %dma_start3A_26 = tpu.memref_slice %arg2[%add3A, %dma_start3A_23, %dma_start3A_24, %dma_start3A_25] : memref<32x3x224x224xf32, #tpu.memory_space<hbm>> -> memref<1x3x24x224xf32, #tpu.memory_space<hbm>>
    %dma_start3A_27 = tpu.memref_squeeze %dma_start3A_26 : memref<1x3x24x224xf32, #tpu.memory_space<hbm>> -> memref<3x24x224xf32, #tpu.memory_space<hbm>>
    %dma_start3A_28 = arith.constant 0 : i32
    %dma_start3A_29 = arith.constant 0 : i32
    %dma_start3A_30 = arith.constant 0 : i32
    %dma_start3A_31 = tpu.memref_slice %arg7[%dma_start3A_17, %dma_start3A_28, %dma_start3A_29, %dma_start3A_30] : memref<2x3x24x224xf32, #tpu.memory_space<vmem>> -> memref<1x3x24x224xf32, #tpu.memory_space<vmem>>
    %dma_start3A_32 = tpu.memref_squeeze %dma_start3A_31 : memref<1x3x24x224xf32, #tpu.memory_space<vmem>> -> memref<3x24x224xf32, #tpu.memory_space<vmem>>
    %dma_start3A_33 = arith.constant 0 : i32
    %dma_start3A_34 = arith.constant 176 : i32
    %dma_start3A_35 = arith.constant 0 : i32
    %dma_start3A_36 = tpu.memref_slice %arg2[%add3A, %dma_start3A_33, %dma_start3A_34, %dma_start3A_35] : memref<32x3x224x224xf32, #tpu.memory_space<hbm>> -> memref<1x3x24x224xf32, #tpu.memory_space<hbm>>
    %dma_start3A_37 = tpu.memref_squeeze %dma_start3A_36 : memref<1x3x24x224xf32, #tpu.memory_space<hbm>> -> memref<3x24x224xf32, #tpu.memory_space<hbm>>
    tpu.enqueue_dma source(%dma_start3A_37 : memref<3x24x224xf32, #tpu.memory_space<hbm>>) target(%dma_start3A_32 : memref<3x24x224xf32, #tpu.memory_space<vmem>>) target_semaphore(%arg11 : memref<!tpu.dma_semaphore, #tpu.memory_space<semaphore_mem>>)
    %dma_start3A_38 = arith.constant 0 : i32
    %dma_start3A_39 = arith.constant 0 : i32
    %dma_start3A_40 = arith.constant 0 : i32
    %dma_start3A_41 = arith.constant 0 : i32
    %dma_start3A_42 = tpu.memref_slice %arg8[%dma_start3A_38, %dma_start3A_39, %dma_start3A_40, %dma_start3A_41] : memref<2x3x24x224xf32, #tpu.memory_space<vmem>> -> memref<1x3x24x224xf32, #tpu.memory_space<vmem>>
    %dma_start3A_43 = tpu.memref_squeeze %dma_start3A_42 : memref<1x3x24x224xf32, #tpu.memory_space<vmem>> -> memref<3x24x224xf32, #tpu.memory_space<vmem>>
    %dma_start3A_44 = arith.constant 0 : i32
    %dma_start3A_45 = arith.constant 176 : i32
    %dma_start3A_46 = arith.constant 0 : i32
    %dma_start3A_47 = tpu.memref_slice %arg3[%add3A, %dma_start3A_44, %dma_start3A_45, %dma_start3A_46] : memref<32x3x224x224xf32, #tpu.memory_space<hbm>> -> memref<1x3x24x224xf32, #tpu.memory_space<hbm>>
    %dma_start3A_48 = tpu.memref_squeeze %dma_start3A_47 : memref<1x3x24x224xf32, #tpu.memory_space<hbm>> -> memref<3x24x224xf32, #tpu.memory_space<hbm>>
    %dma_start3A_49 = arith.constant 0 : i32
    %dma_start3A_50 = arith.constant 0 : i32
    %dma_start3A_51 = arith.constant 0 : i32
    %dma_start3A_52 = tpu.memref_slice %arg8[%dma_start3A_38, %dma_start3A_49, %dma_start3A_50, %dma_start3A_51] : memref<2x3x24x224xf32, #tpu.memory_space<vmem>> -> memref<1x3x24x224xf32, #tpu.memory_space<vmem>>
    %dma_start3A_53 = tpu.memref_squeeze %dma_start3A_52 : memref<1x3x24x224xf32, #tpu.memory_space<vmem>> -> memref<3x24x224xf32, #tpu.memory_space<vmem>>
    %dma_start3A_54 = arith.constant 0 : i32
    %dma_start3A_55 = arith.constant 176 : i32
    %dma_start3A_56 = arith.constant 0 : i32
    %dma_start3A_57 = tpu.memref_slice %arg3[%add3A, %dma_start3A_54, %dma_start3A_55, %dma_start3A_56] : memref<32x3x224x224xf32, #tpu.memory_space<hbm>> -> memref<1x3x24x224xf32, #tpu.memory_space<hbm>>
    %dma_start3A_58 = tpu.memref_squeeze %dma_start3A_57 : memref<1x3x24x224xf32, #tpu.memory_space<hbm>> -> memref<3x24x224xf32, #tpu.memory_space<hbm>>
    tpu.enqueue_dma source(%dma_start3A_58 : memref<3x24x224xf32, #tpu.memory_space<hbm>>) target(%dma_start3A_53 : memref<3x24x224xf32, #tpu.memory_space<vmem>>) target_semaphore(%arg12 : memref<!tpu.dma_semaphore, #tpu.memory_space<semaphore_mem>>)
    %dma_start3A_59 = arith.constant 1 : i32
    %dma_start3A_60 = arith.constant 0 : i32
    %dma_start3A_61 = arith.constant 0 : i32
    %dma_start3A_62 = tpu.memref_slice %arg6[%dma_start3A_59, %dma_start3A_60, %dma_start3A_61] : memref<2x24x224xi32, #tpu.memory_space<vmem>> -> memref<1x24x224xi32, #tpu.memory_space<vmem>>
    %dma_start3A_63 = tpu.memref_squeeze %dma_start3A_62 : memref<1x24x224xi32, #tpu.memory_space<vmem>> -> memref<24x224xi32, #tpu.memory_space<vmem>>
    %dma_start3A_64 = arith.constant 200 : i32
    %dma_start3A_65 = arith.constant 0 : i32
    %dma_start3A_66 = tpu.memref_slice %arg4[%add3A, %dma_start3A_64, %dma_start3A_65] : memref<32x224x224xi32, #tpu.memory_space<hbm>> -> memref<1x24x224xi32, #tpu.memory_space<hbm>>
    %dma_start3A_67 = tpu.memref_squeeze %dma_start3A_66 : memref<1x24x224xi32, #tpu.memory_space<hbm>> -> memref<24x224xi32, #tpu.memory_space<hbm>>
    %dma_start3A_68 = arith.constant 0 : i32
    %dma_start3A_69 = arith.constant 0 : i32
    %dma_start3A_70 = tpu.memref_slice %arg6[%dma_start3A_59, %dma_start3A_68, %dma_start3A_69] : memref<2x24x224xi32, #tpu.memory_space<vmem>> -> memref<1x24x224xi32, #tpu.memory_space<vmem>>
    %dma_start3A_71 = tpu.memref_squeeze %dma_start3A_70 : memref<1x24x224xi32, #tpu.memory_space<vmem>> -> memref<24x224xi32, #tpu.memory_space<vmem>>
    %dma_start3A_72 = arith.constant 200 : i32
    %dma_start3A_73 = arith.constant 0 : i32
    %dma_start3A_74 = tpu.memref_slice %arg4[%add3A, %dma_start3A_72, %dma_start3A_73] : memref<32x224x224xi32, #tpu.memory_space<hbm>> -> memref<1x24x224xi32, #tpu.memory_space<hbm>>
    %dma_start3A_75 = tpu.memref_squeeze %dma_start3A_74 : memref<1x24x224xi32, #tpu.memory_space<hbm>> -> memref<24x224xi32, #tpu.memory_space<hbm>>
    tpu.enqueue_dma source(%dma_start3A_75 : memref<24x224xi32, #tpu.memory_space<hbm>>) target(%dma_start3A_71 : memref<24x224xi32, #tpu.memory_space<vmem>>) target_semaphore(%arg13 : memref<!tpu.dma_semaphore, #tpu.memory_space<semaphore_mem>>)
    %dma_start3A_76 = arith.constant 1 : i32
    %dma_start3A_77 = arith.constant 0 : i32
    %dma_start3A_78 = arith.constant 0 : i32
    %dma_start3A_79 = arith.constant 0 : i32
    %dma_start3A_80 = tpu.memref_slice %arg7[%dma_start3A_76, %dma_start3A_77, %dma_start3A_78, %dma_start3A_79] : memref<2x3x24x224xf32, #tpu.memory_space<vmem>> -> memref<1x3x24x224xf32, #tpu.memory_space<vmem>>
    %dma_start3A_81 = tpu.memref_squeeze %dma_start3A_80 : memref<1x3x24x224xf32, #tpu.memory_space<vmem>> -> memref<3x24x224xf32, #tpu.memory_space<vmem>>
    %dma_start3A_82 = arith.constant 0 : i32
    %dma_start3A_83 = arith.constant 200 : i32
    %dma_start3A_84 = arith.constant 0 : i32
    %dma_start3A_85 = tpu.memref_slice %arg2[%add3A, %dma_start3A_82, %dma_start3A_83, %dma_start3A_84] : memref<32x3x224x224xf32, #tpu.memory_space<hbm>> -> memref<1x3x24x224xf32, #tpu.memory_space<hbm>>
    %dma_start3A_86 = tpu.memref_squeeze %dma_start3A_85 : memref<1x3x24x224xf32, #tpu.memory_space<hbm>> -> memref<3x24x224xf32, #tpu.memory_space<hbm>>
    %dma_start3A_87 = arith.constant 0 : i32
    %dma_start3A_88 = arith.constant 0 : i32
    %dma_start3A_89 = arith.constant 0 : i32
    %dma_start3A_90 = tpu.memref_slice %arg7[%dma_start3A_76, %dma_start3A_87, %dma_start3A_88, %dma_start3A_89] : memref<2x3x24x224xf32, #tpu.memory_space<vmem>> -> memref<1x3x24x224xf32, #tpu.memory_space<vmem>>
    %dma_start3A_91 = tpu.memref_squeeze %dma_start3A_90 : memref<1x3x24x224xf32, #tpu.memory_space<vmem>> -> memref<3x24x224xf32, #tpu.memory_space<vmem>>
    %dma_start3A_92 = arith.constant 0 : i32
    %dma_start3A_93 = arith.constant 200 : i32
    %dma_start3A_94 = arith.constant 0 : i32
    %dma_start3A_95 = tpu.memref_slice %arg2[%add3A, %dma_start3A_92, %dma_start3A_93, %dma_start3A_94] : memref<32x3x224x224xf32, #tpu.memory_space<hbm>> -> memref<1x3x24x224xf32, #tpu.memory_space<hbm>>
    %dma_start3A_96 = tpu.memref_squeeze %dma_start3A_95 : memref<1x3x24x224xf32, #tpu.memory_space<hbm>> -> memref<3x24x224xf32, #tpu.memory_space<hbm>>
    tpu.enqueue_dma source(%dma_start3A_96 : memref<3x24x224xf32, #tpu.memory_space<hbm>>) target(%dma_start3A_91 : memref<3x24x224xf32, #tpu.memory_space<vmem>>) target_semaphore(%arg14 : memref<!tpu.dma_semaphore, #tpu.memory_space<semaphore_mem>>)
    %dma_start3A_97 = arith.constant 1 : i32
    %dma_start3A_98 = arith.constant 0 : i32
    %dma_start3A_99 = arith.constant 0 : i32
    %dma_start3A_100 = arith.constant 0 : i32
    %dma_start3A_101 = tpu.memref_slice %arg8[%dma_start3A_97, %dma_start3A_98, %dma_start3A_99, %dma_start3A_100] : memref<2x3x24x224xf32, #tpu.memory_space<vmem>> -> memref<1x3x24x224xf32, #tpu.memory_space<vmem>>
    %dma_start3A_102 = tpu.memref_squeeze %dma_start3A_101 : memref<1x3x24x224xf32, #tpu.memory_space<vmem>> -> memref<3x24x224xf32, #tpu.memory_space<vmem>>
    %dma_start3A_103 = arith.constant 0 : i32
    %dma_start3A_104 = arith.constant 200 : i32
    %dma_start3A_105 = arith.constant 0 : i32
    %dma_start3A_106 = tpu.memref_slice %arg3[%add3A, %dma_start3A_103, %dma_start3A_104, %dma_start3A_105] : memref<32x3x224x224xf32, #tpu.memory_space<hbm>> -> memref<1x3x24x224xf32, #tpu.memory_space<hbm>>
    %dma_start3A_107 = tpu.memref_squeeze %dma_start3A_106 : memref<1x3x24x224xf32, #tpu.memory_space<hbm>> -> memref<3x24x224xf32, #tpu.memory_space<hbm>>
    %dma_start3A_108 = arith.constant 0 : i32
    %dma_start3A_109 = arith.constant 0 : i32
    %dma_start3A_110 = arith.constant 0 : i32
    %dma_start3A_111 = tpu.memref_slice %arg8[%dma_start3A_97, %dma_start3A_108, %dma_start3A_109, %dma_start3A_110] : memref<2x3x24x224xf32, #tpu.memory_space<vmem>> -> memref<1x3x24x224xf32, #tpu.memory_space<vmem>>
    %dma_start3A_112 = tpu.memref_squeeze %dma_start3A_111 : memref<1x3x24x224xf32, #tpu.memory_space<vmem>> -> memref<3x24x224xf32, #tpu.memory_space<vmem>>
    %dma_start3A_113 = arith.constant 0 : i32
    %dma_start3A_114 = arith.constant 200 : i32
    %dma_start3A_115 = arith.constant 0 : i32
    %dma_start3A_116 = tpu.memref_slice %arg3[%add3A, %dma_start3A_113, %dma_start3A_114, %dma_start3A_115] : memref<32x3x224x224xf32, #tpu.memory_space<hbm>> -> memref<1x3x24x224xf32, #tpu.memory_space<hbm>>
    %dma_start3A_117 = tpu.memref_squeeze %dma_start3A_116 : memref<1x3x24x224xf32, #tpu.memory_space<hbm>> -> memref<3x24x224xf32, #tpu.memory_space<hbm>>
    tpu.enqueue_dma source(%dma_start3A_117 : memref<3x24x224xf32, #tpu.memory_space<hbm>>) target(%dma_start3A_112 : memref<3x24x224xf32, #tpu.memory_space<vmem>>) target_semaphore(%arg15 : memref<!tpu.dma_semaphore, #tpu.memory_space<semaphore_mem>>)
    %broadcast_in_dim3A = arith.constant 0.000000e+00 : f32
    %broadcast_in_dim3A_118 = vector.broadcast %broadcast_in_dim3A : f32 to vector<16xf32>
    %broadcast_in_dim3A_119 = arith.constant 0.000000e+00 : f32
    %broadcast_in_dim3A_120 = vector.broadcast %broadcast_in_dim3A_119 : f32 to vector<16xf32>
    %dma_wait3A = arith.constant 0 : i32
    %dma_wait3A_121 = arith.constant 0 : i32
    %dma_wait3A_122 = arith.constant 0 : i32
    %dma_wait3A_123 = tpu.memref_slice %arg6[%dma_wait3A, %dma_wait3A_121, %dma_wait3A_122] : memref<2x24x224xi32, #tpu.memory_space<vmem>> -> memref<1x24x224xi32, #tpu.memory_space<vmem>>
    %dma_wait3A_124 = tpu.memref_squeeze %dma_wait3A_123 : memref<1x24x224xi32, #tpu.memory_space<vmem>> -> memref<24x224xi32, #tpu.memory_space<vmem>>
    %dma_wait3A_125 = arith.constant 176 : i32
    %dma_wait3A_126 = arith.constant 0 : i32
    %dma_wait3A_127 = tpu.memref_slice %arg4[%add3A, %dma_wait3A_125, %dma_wait3A_126] : memref<32x224x224xi32, #tpu.memory_space<hbm>> -> memref<1x24x224xi32, #tpu.memory_space<hbm>>
    %dma_wait3A_128 = tpu.memref_squeeze %dma_wait3A_127 : memref<1x24x224xi32, #tpu.memory_space<hbm>> -> memref<24x224xi32, #tpu.memory_space<hbm>>
    %dma_wait3A_129 = arith.constant 0 : i32
    %dma_wait3A_130 = arith.constant 0 : i32
    %dma_wait3A_131 = tpu.memref_slice %arg6[%dma_wait3A, %dma_wait3A_129, %dma_wait3A_130] : memref<2x24x224xi32, #tpu.memory_space<vmem>> -> memref<1x24x224xi32, #tpu.memory_space<vmem>>
    %dma_wait3A_132 = tpu.memref_squeeze %dma_wait3A_131 : memref<1x24x224xi32, #tpu.memory_space<vmem>> -> memref<24x224xi32, #tpu.memory_space<vmem>>
    %dma_wait3A_133 = arith.constant 176 : i32
    %dma_wait3A_134 = arith.constant 0 : i32
    %dma_wait3A_135 = tpu.memref_slice %arg4[%add3A, %dma_wait3A_133, %dma_wait3A_134] : memref<32x224x224xi32, #tpu.memory_space<hbm>> -> memref<1x24x224xi32, #tpu.memory_space<hbm>>
    %dma_wait3A_136 = tpu.memref_squeeze %dma_wait3A_135 : memref<1x24x224xi32, #tpu.memory_space<hbm>> -> memref<24x224xi32, #tpu.memory_space<hbm>>
    tpu.wait_dma2 semaphore(%arg10 : memref<!tpu.dma_semaphore, #tpu.memory_space<semaphore_mem>>) src(%dma_wait3A_136 : memref<24x224xi32, #tpu.memory_space<hbm>>) dst(%dma_wait3A_132 : memref<24x224xi32, #tpu.memory_space<vmem>>)
    %dma_wait3A_137 = arith.constant 0 : i32
    %dma_wait3A_138 = arith.constant 0 : i32
    %dma_wait3A_139 = arith.constant 0 : i32
    %dma_wait3A_140 = arith.constant 0 : i32
    %dma_wait3A_141 = tpu.memref_slice %arg7[%dma_wait3A_137, %dma_wait3A_138, %dma_wait3A_139, %dma_wait3A_140] : memref<2x3x24x224xf32, #tpu.memory_space<vmem>> -> memref<1x3x24x224xf32, #tpu.memory_space<vmem>>
    %dma_wait3A_142 = tpu.memref_squeeze %dma_wait3A_141 : memref<1x3x24x224xf32, #tpu.memory_space<vmem>> -> memref<3x24x224xf32, #tpu.memory_space<vmem>>
    %dma_wait3A_143 = arith.constant 0 : i32
    %dma_wait3A_144 = arith.constant 176 : i32
    %dma_wait3A_145 = arith.constant 0 : i32
    %dma_wait3A_146 = tpu.memref_slice %arg2[%add3A, %dma_wait3A_143, %dma_wait3A_144, %dma_wait3A_145] : memref<32x3x224x224xf32, #tpu.memory_space<hbm>> -> memref<1x3x24x224xf32, #tpu.memory_space<hbm>>
    %dma_wait3A_147 = tpu.memref_squeeze %dma_wait3A_146 : memref<1x3x24x224xf32, #tpu.memory_space<hbm>> -> memref<3x24x224xf32, #tpu.memory_space<hbm>>
    %dma_wait3A_148 = arith.constant 0 : i32
    %dma_wait3A_149 = arith.constant 0 : i32
    %dma_wait3A_150 = arith.constant 0 : i32
    %dma_wait3A_151 = tpu.memref_slice %arg7[%dma_wait3A_137, %dma_wait3A_148, %dma_wait3A_149, %dma_wait3A_150] : memref<2x3x24x224xf32, #tpu.memory_space<vmem>> -> memref<1x3x24x224xf32, #tpu.memory_space<vmem>>
    %dma_wait3A_152 = tpu.memref_squeeze %dma_wait3A_151 : memref<1x3x24x224xf32, #tpu.memory_space<vmem>> -> memref<3x24x224xf32, #tpu.memory_space<vmem>>
    %dma_wait3A_153 = arith.constant 0 : i32
    %dma_wait3A_154 = arith.constant 176 : i32
    %dma_wait3A_155 = arith.constant 0 : i32
    %dma_wait3A_156 = tpu.memref_slice %arg2[%add3A, %dma_wait3A_153, %dma_wait3A_154, %dma_wait3A_155] : memref<32x3x224x224xf32, #tpu.memory_space<hbm>> -> memref<1x3x24x224xf32, #tpu.memory_space<hbm>>
    %dma_wait3A_157 = tpu.memref_squeeze %dma_wait3A_156 : memref<1x3x24x224xf32, #tpu.memory_space<hbm>> -> memref<3x24x224xf32, #tpu.memory_space<hbm>>
    tpu.wait_dma2 semaphore(%arg11 : memref<!tpu.dma_semaphore, #tpu.memory_space<semaphore_mem>>) src(%dma_wait3A_157 : memref<3x24x224xf32, #tpu.memory_space<hbm>>) dst(%dma_wait3A_152 : memref<3x24x224xf32, #tpu.memory_space<vmem>>)
    %dma_wait3A_158 = arith.constant 0 : i32
    %dma_wait3A_159 = arith.constant 0 : i32
    %dma_wait3A_160 = arith.constant 0 : i32
    %dma_wait3A_161 = arith.constant 0 : i32
    %dma_wait3A_162 = tpu.memref_slice %arg8[%dma_wait3A_158, %dma_wait3A_159, %dma_wait3A_160, %dma_wait3A_161] : memref<2x3x24x224xf32, #tpu.memory_space<vmem>> -> memref<1x3x24x224xf32, #tpu.memory_space<vmem>>
    %dma_wait3A_163 = tpu.memref_squeeze %dma_wait3A_162 : memref<1x3x24x224xf32, #tpu.memory_space<vmem>> -> memref<3x24x224xf32, #tpu.memory_space<vmem>>
    %dma_wait3A_164 = arith.constant 0 : i32
    %dma_wait3A_165 = arith.constant 176 : i32
    %dma_wait3A_166 = arith.constant 0 : i32
    %dma_wait3A_167 = tpu.memref_slice %arg3[%add3A, %dma_wait3A_164, %dma_wait3A_165, %dma_wait3A_166] : memref<32x3x224x224xf32, #tpu.memory_space<hbm>> -> memref<1x3x24x224xf32, #tpu.memory_space<hbm>>
    %dma_wait3A_168 = tpu.memref_squeeze %dma_wait3A_167 : memref<1x3x24x224xf32, #tpu.memory_space<hbm>> -> memref<3x24x224xf32, #tpu.memory_space<hbm>>
    %dma_wait3A_169 = arith.constant 0 : i32
    %dma_wait3A_170 = arith.constant 0 : i32
    %dma_wait3A_171 = arith.constant 0 : i32
    %dma_wait3A_172 = tpu.memref_slice %arg8[%dma_wait3A_158, %dma_wait3A_169, %dma_wait3A_170, %dma_wait3A_171] : memref<2x3x24x224xf32, #tpu.memory_space<vmem>> -> memref<1x3x24x224xf32, #tpu.memory_space<vmem>>
    %dma_wait3A_173 = tpu.memref_squeeze %dma_wait3A_172 : memref<1x3x24x224xf32, #tpu.memory_space<vmem>> -> memref<3x24x224xf32, #tpu.memory_space<vmem>>
    %dma_wait3A_174 = arith.constant 0 : i32
    %dma_wait3A_175 = arith.constant 176 : i32
    %dma_wait3A_176 = arith.constant 0 : i32
    %dma_wait3A_177 = tpu.memref_slice %arg3[%add3A, %dma_wait3A_174, %dma_wait3A_175, %dma_wait3A_176] : memref<32x3x224x224xf32, #tpu.memory_space<hbm>> -> memref<1x3x24x224xf32, #tpu.memory_space<hbm>>
    %dma_wait3A_178 = tpu.memref_squeeze %dma_wait3A_177 : memref<1x3x24x224xf32, #tpu.memory_space<hbm>> -> memref<3x24x224xf32, #tpu.memory_space<hbm>>
    tpu.wait_dma2 semaphore(%arg12 : memref<!tpu.dma_semaphore, #tpu.memory_space<semaphore_mem>>) src(%dma_wait3A_178 : memref<3x24x224xf32, #tpu.memory_space<hbm>>) dst(%dma_wait3A_173 : memref<3x24x224xf32, #tpu.memory_space<vmem>>)
    %parallel_loop3A = arith.constant 0 : i32
    %parallel_loop3A_179 = arith.constant 48 : i32
    %parallel_loop3A_180 = arith.constant 1 : i32
    %parallel_loop3A_181:2 = scf.for %parallel_loop3A_254 = %parallel_loop3A to %parallel_loop3A_179 step %parallel_loop3A_180 iter_args(%parallel_loop3A_255 = %broadcast_in_dim3A_118, %parallel_loop3A_256 = %broadcast_in_dim3A_120) -> (vector<16xf32>, vector<16xf32>)  : i32 {
      %parallel_loop3A_257 = arith.constant 1 : i32
      %parallel_loop3A_258 = arith.shrui %parallel_loop3A_254, %parallel_loop3A_257 : i32
      %parallel_loop3A_259 = arith.constant 1 : i32
      %parallel_loop3A_260 = arith.andi %parallel_loop3A_254, %parallel_loop3A_259 : i32
      %parallel_loop3A_261 = arith.constant 112 : i32
      %parallel_loop3A_262 = arith.muli %parallel_loop3A_260, %parallel_loop3A_261 : i32
      %parallel_loop3A_263 = arith.constant 0 : i32
      %parallel_loop3A_264 = arith.addi %parallel_loop3A_262, %parallel_loop3A_263 : i32
      %parallel_loop3A_265 = arith.constant 0 : i32
      %parallel_loop3A_266 = arith.index_cast %parallel_loop3A_265 : i32 to index
      %parallel_loop3A_267 = arith.index_cast %parallel_loop3A_258 : i32 to index
      %parallel_loop3A_268 = arith.index_cast %parallel_loop3A_264 : i32 to index
      %parallel_loop3A_269 = tpu.vector_load %arg6[%parallel_loop3A_266, %parallel_loop3A_267, %parallel_loop3A_268] {strides = array<i32>} : memref<2x24x224xi32, #tpu.memory_space<vmem>>, vector<1x1x16xi32>,
      %parallel_loop3A_270 = vector.shape_cast %parallel_loop3A_269 : vector<1x1x16xi32> to vector<16xi32>
      %parallel_loop3A_271 = arith.constant 0 : i32
      %parallel_loop3A_272 = vector.broadcast %parallel_loop3A_271 : i32 to vector<16xi32>
      %parallel_loop3A_273 = arith.cmpi ne, %parallel_loop3A_270, %parallel_loop3A_272 : vector<16xi32>
      %parallel_loop3A_274 = arith.constant 1.000000e+00 : f32
      %parallel_loop3A_275 = arith.constant 0.000000e+00 : f32
      %parallel_loop3A_276 = vector.broadcast %parallel_loop3A_274 : f32 to vector<16xf32>
      %parallel_loop3A_277 = vector.broadcast %parallel_loop3A_275 : f32 to vector<16xf32>
      %parallel_loop3A_278 = arith.select %parallel_loop3A_273, %parallel_loop3A_276, %parallel_loop3A_277 : vector<16xi1>, vector<16xf32>
      %parallel_loop3A_279 = arith.addf %parallel_loop3A_256, %parallel_loop3A_278 : vector<16xf32>
      %parallel_loop3A_280 = arith.constant 0.000000e+00 : f32
      %parallel_loop3A_281 = vector.broadcast %parallel_loop3A_280 : f32 to vector<16xf32>
      %parallel_loop3A_282 = arith.constant 0 : i32
      %parallel_loop3A_283 = arith.addi %parallel_loop3A_262, %parallel_loop3A_282 : i32
      %parallel_loop3A_284 = arith.constant 0 : i32
      %parallel_loop3A_285 = arith.constant 0 : i32
      %parallel_loop3A_286 = arith.index_cast %parallel_loop3A_284 : i32 to index
      %parallel_loop3A_287 = arith.index_cast %parallel_loop3A_285 : i32 to index
      %parallel_loop3A_288 = arith.index_cast %parallel_loop3A_258 : i32 to index
      %parallel_loop3A_289 = arith.index_cast %parallel_loop3A_283 : i32 to index
      %parallel_loop3A_290 = tpu.vector_load %arg7[%parallel_loop3A_286, %parallel_loop3A_287, %parallel_loop3A_288, %parallel_loop3A_289] {strides = array<i32>} : memref<2x3x24x224xf32, #tpu.memory_space<vmem>>, vector<1x1x1x16xf32>,
      %parallel_loop3A_291 = vector.shape_cast %parallel_loop3A_290 : vector<1x1x1x16xf32> to vector<16xf32>
      %parallel_loop3A_292 = arith.constant 0 : i32
      %parallel_loop3A_293 = arith.addi %parallel_loop3A_262, %parallel_loop3A_292 : i32
      %parallel_loop3A_294 = arith.constant 0 : i32
      %parallel_loop3A_295 = arith.constant 0 : i32
      %parallel_loop3A_296 = arith.index_cast %parallel_loop3A_294 : i32 to index
      %parallel_loop3A_297 = arith.index_cast %parallel_loop3A_295 : i32 to index
      %parallel_loop3A_298 = arith.index_cast %parallel_loop3A_258 : i32 to index
      %parallel_loop3A_299 = arith.index_cast %parallel_loop3A_293 : i32 to index
      %parallel_loop3A_300 = tpu.vector_load %arg8[%parallel_loop3A_296, %parallel_loop3A_297, %parallel_loop3A_298, %parallel_loop3A_299] {strides = array<i32>} : memref<2x3x24x224xf32, #tpu.memory_space<vmem>>, vector<1x1x1x16xf32>,
      %parallel_loop3A_301 = vector.shape_cast %parallel_loop3A_300 : vector<1x1x1x16xf32> to vector<16xf32>
      %parallel_loop3A_302 = arith.subf %parallel_loop3A_291, %parallel_loop3A_301 : vector<16xf32>
      %parallel_loop3A_303 = math.absf %parallel_loop3A_302 : vector<16xf32>
      %parallel_loop3A_304 = arith.addf %parallel_loop3A_281, %parallel_loop3A_303 : vector<16xf32>
      %parallel_loop3A_305 = arith.constant 0 : i32
      %parallel_loop3A_306 = arith.addi %parallel_loop3A_262, %parallel_loop3A_305 : i32
      %parallel_loop3A_307 = arith.constant 0 : i32
      %parallel_loop3A_308 = arith.constant 1 : i32
      %parallel_loop3A_309 = arith.index_cast %parallel_loop3A_307 : i32 to index
      %parallel_loop3A_310 = arith.index_cast %parallel_loop3A_308 : i32 to index
      %parallel_loop3A_311 = arith.index_cast %parallel_loop3A_258 : i32 to index
      %parallel_loop3A_312 = arith.index_cast %parallel_loop3A_306 : i32 to index
      %parallel_loop3A_313 = tpu.vector_load %arg7[%parallel_loop3A_309, %parallel_loop3A_310, %parallel_loop3A_311, %parallel_loop3A_312] {strides = array<i32>} : memref<2x3x24x224xf32, #tpu.memory_space<vmem>>, vector<1x1x1x16xf32>,
      %parallel_loop3A_314 = vector.shape_cast %parallel_loop3A_313 : vector<1x1x1x16xf32> to vector<16xf32>
      %parallel_loop3A_315 = arith.constant 0 : i32
      %parallel_loop3A_316 = arith.addi %parallel_loop3A_262, %parallel_loop3A_315 : i32
      %parallel_loop3A_317 = arith.constant 0 : i32
      %parallel_loop3A_318 = arith.constant 1 : i32
      %parallel_loop3A_319 = arith.index_cast %parallel_loop3A_317 : i32 to index
      %parallel_loop3A_320 = arith.index_cast %parallel_loop3A_318 : i32 to index
      %parallel_loop3A_321 = arith.index_cast %parallel_loop3A_258 : i32 to index
      %parallel_loop3A_322 = arith.index_cast %parallel_loop3A_316 : i32 to index
      %parallel_loop3A_323 = tpu.vector_load %arg8[%parallel_loop3A_319, %parallel_loop3A_320, %parallel_loop3A_321, %parallel_loop3A_322] {strides = array<i32>} : memref<2x3x24x224xf32, #tpu.memory_space<vmem>>, vector<1x1x1x16xf32>,
      %parallel_loop3A_324 = vector.shape_cast %parallel_loop3A_323 : vector<1x1x1x16xf32> to vector<16xf32>
      %parallel_loop3A_325 = arith.subf %parallel_loop3A_314, %parallel_loop3A_324 : vector<16xf32>
      %parallel_loop3A_326 = math.absf %parallel_loop3A_325 : vector<16xf32>
      %parallel_loop3A_327 = arith.addf %parallel_loop3A_304, %parallel_loop3A_326 : vector<16xf32>
      %parallel_loop3A_328 = arith.constant 0 : i32
      %parallel_loop3A_329 = arith.addi %parallel_loop3A_262, %parallel_loop3A_328 : i32
      %parallel_loop3A_330 = arith.constant 0 : i32
      %parallel_loop3A_331 = arith.constant 2 : i32
      %parallel_loop3A_332 = arith.index_cast %parallel_loop3A_330 : i32 to index
      %parallel_loop3A_333 = arith.index_cast %parallel_loop3A_331 : i32 to index
      %parallel_loop3A_334 = arith.index_cast %parallel_loop3A_258 : i32 to index
      %parallel_loop3A_335 = arith.index_cast %parallel_loop3A_329 : i32 to index
      %parallel_loop3A_336 = tpu.vector_load %arg7[%parallel_loop3A_332, %parallel_loop3A_333, %parallel_loop3A_334, %parallel_loop3A_335] {strides = array<i32>} : memref<2x3x24x224xf32, #tpu.memory_space<vmem>>, vector<1x1x1x16xf32>,
      %parallel_loop3A_337 = vector.shape_cast %parallel_loop3A_336 : vector<1x1x1x16xf32> to vector<16xf32>
      %parallel_loop3A_338 = arith.constant 0 : i32
      %parallel_loop3A_339 = arith.addi %parallel_loop3A_262, %parallel_loop3A_338 : i32
      %parallel_loop3A_340 = arith.constant 0 : i32
      %parallel_loop3A_341 = arith.constant 2 : i32
      %parallel_loop3A_342 = arith.index_cast %parallel_loop3A_340 : i32 to index
      %parallel_loop3A_343 = arith.index_cast %parallel_loop3A_341 : i32 to index
      %parallel_loop3A_344 = arith.index_cast %parallel_loop3A_258 : i32 to index
      %parallel_loop3A_345 = arith.index_cast %parallel_loop3A_339 : i32 to index
      %parallel_loop3A_346 = tpu.vector_load %arg8[%parallel_loop3A_342, %parallel_loop3A_343, %parallel_loop3A_344, %parallel_loop3A_345] {strides = array<i32>} : memref<2x3x24x224xf32, #tpu.memory_space<vmem>>, vector<1x1x1x16xf32>,
      %parallel_loop3A_347 = vector.shape_cast %parallel_loop3A_346 : vector<1x1x1x16xf32> to vector<16xf32>
      %parallel_loop3A_348 = arith.subf %parallel_loop3A_337, %parallel_loop3A_347 : vector<16xf32>
      %parallel_loop3A_349 = math.absf %parallel_loop3A_348 : vector<16xf32>
      %parallel_loop3A_350 = arith.addf %parallel_loop3A_327, %parallel_loop3A_349 : vector<16xf32>
      %parallel_loop3A_351 = arith.mulf %parallel_loop3A_350, %parallel_loop3A_278 : vector<16xf32>
      %parallel_loop3A_352 = arith.addf %parallel_loop3A_255, %parallel_loop3A_351 : vector<16xf32>
      %parallel_loop3A_353 = arith.constant 16 : i32
      %parallel_loop3A_354 = arith.addi %parallel_loop3A_262, %parallel_loop3A_353 : i32
      %parallel_loop3A_355 = arith.constant 0 : i32
      %parallel_loop3A_356 = arith.index_cast %parallel_loop3A_355 : i32 to index
      %parallel_loop3A_357 = arith.index_cast %parallel_loop3A_258 : i32 to index
      %parallel_loop3A_358 = arith.index_cast %parallel_loop3A_354 : i32 to index
      %parallel_loop3A_359 = tpu.vector_load %arg6[%parallel_loop3A_356, %parallel_loop3A_357, %parallel_loop3A_358] {strides = array<i32>} : memref<2x24x224xi32, #tpu.memory_space<vmem>>, vector<1x1x16xi32>,
      %parallel_loop3A_360 = vector.shape_cast %parallel_loop3A_359 : vector<1x1x16xi32> to vector<16xi32>
      %parallel_loop3A_361 = arith.constant 0 : i32
      %parallel_loop3A_362 = vector.broadcast %parallel_loop3A_361 : i32 to vector<16xi32>
      %parallel_loop3A_363 = arith.cmpi ne, %parallel_loop3A_360, %parallel_loop3A_362 : vector<16xi32>
      %parallel_loop3A_364 = arith.constant 1.000000e+00 : f32
      %parallel_loop3A_365 = arith.constant 0.000000e+00 : f32
      %parallel_loop3A_366 = vector.broadcast %parallel_loop3A_364 : f32 to vector<16xf32>
      %parallel_loop3A_367 = vector.broadcast %parallel_loop3A_365 : f32 to vector<16xf32>
      %parallel_loop3A_368 = arith.select %parallel_loop3A_363, %parallel_loop3A_366, %parallel_loop3A_367 : vector<16xi1>, vector<16xf32>
      %parallel_loop3A_369 = arith.addf %parallel_loop3A_279, %parallel_loop3A_368 : vector<16xf32>
      %parallel_loop3A_370 = arith.constant 0.000000e+00 : f32
      %parallel_loop3A_371 = vector.broadcast %parallel_loop3A_370 : f32 to vector<16xf32>
      %parallel_loop3A_372 = arith.constant 16 : i32
      %parallel_loop3A_373 = arith.addi %parallel_loop3A_262, %parallel_loop3A_372 : i32
      %parallel_loop3A_374 = arith.constant 0 : i32
      %parallel_loop3A_375 = arith.constant 0 : i32
      %parallel_loop3A_376 = arith.index_cast %parallel_loop3A_374 : i32 to index
      %parallel_loop3A_377 = arith.index_cast %parallel_loop3A_375 : i32 to index
      %parallel_loop3A_378 = arith.index_cast %parallel_loop3A_258 : i32 to index
      %parallel_loop3A_379 = arith.index_cast %parallel_loop3A_373 : i32 to index
      %parallel_loop3A_380 = tpu.vector_load %arg7[%parallel_loop3A_376, %parallel_loop3A_377, %parallel_loop3A_378, %parallel_loop3A_379] {strides = array<i32>} : memref<2x3x24x224xf32, #tpu.memory_space<vmem>>, vector<1x1x1x16xf32>,
      %parallel_loop3A_381 = vector.shape_cast %parallel_loop3A_380 : vector<1x1x1x16xf32> to vector<16xf32>
      %parallel_loop3A_382 = arith.constant 16 : i32
      %parallel_loop3A_383 = arith.addi %parallel_loop3A_262, %parallel_loop3A_382 : i32
      %parallel_loop3A_384 = arith.constant 0 : i32
      %parallel_loop3A_385 = arith.constant 0 : i32
      %parallel_loop3A_386 = arith.index_cast %parallel_loop3A_384 : i32 to index
      %parallel_loop3A_387 = arith.index_cast %parallel_loop3A_385 : i32 to index
      %parallel_loop3A_388 = arith.index_cast %parallel_loop3A_258 : i32 to index
      %parallel_loop3A_389 = arith.index_cast %parallel_loop3A_383 : i32 to index
      %parallel_loop3A_390 = tpu.vector_load %arg8[%parallel_loop3A_386, %parallel_loop3A_387, %parallel_loop3A_388, %parallel_loop3A_389] {strides = array<i32>} : memref<2x3x24x224xf32, #tpu.memory_space<vmem>>, vector<1x1x1x16xf32>,
      %parallel_loop3A_391 = vector.shape_cast %parallel_loop3A_390 : vector<1x1x1x16xf32> to vector<16xf32>
      %parallel_loop3A_392 = arith.subf %parallel_loop3A_381, %parallel_loop3A_391 : vector<16xf32>
      %parallel_loop3A_393 = math.absf %parallel_loop3A_392 : vector<16xf32>
      %parallel_loop3A_394 = arith.addf %parallel_loop3A_371, %parallel_loop3A_393 : vector<16xf32>
      %parallel_loop3A_395 = arith.constant 16 : i32
      %parallel_loop3A_396 = arith.addi %parallel_loop3A_262, %parallel_loop3A_395 : i32
      %parallel_loop3A_397 = arith.constant 0 : i32
      %parallel_loop3A_398 = arith.constant 1 : i32
      %parallel_loop3A_399 = arith.index_cast %parallel_loop3A_397 : i32 to index
      %parallel_loop3A_400 = arith.index_cast %parallel_loop3A_398 : i32 to index
      %parallel_loop3A_401 = arith.index_cast %parallel_loop3A_258 : i32 to index
      %parallel_loop3A_402 = arith.index_cast %parallel_loop3A_396 : i32 to index
      %parallel_loop3A_403 = tpu.vector_load %arg7[%parallel_loop3A_399, %parallel_loop3A_400, %parallel_loop3A_401, %parallel_loop3A_402] {strides = array<i32>} : memref<2x3x24x224xf32, #tpu.memory_space<vmem>>, vector<1x1x1x16xf32>,
      %parallel_loop3A_404 = vector.shape_cast %parallel_loop3A_403 : vector<1x1x1x16xf32> to vector<16xf32>
      %parallel_loop3A_405 = arith.constant 16 : i32
      %parallel_loop3A_406 = arith.addi %parallel_loop3A_262, %parallel_loop3A_405 : i32
      %parallel_loop3A_407 = arith.constant 0 : i32
      %parallel_loop3A_408 = arith.constant 1 : i32
      %parallel_loop3A_409 = arith.index_cast %parallel_loop3A_407 : i32 to index
      %parallel_loop3A_410 = arith.index_cast %parallel_loop3A_408 : i32 to index
      %parallel_loop3A_411 = arith.index_cast %parallel_loop3A_258 : i32 to index
      %parallel_loop3A_412 = arith.index_cast %parallel_loop3A_406 : i32 to index
      %parallel_loop3A_413 = tpu.vector_load %arg8[%parallel_loop3A_409, %parallel_loop3A_410, %parallel_loop3A_411, %parallel_loop3A_412] {strides = array<i32>} : memref<2x3x24x224xf32, #tpu.memory_space<vmem>>, vector<1x1x1x16xf32>,
      %parallel_loop3A_414 = vector.shape_cast %parallel_loop3A_413 : vector<1x1x1x16xf32> to vector<16xf32>
      %parallel_loop3A_415 = arith.subf %parallel_loop3A_404, %parallel_loop3A_414 : vector<16xf32>
      %parallel_loop3A_416 = math.absf %parallel_loop3A_415 : vector<16xf32>
      %parallel_loop3A_417 = arith.addf %parallel_loop3A_394, %parallel_loop3A_416 : vector<16xf32>
      %parallel_loop3A_418 = arith.constant 16 : i32
      %parallel_loop3A_419 = arith.addi %parallel_loop3A_262, %parallel_loop3A_418 : i32
      %parallel_loop3A_420 = arith.constant 0 : i32
      %parallel_loop3A_421 = arith.constant 2 : i32
      %parallel_loop3A_422 = arith.index_cast %parallel_loop3A_420 : i32 to index
      %parallel_loop3A_423 = arith.index_cast %parallel_loop3A_421 : i32 to index
      %parallel_loop3A_424 = arith.index_cast %parallel_loop3A_258 : i32 to index
      %parallel_loop3A_425 = arith.index_cast %parallel_loop3A_419 : i32 to index
      %parallel_loop3A_426 = tpu.vector_load %arg7[%parallel_loop3A_422, %parallel_loop3A_423, %parallel_loop3A_424, %parallel_loop3A_425] {strides = array<i32>} : memref<2x3x24x224xf32, #tpu.memory_space<vmem>>, vector<1x1x1x16xf32>,
      %parallel_loop3A_427 = vector.shape_cast %parallel_loop3A_426 : vector<1x1x1x16xf32> to vector<16xf32>
      %parallel_loop3A_428 = arith.constant 16 : i32
      %parallel_loop3A_429 = arith.addi %parallel_loop3A_262, %parallel_loop3A_428 : i32
      %parallel_loop3A_430 = arith.constant 0 : i32
      %parallel_loop3A_431 = arith.constant 2 : i32
      %parallel_loop3A_432 = arith.index_cast %parallel_loop3A_430 : i32 to index
      %parallel_loop3A_433 = arith.index_cast %parallel_loop3A_431 : i32 to index
      %parallel_loop3A_434 = arith.index_cast %parallel_loop3A_258 : i32 to index
      %parallel_loop3A_435 = arith.index_cast %parallel_loop3A_429 : i32 to index
      %parallel_loop3A_436 = tpu.vector_load %arg8[%parallel_loop3A_432, %parallel_loop3A_433, %parallel_loop3A_434, %parallel_loop3A_435] {strides = array<i32>} : memref<2x3x24x224xf32, #tpu.memory_space<vmem>>, vector<1x1x1x16xf32>,
      %parallel_loop3A_437 = vector.shape_cast %parallel_loop3A_436 : vector<1x1x1x16xf32> to vector<16xf32>
      %parallel_loop3A_438 = arith.subf %parallel_loop3A_427, %parallel_loop3A_437 : vector<16xf32>
      %parallel_loop3A_439 = math.absf %parallel_loop3A_438 : vector<16xf32>
      %parallel_loop3A_440 = arith.addf %parallel_loop3A_417, %parallel_loop3A_439 : vector<16xf32>
      %parallel_loop3A_441 = arith.mulf %parallel_loop3A_440, %parallel_loop3A_368 : vector<16xf32>
      %parallel_loop3A_442 = arith.addf %parallel_loop3A_352, %parallel_loop3A_441 : vector<16xf32>
      %parallel_loop3A_443 = arith.constant 32 : i32
      %parallel_loop3A_444 = arith.addi %parallel_loop3A_262, %parallel_loop3A_443 : i32
      %parallel_loop3A_445 = arith.constant 0 : i32
      %parallel_loop3A_446 = arith.index_cast %parallel_loop3A_445 : i32 to index
      %parallel_loop3A_447 = arith.index_cast %parallel_loop3A_258 : i32 to index
      %parallel_loop3A_448 = arith.index_cast %parallel_loop3A_444 : i32 to index
      %parallel_loop3A_449 = tpu.vector_load %arg6[%parallel_loop3A_446, %parallel_loop3A_447, %parallel_loop3A_448] {strides = array<i32>} : memref<2x24x224xi32, #tpu.memory_space<vmem>>, vector<1x1x16xi32>,
      %parallel_loop3A_450 = vector.shape_cast %parallel_loop3A_449 : vector<1x1x16xi32> to vector<16xi32>
      %parallel_loop3A_451 = arith.constant 0 : i32
      %parallel_loop3A_452 = vector.broadcast %parallel_loop3A_451 : i32 to vector<16xi32>
      %parallel_loop3A_453 = arith.cmpi ne, %parallel_loop3A_450, %parallel_loop3A_452 : vector<16xi32>
      %parallel_loop3A_454 = arith.constant 1.000000e+00 : f32
      %parallel_loop3A_455 = arith.constant 0.000000e+00 : f32
      %parallel_loop3A_456 = vector.broadcast %parallel_loop3A_454 : f32 to vector<16xf32>
      %parallel_loop3A_457 = vector.broadcast %parallel_loop3A_455 : f32 to vector<16xf32>
      %parallel_loop3A_458 = arith.select %parallel_loop3A_453, %parallel_loop3A_456, %parallel_loop3A_457 : vector<16xi1>, vector<16xf32>
      %parallel_loop3A_459 = arith.addf %parallel_loop3A_369, %parallel_loop3A_458 : vector<16xf32>
      %parallel_loop3A_460 = arith.constant 0.000000e+00 : f32
      %parallel_loop3A_461 = vector.broadcast %parallel_loop3A_460 : f32 to vector<16xf32>
      %parallel_loop3A_462 = arith.constant 32 : i32
      %parallel_loop3A_463 = arith.addi %parallel_loop3A_262, %parallel_loop3A_462 : i32
      %parallel_loop3A_464 = arith.constant 0 : i32
      %parallel_loop3A_465 = arith.constant 0 : i32
      %parallel_loop3A_466 = arith.index_cast %parallel_loop3A_464 : i32 to index
      %parallel_loop3A_467 = arith.index_cast %parallel_loop3A_465 : i32 to index
      %parallel_loop3A_468 = arith.index_cast %parallel_loop3A_258 : i32 to index
      %parallel_loop3A_469 = arith.index_cast %parallel_loop3A_463 : i32 to index
      %parallel_loop3A_470 = tpu.vector_load %arg7[%parallel_loop3A_466, %parallel_loop3A_467, %parallel_loop3A_468, %parallel_loop3A_469] {strides = array<i32>} : memref<2x3x24x224xf32, #tpu.memory_space<vmem>>, vector<1x1x1x16xf32>,
      %parallel_loop3A_471 = vector.shape_cast %parallel_loop3A_470 : vector<1x1x1x16xf32> to vector<16xf32>
      %parallel_loop3A_472 = arith.constant 32 : i32
      %parallel_loop3A_473 = arith.addi %parallel_loop3A_262, %parallel_loop3A_472 : i32
      %parallel_loop3A_474 = arith.constant 0 : i32
      %parallel_loop3A_475 = arith.constant 0 : i32
      %parallel_loop3A_476 = arith.index_cast %parallel_loop3A_474 : i32 to index
      %parallel_loop3A_477 = arith.index_cast %parallel_loop3A_475 : i32 to index
      %parallel_loop3A_478 = arith.index_cast %parallel_loop3A_258 : i32 to index
      %parallel_loop3A_479 = arith.index_cast %parallel_loop3A_473 : i32 to index
      %parallel_loop3A_480 = tpu.vector_load %arg8[%parallel_loop3A_476, %parallel_loop3A_477, %parallel_loop3A_478, %parallel_loop3A_479] {strides = array<i32>} : memref<2x3x24x224xf32, #tpu.memory_space<vmem>>, vector<1x1x1x16xf32>,
      %parallel_loop3A_481 = vector.shape_cast %parallel_loop3A_480 : vector<1x1x1x16xf32> to vector<16xf32>
      %parallel_loop3A_482 = arith.subf %parallel_loop3A_471, %parallel_loop3A_481 : vector<16xf32>
      %parallel_loop3A_483 = math.absf %parallel_loop3A_482 : vector<16xf32>
      %parallel_loop3A_484 = arith.addf %parallel_loop3A_461, %parallel_loop3A_483 : vector<16xf32>
      %parallel_loop3A_485 = arith.constant 32 : i32
      %parallel_loop3A_486 = arith.addi %parallel_loop3A_262, %parallel_loop3A_485 : i32
      %parallel_loop3A_487 = arith.constant 0 : i32
      %parallel_loop3A_488 = arith.constant 1 : i32
      %parallel_loop3A_489 = arith.index_cast %parallel_loop3A_487 : i32 to index
      %parallel_loop3A_490 = arith.index_cast %parallel_loop3A_488 : i32 to index
      %parallel_loop3A_491 = arith.index_cast %parallel_loop3A_258 : i32 to index
      %parallel_loop3A_492 = arith.index_cast %parallel_loop3A_486 : i32 to index
      %parallel_loop3A_493 = tpu.vector_load %arg7[%parallel_loop3A_489, %parallel_loop3A_490, %parallel_loop3A_491, %parallel_loop3A_492] {strides = array<i32>} : memref<2x3x24x224xf32, #tpu.memory_space<vmem>>, vector<1x1x1x16xf32>,
      %parallel_loop3A_494 = vector.shape_cast %parallel_loop3A_493 : vector<1x1x1x16xf32> to vector<16xf32>
      %parallel_loop3A_495 = arith.constant 32 : i32
      %parallel_loop3A_496 = arith.addi %parallel_loop3A_262, %parallel_loop3A_495 : i32
      %parallel_loop3A_497 = arith.constant 0 : i32
      %parallel_loop3A_498 = arith.constant 1 : i32
      %parallel_loop3A_499 = arith.index_cast %parallel_loop3A_497 : i32 to index
      %parallel_loop3A_500 = arith.index_cast %parallel_loop3A_498 : i32 to index
      %parallel_loop3A_501 = arith.index_cast %parallel_loop3A_258 : i32 to index
      %parallel_loop3A_502 = arith.index_cast %parallel_loop3A_496 : i32 to index
      %parallel_loop3A_503 = tpu.vector_load %arg8[%parallel_loop3A_499, %parallel_loop3A_500, %parallel_loop3A_501, %parallel_loop3A_502] {strides = array<i32>} : memref<2x3x24x224xf32, #tpu.memory_space<vmem>>, vector<1x1x1x16xf32>,
      %parallel_loop3A_504 = vector.shape_cast %parallel_loop3A_503 : vector<1x1x1x16xf32> to vector<16xf32>
      %parallel_loop3A_505 = arith.subf %parallel_loop3A_494, %parallel_loop3A_504 : vector<16xf32>
      %parallel_loop3A_506 = math.absf %parallel_loop3A_505 : vector<16xf32>
      %parallel_loop3A_507 = arith.addf %parallel_loop3A_484, %parallel_loop3A_506 : vector<16xf32>
      %parallel_loop3A_508 = arith.constant 32 : i32
      %parallel_loop3A_509 = arith.addi %parallel_loop3A_262, %parallel_loop3A_508 : i32
      %parallel_loop3A_510 = arith.constant 0 : i32
      %parallel_loop3A_511 = arith.constant 2 : i32
      %parallel_loop3A_512 = arith.index_cast %parallel_loop3A_510 : i32 to index
      %parallel_loop3A_513 = arith.index_cast %parallel_loop3A_511 : i32 to index
      %parallel_loop3A_514 = arith.index_cast %parallel_loop3A_258 : i32 to index
      %parallel_loop3A_515 = arith.index_cast %parallel_loop3A_509 : i32 to index
      %parallel_loop3A_516 = tpu.vector_load %arg7[%parallel_loop3A_512, %parallel_loop3A_513, %parallel_loop3A_514, %parallel_loop3A_515] {strides = array<i32>} : memref<2x3x24x224xf32, #tpu.memory_space<vmem>>, vector<1x1x1x16xf32>,
      %parallel_loop3A_517 = vector.shape_cast %parallel_loop3A_516 : vector<1x1x1x16xf32> to vector<16xf32>
      %parallel_loop3A_518 = arith.constant 32 : i32
      %parallel_loop3A_519 = arith.addi %parallel_loop3A_262, %parallel_loop3A_518 : i32
      %parallel_loop3A_520 = arith.constant 0 : i32
      %parallel_loop3A_521 = arith.constant 2 : i32
      %parallel_loop3A_522 = arith.index_cast %parallel_loop3A_520 : i32 to index
      %parallel_loop3A_523 = arith.index_cast %parallel_loop3A_521 : i32 to index
      %parallel_loop3A_524 = arith.index_cast %parallel_loop3A_258 : i32 to index
      %parallel_loop3A_525 = arith.index_cast %parallel_loop3A_519 : i32 to index
      %parallel_loop3A_526 = tpu.vector_load %arg8[%parallel_loop3A_522, %parallel_loop3A_523, %parallel_loop3A_524, %parallel_loop3A_525] {strides = array<i32>} : memref<2x3x24x224xf32, #tpu.memory_space<vmem>>, vector<1x1x1x16xf32>,
      %parallel_loop3A_527 = vector.shape_cast %parallel_loop3A_526 : vector<1x1x1x16xf32> to vector<16xf32>
      %parallel_loop3A_528 = arith.subf %parallel_loop3A_517, %parallel_loop3A_527 : vector<16xf32>
      %parallel_loop3A_529 = math.absf %parallel_loop3A_528 : vector<16xf32>
      %parallel_loop3A_530 = arith.addf %parallel_loop3A_507, %parallel_loop3A_529 : vector<16xf32>
      %parallel_loop3A_531 = arith.mulf %parallel_loop3A_530, %parallel_loop3A_458 : vector<16xf32>
      %parallel_loop3A_532 = arith.addf %parallel_loop3A_442, %parallel_loop3A_531 : vector<16xf32>
      %parallel_loop3A_533 = arith.constant 48 : i32
      %parallel_loop3A_534 = arith.addi %parallel_loop3A_262, %parallel_loop3A_533 : i32
      %parallel_loop3A_535 = arith.constant 0 : i32
      %parallel_loop3A_536 = arith.index_cast %parallel_loop3A_535 : i32 to index
      %parallel_loop3A_537 = arith.index_cast %parallel_loop3A_258 : i32 to index
      %parallel_loop3A_538 = arith.index_cast %parallel_loop3A_534 : i32 to index
      %parallel_loop3A_539 = tpu.vector_load %arg6[%parallel_loop3A_536, %parallel_loop3A_537, %parallel_loop3A_538] {strides = array<i32>} : memref<2x24x224xi32, #tpu.memory_space<vmem>>, vector<1x1x16xi32>,
      %parallel_loop3A_540 = vector.shape_cast %parallel_loop3A_539 : vector<1x1x16xi32> to vector<16xi32>
      %parallel_loop3A_541 = arith.constant 0 : i32
      %parallel_loop3A_542 = vector.broadcast %parallel_loop3A_541 : i32 to vector<16xi32>
      %parallel_loop3A_543 = arith.cmpi ne, %parallel_loop3A_540, %parallel_loop3A_542 : vector<16xi32>
      %parallel_loop3A_544 = arith.constant 1.000000e+00 : f32
      %parallel_loop3A_545 = arith.constant 0.000000e+00 : f32
      %parallel_loop3A_546 = vector.broadcast %parallel_loop3A_544 : f32 to vector<16xf32>
      %parallel_loop3A_547 = vector.broadcast %parallel_loop3A_545 : f32 to vector<16xf32>
      %parallel_loop3A_548 = arith.select %parallel_loop3A_543, %parallel_loop3A_546, %parallel_loop3A_547 : vector<16xi1>, vector<16xf32>
      %parallel_loop3A_549 = arith.addf %parallel_loop3A_459, %parallel_loop3A_548 : vector<16xf32>
      %parallel_loop3A_550 = arith.constant 0.000000e+00 : f32
      %parallel_loop3A_551 = vector.broadcast %parallel_loop3A_550 : f32 to vector<16xf32>
      %parallel_loop3A_552 = arith.constant 48 : i32
      %parallel_loop3A_553 = arith.addi %parallel_loop3A_262, %parallel_loop3A_552 : i32
      %parallel_loop3A_554 = arith.constant 0 : i32
      %parallel_loop3A_555 = arith.constant 0 : i32
      %parallel_loop3A_556 = arith.index_cast %parallel_loop3A_554 : i32 to index
      %parallel_loop3A_557 = arith.index_cast %parallel_loop3A_555 : i32 to index
      %parallel_loop3A_558 = arith.index_cast %parallel_loop3A_258 : i32 to index
      %parallel_loop3A_559 = arith.index_cast %parallel_loop3A_553 : i32 to index
      %parallel_loop3A_560 = tpu.vector_load %arg7[%parallel_loop3A_556, %parallel_loop3A_557, %parallel_loop3A_558, %parallel_loop3A_559] {strides = array<i32>} : memref<2x3x24x224xf32, #tpu.memory_space<vmem>>, vector<1x1x1x16xf32>,
      %parallel_loop3A_561 = vector.shape_cast %parallel_loop3A_560 : vector<1x1x1x16xf32> to vector<16xf32>
      %parallel_loop3A_562 = arith.constant 48 : i32
      %parallel_loop3A_563 = arith.addi %parallel_loop3A_262, %parallel_loop3A_562 : i32
      %parallel_loop3A_564 = arith.constant 0 : i32
      %parallel_loop3A_565 = arith.constant 0 : i32
      %parallel_loop3A_566 = arith.index_cast %parallel_loop3A_564 : i32 to index
      %parallel_loop3A_567 = arith.index_cast %parallel_loop3A_565 : i32 to index
      %parallel_loop3A_568 = arith.index_cast %parallel_loop3A_258 : i32 to index
      %parallel_loop3A_569 = arith.index_cast %parallel_loop3A_563 : i32 to index
      %parallel_loop3A_570 = tpu.vector_load %arg8[%parallel_loop3A_566, %parallel_loop3A_567, %parallel_loop3A_568, %parallel_loop3A_569] {strides = array<i32>} : memref<2x3x24x224xf32, #tpu.memory_space<vmem>>, vector<1x1x1x16xf32>,
      %parallel_loop3A_571 = vector.shape_cast %parallel_loop3A_570 : vector<1x1x1x16xf32> to vector<16xf32>
      %parallel_loop3A_572 = arith.subf %parallel_loop3A_561, %parallel_loop3A_571 : vector<16xf32>
      %parallel_loop3A_573 = math.absf %parallel_loop3A_572 : vector<16xf32>
      %parallel_loop3A_574 = arith.addf %parallel_loop3A_551, %parallel_loop3A_573 : vector<16xf32>
      %parallel_loop3A_575 = arith.constant 48 : i32
      %parallel_loop3A_576 = arith.addi %parallel_loop3A_262, %parallel_loop3A_575 : i32
      %parallel_loop3A_577 = arith.constant 0 : i32
      %parallel_loop3A_578 = arith.constant 1 : i32
      %parallel_loop3A_579 = arith.index_cast %parallel_loop3A_577 : i32 to index
      %parallel_loop3A_580 = arith.index_cast %parallel_loop3A_578 : i32 to index
      %parallel_loop3A_581 = arith.index_cast %parallel_loop3A_258 : i32 to index
      %parallel_loop3A_582 = arith.index_cast %parallel_loop3A_576 : i32 to index
      %parallel_loop3A_583 = tpu.vector_load %arg7[%parallel_loop3A_579, %parallel_loop3A_580, %parallel_loop3A_581, %parallel_loop3A_582] {strides = array<i32>} : memref<2x3x24x224xf32, #tpu.memory_space<vmem>>, vector<1x1x1x16xf32>,
      %parallel_loop3A_584 = vector.shape_cast %parallel_loop3A_583 : vector<1x1x1x16xf32> to vector<16xf32>
      %parallel_loop3A_585 = arith.constant 48 : i32
      %parallel_loop3A_586 = arith.addi %parallel_loop3A_262, %parallel_loop3A_585 : i32
      %parallel_loop3A_587 = arith.constant 0 : i32
      %parallel_loop3A_588 = arith.constant 1 : i32
      %parallel_loop3A_589 = arith.index_cast %parallel_loop3A_587 : i32 to index
      %parallel_loop3A_590 = arith.index_cast %parallel_loop3A_588 : i32 to index
      %parallel_loop3A_591 = arith.index_cast %parallel_loop3A_258 : i32 to index
      %parallel_loop3A_592 = arith.index_cast %parallel_loop3A_586 : i32 to index
      %parallel_loop3A_593 = tpu.vector_load %arg8[%parallel_loop3A_589, %parallel_loop3A_590, %parallel_loop3A_591, %parallel_loop3A_592] {strides = array<i32>} : memref<2x3x24x224xf32, #tpu.memory_space<vmem>>, vector<1x1x1x16xf32>,
      %parallel_loop3A_594 = vector.shape_cast %parallel_loop3A_593 : vector<1x1x1x16xf32> to vector<16xf32>
      %parallel_loop3A_595 = arith.subf %parallel_loop3A_584, %parallel_loop3A_594 : vector<16xf32>
      %parallel_loop3A_596 = math.absf %parallel_loop3A_595 : vector<16xf32>
      %parallel_loop3A_597 = arith.addf %parallel_loop3A_574, %parallel_loop3A_596 : vector<16xf32>
      %parallel_loop3A_598 = arith.constant 48 : i32
      %parallel_loop3A_599 = arith.addi %parallel_loop3A_262, %parallel_loop3A_598 : i32
      %parallel_loop3A_600 = arith.constant 0 : i32
      %parallel_loop3A_601 = arith.constant 2 : i32
      %parallel_loop3A_602 = arith.index_cast %parallel_loop3A_600 : i32 to index
      %parallel_loop3A_603 = arith.index_cast %parallel_loop3A_601 : i32 to index
      %parallel_loop3A_604 = arith.index_cast %parallel_loop3A_258 : i32 to index
      %parallel_loop3A_605 = arith.index_cast %parallel_loop3A_599 : i32 to index
      %parallel_loop3A_606 = tpu.vector_load %arg7[%parallel_loop3A_602, %parallel_loop3A_603, %parallel_loop3A_604, %parallel_loop3A_605] {strides = array<i32>} : memref<2x3x24x224xf32, #tpu.memory_space<vmem>>, vector<1x1x1x16xf32>,
      %parallel_loop3A_607 = vector.shape_cast %parallel_loop3A_606 : vector<1x1x1x16xf32> to vector<16xf32>
      %parallel_loop3A_608 = arith.constant 48 : i32
      %parallel_loop3A_609 = arith.addi %parallel_loop3A_262, %parallel_loop3A_608 : i32
      %parallel_loop3A_610 = arith.constant 0 : i32
      %parallel_loop3A_611 = arith.constant 2 : i32
      %parallel_loop3A_612 = arith.index_cast %parallel_loop3A_610 : i32 to index
      %parallel_loop3A_613 = arith.index_cast %parallel_loop3A_611 : i32 to index
      %parallel_loop3A_614 = arith.index_cast %parallel_loop3A_258 : i32 to index
      %parallel_loop3A_615 = arith.index_cast %parallel_loop3A_609 : i32 to index
      %parallel_loop3A_616 = tpu.vector_load %arg8[%parallel_loop3A_612, %parallel_loop3A_613, %parallel_loop3A_614, %parallel_loop3A_615] {strides = array<i32>} : memref<2x3x24x224xf32, #tpu.memory_space<vmem>>, vector<1x1x1x16xf32>,
      %parallel_loop3A_617 = vector.shape_cast %parallel_loop3A_616 : vector<1x1x1x16xf32> to vector<16xf32>
      %parallel_loop3A_618 = arith.subf %parallel_loop3A_607, %parallel_loop3A_617 : vector<16xf32>
      %parallel_loop3A_619 = math.absf %parallel_loop3A_618 : vector<16xf32>
      %parallel_loop3A_620 = arith.addf %parallel_loop3A_597, %parallel_loop3A_619 : vector<16xf32>
      %parallel_loop3A_621 = arith.mulf %parallel_loop3A_620, %parallel_loop3A_548 : vector<16xf32>
      %parallel_loop3A_622 = arith.addf %parallel_loop3A_532, %parallel_loop3A_621 : vector<16xf32>
      %parallel_loop3A_623 = arith.constant 64 : i32
      %parallel_loop3A_624 = arith.addi %parallel_loop3A_262, %parallel_loop3A_623 : i32
      %parallel_loop3A_625 = arith.constant 0 : i32
      %parallel_loop3A_626 = arith.index_cast %parallel_loop3A_625 : i32 to index
      %parallel_loop3A_627 = arith.index_cast %parallel_loop3A_258 : i32 to index
      %parallel_loop3A_628 = arith.index_cast %parallel_loop3A_624 : i32 to index
      %parallel_loop3A_629 = tpu.vector_load %arg6[%parallel_loop3A_626, %parallel_loop3A_627, %parallel_loop3A_628] {strides = array<i32>} : memref<2x24x224xi32, #tpu.memory_space<vmem>>, vector<1x1x16xi32>,
      %parallel_loop3A_630 = vector.shape_cast %parallel_loop3A_629 : vector<1x1x16xi32> to vector<16xi32>
      %parallel_loop3A_631 = arith.constant 0 : i32
      %parallel_loop3A_632 = vector.broadcast %parallel_loop3A_631 : i32 to vector<16xi32>
      %parallel_loop3A_633 = arith.cmpi ne, %parallel_loop3A_630, %parallel_loop3A_632 : vector<16xi32>
      %parallel_loop3A_634 = arith.constant 1.000000e+00 : f32
      %parallel_loop3A_635 = arith.constant 0.000000e+00 : f32
      %parallel_loop3A_636 = vector.broadcast %parallel_loop3A_634 : f32 to vector<16xf32>
      %parallel_loop3A_637 = vector.broadcast %parallel_loop3A_635 : f32 to vector<16xf32>
      %parallel_loop3A_638 = arith.select %parallel_loop3A_633, %parallel_loop3A_636, %parallel_loop3A_637 : vector<16xi1>, vector<16xf32>
      %parallel_loop3A_639 = arith.addf %parallel_loop3A_549, %parallel_loop3A_638 : vector<16xf32>
      %parallel_loop3A_640 = arith.constant 0.000000e+00 : f32
      %parallel_loop3A_641 = vector.broadcast %parallel_loop3A_640 : f32 to vector<16xf32>
      %parallel_loop3A_642 = arith.constant 64 : i32
      %parallel_loop3A_643 = arith.addi %parallel_loop3A_262, %parallel_loop3A_642 : i32
      %parallel_loop3A_644 = arith.constant 0 : i32
      %parallel_loop3A_645 = arith.constant 0 : i32
      %parallel_loop3A_646 = arith.index_cast %parallel_loop3A_644 : i32 to index
      %parallel_loop3A_647 = arith.index_cast %parallel_loop3A_645 : i32 to index
      %parallel_loop3A_648 = arith.index_cast %parallel_loop3A_258 : i32 to index
      %parallel_loop3A_649 = arith.index_cast %parallel_loop3A_643 : i32 to index
      %parallel_loop3A_650 = tpu.vector_load %arg7[%parallel_loop3A_646, %parallel_loop3A_647, %parallel_loop3A_648, %parallel_loop3A_649] {strides = array<i32>} : memref<2x3x24x224xf32, #tpu.memory_space<vmem>>, vector<1x1x1x16xf32>,
      %parallel_loop3A_651 = vector.shape_cast %parallel_loop3A_650 : vector<1x1x1x16xf32> to vector<16xf32>
      %parallel_loop3A_652 = arith.constant 64 : i32
      %parallel_loop3A_653 = arith.addi %parallel_loop3A_262, %parallel_loop3A_652 : i32
      %parallel_loop3A_654 = arith.constant 0 : i32
      %parallel_loop3A_655 = arith.constant 0 : i32
      %parallel_loop3A_656 = arith.index_cast %parallel_loop3A_654 : i32 to index
      %parallel_loop3A_657 = arith.index_cast %parallel_loop3A_655 : i32 to index
      %parallel_loop3A_658 = arith.index_cast %parallel_loop3A_258 : i32 to index
      %parallel_loop3A_659 = arith.index_cast %parallel_loop3A_653 : i32 to index
      %parallel_loop3A_660 = tpu.vector_load %arg8[%parallel_loop3A_656, %parallel_loop3A_657, %parallel_loop3A_658, %parallel_loop3A_659] {strides = array<i32>} : memref<2x3x24x224xf32, #tpu.memory_space<vmem>>, vector<1x1x1x16xf32>,
      %parallel_loop3A_661 = vector.shape_cast %parallel_loop3A_660 : vector<1x1x1x16xf32> to vector<16xf32>
      %parallel_loop3A_662 = arith.subf %parallel_loop3A_651, %parallel_loop3A_661 : vector<16xf32>
      %parallel_loop3A_663 = math.absf %parallel_loop3A_662 : vector<16xf32>
      %parallel_loop3A_664 = arith.addf %parallel_loop3A_641, %parallel_loop3A_663 : vector<16xf32>
      %parallel_loop3A_665 = arith.constant 64 : i32
      %parallel_loop3A_666 = arith.addi %parallel_loop3A_262, %parallel_loop3A_665 : i32
      %parallel_loop3A_667 = arith.constant 0 : i32
      %parallel_loop3A_668 = arith.constant 1 : i32
      %parallel_loop3A_669 = arith.index_cast %parallel_loop3A_667 : i32 to index
      %parallel_loop3A_670 = arith.index_cast %parallel_loop3A_668 : i32 to index
      %parallel_loop3A_671 = arith.index_cast %parallel_loop3A_258 : i32 to index
      %parallel_loop3A_672 = arith.index_cast %parallel_loop3A_666 : i32 to index
      %parallel_loop3A_673 = tpu.vector_load %arg7[%parallel_loop3A_669, %parallel_loop3A_670, %parallel_loop3A_671, %parallel_loop3A_672] {strides = array<i32>} : memref<2x3x24x224xf32, #tpu.memory_space<vmem>>, vector<1x1x1x16xf32>,
      %parallel_loop3A_674 = vector.shape_cast %parallel_loop3A_673 : vector<1x1x1x16xf32> to vector<16xf32>
      %parallel_loop3A_675 = arith.constant 64 : i32
      %parallel_loop3A_676 = arith.addi %parallel_loop3A_262, %parallel_loop3A_675 : i32
      %parallel_loop3A_677 = arith.constant 0 : i32
      %parallel_loop3A_678 = arith.constant 1 : i32
      %parallel_loop3A_679 = arith.index_cast %parallel_loop3A_677 : i32 to index
      %parallel_loop3A_680 = arith.index_cast %parallel_loop3A_678 : i32 to index
      %parallel_loop3A_681 = arith.index_cast %parallel_loop3A_258 : i32 to index
      %parallel_loop3A_682 = arith.index_cast %parallel_loop3A_676 : i32 to index
      %parallel_loop3A_683 = tpu.vector_load %arg8[%parallel_loop3A_679, %parallel_loop3A_680, %parallel_loop3A_681, %parallel_loop3A_682] {strides = array<i32>} : memref<2x3x24x224xf32, #tpu.memory_space<vmem>>, vector<1x1x1x16xf32>,
      %parallel_loop3A_684 = vector.shape_cast %parallel_loop3A_683 : vector<1x1x1x16xf32> to vector<16xf32>
      %parallel_loop3A_685 = arith.subf %parallel_loop3A_674, %parallel_loop3A_684 : vector<16xf32>
      %parallel_loop3A_686 = math.absf %parallel_loop3A_685 : vector<16xf32>
      %parallel_loop3A_687 = arith.addf %parallel_loop3A_664, %parallel_loop3A_686 : vector<16xf32>
      %parallel_loop3A_688 = arith.constant 64 : i32
      %parallel_loop3A_689 = arith.addi %parallel_loop3A_262, %parallel_loop3A_688 : i32
      %parallel_loop3A_690 = arith.constant 0 : i32
      %parallel_loop3A_691 = arith.constant 2 : i32
      %parallel_loop3A_692 = arith.index_cast %parallel_loop3A_690 : i32 to index
      %parallel_loop3A_693 = arith.index_cast %parallel_loop3A_691 : i32 to index
      %parallel_loop3A_694 = arith.index_cast %parallel_loop3A_258 : i32 to index
      %parallel_loop3A_695 = arith.index_cast %parallel_loop3A_689 : i32 to index
      %parallel_loop3A_696 = tpu.vector_load %arg7[%parallel_loop3A_692, %parallel_loop3A_693, %parallel_loop3A_694, %parallel_loop3A_695] {strides = array<i32>} : memref<2x3x24x224xf32, #tpu.memory_space<vmem>>, vector<1x1x1x16xf32>,
      %parallel_loop3A_697 = vector.shape_cast %parallel_loop3A_696 : vector<1x1x1x16xf32> to vector<16xf32>
      %parallel_loop3A_698 = arith.constant 64 : i32
      %parallel_loop3A_699 = arith.addi %parallel_loop3A_262, %parallel_loop3A_698 : i32
      %parallel_loop3A_700 = arith.constant 0 : i32
      %parallel_loop3A_701 = arith.constant 2 : i32
      %parallel_loop3A_702 = arith.index_cast %parallel_loop3A_700 : i32 to index
      %parallel_loop3A_703 = arith.index_cast %parallel_loop3A_701 : i32 to index
      %parallel_loop3A_704 = arith.index_cast %parallel_loop3A_258 : i32 to index
      %parallel_loop3A_705 = arith.index_cast %parallel_loop3A_699 : i32 to index
      %parallel_loop3A_706 = tpu.vector_load %arg8[%parallel_loop3A_702, %parallel_loop3A_703, %parallel_loop3A_704, %parallel_loop3A_705] {strides = array<i32>} : memref<2x3x24x224xf32, #tpu.memory_space<vmem>>, vector<1x1x1x16xf32>,
      %parallel_loop3A_707 = vector.shape_cast %parallel_loop3A_706 : vector<1x1x1x16xf32> to vector<16xf32>
      %parallel_loop3A_708 = arith.subf %parallel_loop3A_697, %parallel_loop3A_707 : vector<16xf32>
      %parallel_loop3A_709 = math.absf %parallel_loop3A_708 : vector<16xf32>
      %parallel_loop3A_710 = arith.addf %parallel_loop3A_687, %parallel_loop3A_709 : vector<16xf32>
      %parallel_loop3A_711 = arith.mulf %parallel_loop3A_710, %parallel_loop3A_638 : vector<16xf32>
      %parallel_loop3A_712 = arith.addf %parallel_loop3A_622, %parallel_loop3A_711 : vector<16xf32>
      %parallel_loop3A_713 = arith.constant 80 : i32
      %parallel_loop3A_714 = arith.addi %parallel_loop3A_262, %parallel_loop3A_713 : i32
      %parallel_loop3A_715 = arith.constant 0 : i32
      %parallel_loop3A_716 = arith.index_cast %parallel_loop3A_715 : i32 to index
      %parallel_loop3A_717 = arith.index_cast %parallel_loop3A_258 : i32 to index
      %parallel_loop3A_718 = arith.index_cast %parallel_loop3A_714 : i32 to index
      %parallel_loop3A_719 = tpu.vector_load %arg6[%parallel_loop3A_716, %parallel_loop3A_717, %parallel_loop3A_718] {strides = array<i32>} : memref<2x24x224xi32, #tpu.memory_space<vmem>>, vector<1x1x16xi32>,
      %parallel_loop3A_720 = vector.shape_cast %parallel_loop3A_719 : vector<1x1x16xi32> to vector<16xi32>
      %parallel_loop3A_721 = arith.constant 0 : i32
      %parallel_loop3A_722 = vector.broadcast %parallel_loop3A_721 : i32 to vector<16xi32>
      %parallel_loop3A_723 = arith.cmpi ne, %parallel_loop3A_720, %parallel_loop3A_722 : vector<16xi32>
      %parallel_loop3A_724 = arith.constant 1.000000e+00 : f32
      %parallel_loop3A_725 = arith.constant 0.000000e+00 : f32
      %parallel_loop3A_726 = vector.broadcast %parallel_loop3A_724 : f32 to vector<16xf32>
      %parallel_loop3A_727 = vector.broadcast %parallel_loop3A_725 : f32 to vector<16xf32>
      %parallel_loop3A_728 = arith.select %parallel_loop3A_723, %parallel_loop3A_726, %parallel_loop3A_727 : vector<16xi1>, vector<16xf32>
      %parallel_loop3A_729 = arith.addf %parallel_loop3A_639, %parallel_loop3A_728 : vector<16xf32>
      %parallel_loop3A_730 = arith.constant 0.000000e+00 : f32
      %parallel_loop3A_731 = vector.broadcast %parallel_loop3A_730 : f32 to vector<16xf32>
      %parallel_loop3A_732 = arith.constant 80 : i32
      %parallel_loop3A_733 = arith.addi %parallel_loop3A_262, %parallel_loop3A_732 : i32
      %parallel_loop3A_734 = arith.constant 0 : i32
      %parallel_loop3A_735 = arith.constant 0 : i32
      %parallel_loop3A_736 = arith.index_cast %parallel_loop3A_734 : i32 to index
      %parallel_loop3A_737 = arith.index_cast %parallel_loop3A_735 : i32 to index
      %parallel_loop3A_738 = arith.index_cast %parallel_loop3A_258 : i32 to index
      %parallel_loop3A_739 = arith.index_cast %parallel_loop3A_733 : i32 to index
      %parallel_loop3A_740 = tpu.vector_load %arg7[%parallel_loop3A_736, %parallel_loop3A_737, %parallel_loop3A_738, %parallel_loop3A_739] {strides = array<i32>} : memref<2x3x24x224xf32, #tpu.memory_space<vmem>>, vector<1x1x1x16xf32>,
      %parallel_loop3A_741 = vector.shape_cast %parallel_loop3A_740 : vector<1x1x1x16xf32> to vector<16xf32>
      %parallel_loop3A_742 = arith.constant 80 : i32
      %parallel_loop3A_743 = arith.addi %parallel_loop3A_262, %parallel_loop3A_742 : i32
      %parallel_loop3A_744 = arith.constant 0 : i32
      %parallel_loop3A_745 = arith.constant 0 : i32
      %parallel_loop3A_746 = arith.index_cast %parallel_loop3A_744 : i32 to index
      %parallel_loop3A_747 = arith.index_cast %parallel_loop3A_745 : i32 to index
      %parallel_loop3A_748 = arith.index_cast %parallel_loop3A_258 : i32 to index
      %parallel_loop3A_749 = arith.index_cast %parallel_loop3A_743 : i32 to index
      %parallel_loop3A_750 = tpu.vector_load %arg8[%parallel_loop3A_746, %parallel_loop3A_747, %parallel_loop3A_748, %parallel_loop3A_749] {strides = array<i32>} : memref<2x3x24x224xf32, #tpu.memory_space<vmem>>, vector<1x1x1x16xf32>,
      %parallel_loop3A_751 = vector.shape_cast %parallel_loop3A_750 : vector<1x1x1x16xf32> to vector<16xf32>
      %parallel_loop3A_752 = arith.subf %parallel_loop3A_741, %parallel_loop3A_751 : vector<16xf32>
      %parallel_loop3A_753 = math.absf %parallel_loop3A_752 : vector<16xf32>
      %parallel_loop3A_754 = arith.addf %parallel_loop3A_731, %parallel_loop3A_753 : vector<16xf32>
      %parallel_loop3A_755 = arith.constant 80 : i32
      %parallel_loop3A_756 = arith.addi %parallel_loop3A_262, %parallel_loop3A_755 : i32
      %parallel_loop3A_757 = arith.constant 0 : i32
      %parallel_loop3A_758 = arith.constant 1 : i32
      %parallel_loop3A_759 = arith.index_cast %parallel_loop3A_757 : i32 to index
      %parallel_loop3A_760 = arith.index_cast %parallel_loop3A_758 : i32 to index
      %parallel_loop3A_761 = arith.index_cast %parallel_loop3A_258 : i32 to index
      %parallel_loop3A_762 = arith.index_cast %parallel_loop3A_756 : i32 to index
      %parallel_loop3A_763 = tpu.vector_load %arg7[%parallel_loop3A_759, %parallel_loop3A_760, %parallel_loop3A_761, %parallel_loop3A_762] {strides = array<i32>} : memref<2x3x24x224xf32, #tpu.memory_space<vmem>>, vector<1x1x1x16xf32>,
      %parallel_loop3A_764 = vector.shape_cast %parallel_loop3A_763 : vector<1x1x1x16xf32> to vector<16xf32>
      %parallel_loop3A_765 = arith.constant 80 : i32
      %parallel_loop3A_766 = arith.addi %parallel_loop3A_262, %parallel_loop3A_765 : i32
      %parallel_loop3A_767 = arith.constant 0 : i32
      %parallel_loop3A_768 = arith.constant 1 : i32
      %parallel_loop3A_769 = arith.index_cast %parallel_loop3A_767 : i32 to index
      %parallel_loop3A_770 = arith.index_cast %parallel_loop3A_768 : i32 to index
      %parallel_loop3A_771 = arith.index_cast %parallel_loop3A_258 : i32 to index
      %parallel_loop3A_772 = arith.index_cast %parallel_loop3A_766 : i32 to index
      %parallel_loop3A_773 = tpu.vector_load %arg8[%parallel_loop3A_769, %parallel_loop3A_770, %parallel_loop3A_771, %parallel_loop3A_772] {strides = array<i32>} : memref<2x3x24x224xf32, #tpu.memory_space<vmem>>, vector<1x1x1x16xf32>,
      %parallel_loop3A_774 = vector.shape_cast %parallel_loop3A_773 : vector<1x1x1x16xf32> to vector<16xf32>
      %parallel_loop3A_775 = arith.subf %parallel_loop3A_764, %parallel_loop3A_774 : vector<16xf32>
      %parallel_loop3A_776 = math.absf %parallel_loop3A_775 : vector<16xf32>
      %parallel_loop3A_777 = arith.addf %parallel_loop3A_754, %parallel_loop3A_776 : vector<16xf32>
      %parallel_loop3A_778 = arith.constant 80 : i32
      %parallel_loop3A_779 = arith.addi %parallel_loop3A_262, %parallel_loop3A_778 : i32
      %parallel_loop3A_780 = arith.constant 0 : i32
      %parallel_loop3A_781 = arith.constant 2 : i32
      %parallel_loop3A_782 = arith.index_cast %parallel_loop3A_780 : i32 to index
      %parallel_loop3A_783 = arith.index_cast %parallel_loop3A_781 : i32 to index
      %parallel_loop3A_784 = arith.index_cast %parallel_loop3A_258 : i32 to index
      %parallel_loop3A_785 = arith.index_cast %parallel_loop3A_779 : i32 to index
      %parallel_loop3A_786 = tpu.vector_load %arg7[%parallel_loop3A_782, %parallel_loop3A_783, %parallel_loop3A_784, %parallel_loop3A_785] {strides = array<i32>} : memref<2x3x24x224xf32, #tpu.memory_space<vmem>>, vector<1x1x1x16xf32>,
      %parallel_loop3A_787 = vector.shape_cast %parallel_loop3A_786 : vector<1x1x1x16xf32> to vector<16xf32>
      %parallel_loop3A_788 = arith.constant 80 : i32
      %parallel_loop3A_789 = arith.addi %parallel_loop3A_262, %parallel_loop3A_788 : i32
      %parallel_loop3A_790 = arith.constant 0 : i32
      %parallel_loop3A_791 = arith.constant 2 : i32
      %parallel_loop3A_792 = arith.index_cast %parallel_loop3A_790 : i32 to index
      %parallel_loop3A_793 = arith.index_cast %parallel_loop3A_791 : i32 to index
      %parallel_loop3A_794 = arith.index_cast %parallel_loop3A_258 : i32 to index
      %parallel_loop3A_795 = arith.index_cast %parallel_loop3A_789 : i32 to index
      %parallel_loop3A_796 = tpu.vector_load %arg8[%parallel_loop3A_792, %parallel_loop3A_793, %parallel_loop3A_794, %parallel_loop3A_795] {strides = array<i32>} : memref<2x3x24x224xf32, #tpu.memory_space<vmem>>, vector<1x1x1x16xf32>,
      %parallel_loop3A_797 = vector.shape_cast %parallel_loop3A_796 : vector<1x1x1x16xf32> to vector<16xf32>
      %parallel_loop3A_798 = arith.subf %parallel_loop3A_787, %parallel_loop3A_797 : vector<16xf32>
      %parallel_loop3A_799 = math.absf %parallel_loop3A_798 : vector<16xf32>
      %parallel_loop3A_800 = arith.addf %parallel_loop3A_777, %parallel_loop3A_799 : vector<16xf32>
      %parallel_loop3A_801 = arith.mulf %parallel_loop3A_800, %parallel_loop3A_728 : vector<16xf32>
      %parallel_loop3A_802 = arith.addf %parallel_loop3A_712, %parallel_loop3A_801 : vector<16xf32>
      %parallel_loop3A_803 = arith.constant 96 : i32
      %parallel_loop3A_804 = arith.addi %parallel_loop3A_262, %parallel_loop3A_803 : i32
      %parallel_loop3A_805 = arith.constant 0 : i32
      %parallel_loop3A_806 = arith.index_cast %parallel_loop3A_805 : i32 to index
      %parallel_loop3A_807 = arith.index_cast %parallel_loop3A_258 : i32 to index
      %parallel_loop3A_808 = arith.index_cast %parallel_loop3A_804 : i32 to index
      %parallel_loop3A_809 = tpu.vector_load %arg6[%parallel_loop3A_806, %parallel_loop3A_807, %parallel_loop3A_808] {strides = array<i32>} : memref<2x24x224xi32, #tpu.memory_space<vmem>>, vector<1x1x16xi32>,
      %parallel_loop3A_810 = vector.shape_cast %parallel_loop3A_809 : vector<1x1x16xi32> to vector<16xi32>
      %parallel_loop3A_811 = arith.constant 0 : i32
      %parallel_loop3A_812 = vector.broadcast %parallel_loop3A_811 : i32 to vector<16xi32>
      %parallel_loop3A_813 = arith.cmpi ne, %parallel_loop3A_810, %parallel_loop3A_812 : vector<16xi32>
      %parallel_loop3A_814 = arith.constant 1.000000e+00 : f32
      %parallel_loop3A_815 = arith.constant 0.000000e+00 : f32
      %parallel_loop3A_816 = vector.broadcast %parallel_loop3A_814 : f32 to vector<16xf32>
      %parallel_loop3A_817 = vector.broadcast %parallel_loop3A_815 : f32 to vector<16xf32>
      %parallel_loop3A_818 = arith.select %parallel_loop3A_813, %parallel_loop3A_816, %parallel_loop3A_817 : vector<16xi1>, vector<16xf32>
      %parallel_loop3A_819 = arith.addf %parallel_loop3A_729, %parallel_loop3A_818 : vector<16xf32>
      %parallel_loop3A_820 = arith.constant 0.000000e+00 : f32
      %parallel_loop3A_821 = vector.broadcast %parallel_loop3A_820 : f32 to vector<16xf32>
      %parallel_loop3A_822 = arith.constant 96 : i32
      %parallel_loop3A_823 = arith.addi %parallel_loop3A_262, %parallel_loop3A_822 : i32
      %parallel_loop3A_824 = arith.constant 0 : i32
      %parallel_loop3A_825 = arith.constant 0 : i32
      %parallel_loop3A_826 = arith.index_cast %parallel_loop3A_824 : i32 to index
      %parallel_loop3A_827 = arith.index_cast %parallel_loop3A_825 : i32 to index
      %parallel_loop3A_828 = arith.index_cast %parallel_loop3A_258 : i32 to index
      %parallel_loop3A_829 = arith.index_cast %parallel_loop3A_823 : i32 to index
      %parallel_loop3A_830 = tpu.vector_load %arg7[%parallel_loop3A_826, %parallel_loop3A_827, %parallel_loop3A_828, %parallel_loop3A_829] {strides = array<i32>} : memref<2x3x24x224xf32, #tpu.memory_space<vmem>>, vector<1x1x1x16xf32>,
      %parallel_loop3A_831 = vector.shape_cast %parallel_loop3A_830 : vector<1x1x1x16xf32> to vector<16xf32>
      %parallel_loop3A_832 = arith.constant 96 : i32
      %parallel_loop3A_833 = arith.addi %parallel_loop3A_262, %parallel_loop3A_832 : i32
      %parallel_loop3A_834 = arith.constant 0 : i32
      %parallel_loop3A_835 = arith.constant 0 : i32
      %parallel_loop3A_836 = arith.index_cast %parallel_loop3A_834 : i32 to index
      %parallel_loop3A_837 = arith.index_cast %parallel_loop3A_835 : i32 to index
      %parallel_loop3A_838 = arith.index_cast %parallel_loop3A_258 : i32 to index
      %parallel_loop3A_839 = arith.index_cast %parallel_loop3A_833 : i32 to index
      %parallel_loop3A_840 = tpu.vector_load %arg8[%parallel_loop3A_836, %parallel_loop3A_837, %parallel_loop3A_838, %parallel_loop3A_839] {strides = array<i32>} : memref<2x3x24x224xf32, #tpu.memory_space<vmem>>, vector<1x1x1x16xf32>,
      %parallel_loop3A_841 = vector.shape_cast %parallel_loop3A_840 : vector<1x1x1x16xf32> to vector<16xf32>
      %parallel_loop3A_842 = arith.subf %parallel_loop3A_831, %parallel_loop3A_841 : vector<16xf32>
      %parallel_loop3A_843 = math.absf %parallel_loop3A_842 : vector<16xf32>
      %parallel_loop3A_844 = arith.addf %parallel_loop3A_821, %parallel_loop3A_843 : vector<16xf32>
      %parallel_loop3A_845 = arith.constant 96 : i32
      %parallel_loop3A_846 = arith.addi %parallel_loop3A_262, %parallel_loop3A_845 : i32
      %parallel_loop3A_847 = arith.constant 0 : i32
      %parallel_loop3A_848 = arith.constant 1 : i32
      %parallel_loop3A_849 = arith.index_cast %parallel_loop3A_847 : i32 to index
      %parallel_loop3A_850 = arith.index_cast %parallel_loop3A_848 : i32 to index
      %parallel_loop3A_851 = arith.index_cast %parallel_loop3A_258 : i32 to index
      %parallel_loop3A_852 = arith.index_cast %parallel_loop3A_846 : i32 to index
      %parallel_loop3A_853 = tpu.vector_load %arg7[%parallel_loop3A_849, %parallel_loop3A_850, %parallel_loop3A_851, %parallel_loop3A_852] {strides = array<i32>} : memref<2x3x24x224xf32, #tpu.memory_space<vmem>>, vector<1x1x1x16xf32>,
      %parallel_loop3A_854 = vector.shape_cast %parallel_loop3A_853 : vector<1x1x1x16xf32> to vector<16xf32>
      %parallel_loop3A_855 = arith.constant 96 : i32
      %parallel_loop3A_856 = arith.addi %parallel_loop3A_262, %parallel_loop3A_855 : i32
      %parallel_loop3A_857 = arith.constant 0 : i32
      %parallel_loop3A_858 = arith.constant 1 : i32
      %parallel_loop3A_859 = arith.index_cast %parallel_loop3A_857 : i32 to index
      %parallel_loop3A_860 = arith.index_cast %parallel_loop3A_858 : i32 to index
      %parallel_loop3A_861 = arith.index_cast %parallel_loop3A_258 : i32 to index
      %parallel_loop3A_862 = arith.index_cast %parallel_loop3A_856 : i32 to index
      %parallel_loop3A_863 = tpu.vector_load %arg8[%parallel_loop3A_859, %parallel_loop3A_860, %parallel_loop3A_861, %parallel_loop3A_862] {strides = array<i32>} : memref<2x3x24x224xf32, #tpu.memory_space<vmem>>, vector<1x1x1x16xf32>,
      %parallel_loop3A_864 = vector.shape_cast %parallel_loop3A_863 : vector<1x1x1x16xf32> to vector<16xf32>
      %parallel_loop3A_865 = arith.subf %parallel_loop3A_854, %parallel_loop3A_864 : vector<16xf32>
      %parallel_loop3A_866 = math.absf %parallel_loop3A_865 : vector<16xf32>
      %parallel_loop3A_867 = arith.addf %parallel_loop3A_844, %parallel_loop3A_866 : vector<16xf32>
      %parallel_loop3A_868 = arith.constant 96 : i32
      %parallel_loop3A_869 = arith.addi %parallel_loop3A_262, %parallel_loop3A_868 : i32
      %parallel_loop3A_870 = arith.constant 0 : i32
      %parallel_loop3A_871 = arith.constant 2 : i32
      %parallel_loop3A_872 = arith.index_cast %parallel_loop3A_870 : i32 to index
      %parallel_loop3A_873 = arith.index_cast %parallel_loop3A_871 : i32 to index
      %parallel_loop3A_874 = arith.index_cast %parallel_loop3A_258 : i32 to index
      %parallel_loop3A_875 = arith.index_cast %parallel_loop3A_869 : i32 to index
      %parallel_loop3A_876 = tpu.vector_load %arg7[%parallel_loop3A_872, %parallel_loop3A_873, %parallel_loop3A_874, %parallel_loop3A_875] {strides = array<i32>} : memref<2x3x24x224xf32, #tpu.memory_space<vmem>>, vector<1x1x1x16xf32>,
      %parallel_loop3A_877 = vector.shape_cast %parallel_loop3A_876 : vector<1x1x1x16xf32> to vector<16xf32>
      %parallel_loop3A_878 = arith.constant 96 : i32
      %parallel_loop3A_879 = arith.addi %parallel_loop3A_262, %parallel_loop3A_878 : i32
      %parallel_loop3A_880 = arith.constant 0 : i32
      %parallel_loop3A_881 = arith.constant 2 : i32
      %parallel_loop3A_882 = arith.index_cast %parallel_loop3A_880 : i32 to index
      %parallel_loop3A_883 = arith.index_cast %parallel_loop3A_881 : i32 to index
      %parallel_loop3A_884 = arith.index_cast %parallel_loop3A_258 : i32 to index
      %parallel_loop3A_885 = arith.index_cast %parallel_loop3A_879 : i32 to index
      %parallel_loop3A_886 = tpu.vector_load %arg8[%parallel_loop3A_882, %parallel_loop3A_883, %parallel_loop3A_884, %parallel_loop3A_885] {strides = array<i32>} : memref<2x3x24x224xf32, #tpu.memory_space<vmem>>, vector<1x1x1x16xf32>,
      %parallel_loop3A_887 = vector.shape_cast %parallel_loop3A_886 : vector<1x1x1x16xf32> to vector<16xf32>
      %parallel_loop3A_888 = arith.subf %parallel_loop3A_877, %parallel_loop3A_887 : vector<16xf32>
      %parallel_loop3A_889 = math.absf %parallel_loop3A_888 : vector<16xf32>
      %parallel_loop3A_890 = arith.addf %parallel_loop3A_867, %parallel_loop3A_889 : vector<16xf32>
      %parallel_loop3A_891 = arith.mulf %parallel_loop3A_890, %parallel_loop3A_818 : vector<16xf32>
      %parallel_loop3A_892 = arith.addf %parallel_loop3A_802, %parallel_loop3A_891 : vector<16xf32>
      scf.yield %parallel_loop3A_892, %parallel_loop3A_819 : vector<16xf32>, vector<16xf32>
    } {sc.loop_unroll_factor = 2 : i64, sc.parallel_access}
    %dma_wait3A_182 = arith.constant 1 : i32
    %dma_wait3A_183 = arith.constant 0 : i32
    %dma_wait3A_184 = arith.constant 0 : i32
    %dma_wait3A_185 = tpu.memref_slice %arg6[%dma_wait3A_182, %dma_wait3A_183, %dma_wait3A_184] : memref<2x24x224xi32, #tpu.memory_space<vmem>> -> memref<1x24x224xi32, #tpu.memory_space<vmem>>
    %dma_wait3A_186 = tpu.memref_squeeze %dma_wait3A_185 : memref<1x24x224xi32, #tpu.memory_space<vmem>> -> memref<24x224xi32, #tpu.memory_space<vmem>>
    %dma_wait3A_187 = arith.constant 200 : i32
    %dma_wait3A_188 = arith.constant 0 : i32
    %dma_wait3A_189 = tpu.memref_slice %arg4[%add3A, %dma_wait3A_187, %dma_wait3A_188] : memref<32x224x224xi32, #tpu.memory_space<hbm>> -> memref<1x24x224xi32, #tpu.memory_space<hbm>>
    %dma_wait3A_190 = tpu.memref_squeeze %dma_wait3A_189 : memref<1x24x224xi32, #tpu.memory_space<hbm>> -> memref<24x224xi32, #tpu.memory_space<hbm>>
    %dma_wait3A_191 = arith.constant 0 : i32
    %dma_wait3A_192 = arith.constant 0 : i32
    %dma_wait3A_193 = tpu.memref_slice %arg6[%dma_wait3A_182, %dma_wait3A_191, %dma_wait3A_192] : memref<2x24x224xi32, #tpu.memory_space<vmem>> -> memref<1x24x224xi32, #tpu.memory_space<vmem>>
    %dma_wait3A_194 = tpu.memref_squeeze %dma_wait3A_193 : memref<1x24x224xi32, #tpu.memory_space<vmem>> -> memref<24x224xi32, #tpu.memory_space<vmem>>
    %dma_wait3A_195 = arith.constant 200 : i32
    %dma_wait3A_196 = arith.constant 0 : i32
    %dma_wait3A_197 = tpu.memref_slice %arg4[%add3A, %dma_wait3A_195, %dma_wait3A_196] : memref<32x224x224xi32, #tpu.memory_space<hbm>> -> memref<1x24x224xi32, #tpu.memory_space<hbm>>
    %dma_wait3A_198 = tpu.memref_squeeze %dma_wait3A_197 : memref<1x24x224xi32, #tpu.memory_space<hbm>> -> memref<24x224xi32, #tpu.memory_space<hbm>>
    tpu.wait_dma2 semaphore(%arg13 : memref<!tpu.dma_semaphore, #tpu.memory_space<semaphore_mem>>) src(%dma_wait3A_198 : memref<24x224xi32, #tpu.memory_space<hbm>>) dst(%dma_wait3A_194 : memref<24x224xi32, #tpu.memory_space<vmem>>)
    %dma_wait3A_199 = arith.constant 1 : i32
    %dma_wait3A_200 = arith.constant 0 : i32
    %dma_wait3A_201 = arith.constant 0 : i32
    %dma_wait3A_202 = arith.constant 0 : i32
    %dma_wait3A_203 = tpu.memref_slice %arg7[%dma_wait3A_199, %dma_wait3A_200, %dma_wait3A_201, %dma_wait3A_202] : memref<2x3x24x224xf32, #tpu.memory_space<vmem>> -> memref<1x3x24x224xf32, #tpu.memory_space<vmem>>
    %dma_wait3A_204 = tpu.memref_squeeze %dma_wait3A_203 : memref<1x3x24x224xf32, #tpu.memory_space<vmem>> -> memref<3x24x224xf32, #tpu.memory_space<vmem>>
    %dma_wait3A_205 = arith.constant 0 : i32
    %dma_wait3A_206 = arith.constant 200 : i32
    %dma_wait3A_207 = arith.constant 0 : i32
    %dma_wait3A_208 = tpu.memref_slice %arg2[%add3A, %dma_wait3A_205, %dma_wait3A_206, %dma_wait3A_207] : memref<32x3x224x224xf32, #tpu.memory_space<hbm>> -> memref<1x3x24x224xf32, #tpu.memory_space<hbm>>
    %dma_wait3A_209 = tpu.memref_squeeze %dma_wait3A_208 : memref<1x3x24x224xf32, #tpu.memory_space<hbm>> -> memref<3x24x224xf32, #tpu.memory_space<hbm>>
    %dma_wait3A_210 = arith.constant 0 : i32
    %dma_wait3A_211 = arith.constant 0 : i32
    %dma_wait3A_212 = arith.constant 0 : i32
    %dma_wait3A_213 = tpu.memref_slice %arg7[%dma_wait3A_199, %dma_wait3A_210, %dma_wait3A_211, %dma_wait3A_212] : memref<2x3x24x224xf32, #tpu.memory_space<vmem>> -> memref<1x3x24x224xf32, #tpu.memory_space<vmem>>
    %dma_wait3A_214 = tpu.memref_squeeze %dma_wait3A_213 : memref<1x3x24x224xf32, #tpu.memory_space<vmem>> -> memref<3x24x224xf32, #tpu.memory_space<vmem>>
    %dma_wait3A_215 = arith.constant 0 : i32
    %dma_wait3A_216 = arith.constant 200 : i32
    %dma_wait3A_217 = arith.constant 0 : i32
    %dma_wait3A_218 = tpu.memref_slice %arg2[%add3A, %dma_wait3A_215, %dma_wait3A_216, %dma_wait3A_217] : memref<32x3x224x224xf32, #tpu.memory_space<hbm>> -> memref<1x3x24x224xf32, #tpu.memory_space<hbm>>
    %dma_wait3A_219 = tpu.memref_squeeze %dma_wait3A_218 : memref<1x3x24x224xf32, #tpu.memory_space<hbm>> -> memref<3x24x224xf32, #tpu.memory_space<hbm>>
    tpu.wait_dma2 semaphore(%arg14 : memref<!tpu.dma_semaphore, #tpu.memory_space<semaphore_mem>>) src(%dma_wait3A_219 : memref<3x24x224xf32, #tpu.memory_space<hbm>>) dst(%dma_wait3A_214 : memref<3x24x224xf32, #tpu.memory_space<vmem>>)
    %dma_wait3A_220 = arith.constant 1 : i32
    %dma_wait3A_221 = arith.constant 0 : i32
    %dma_wait3A_222 = arith.constant 0 : i32
    %dma_wait3A_223 = arith.constant 0 : i32
    %dma_wait3A_224 = tpu.memref_slice %arg8[%dma_wait3A_220, %dma_wait3A_221, %dma_wait3A_222, %dma_wait3A_223] : memref<2x3x24x224xf32, #tpu.memory_space<vmem>> -> memref<1x3x24x224xf32, #tpu.memory_space<vmem>>
    %dma_wait3A_225 = tpu.memref_squeeze %dma_wait3A_224 : memref<1x3x24x224xf32, #tpu.memory_space<vmem>> -> memref<3x24x224xf32, #tpu.memory_space<vmem>>
    %dma_wait3A_226 = arith.constant 0 : i32
    %dma_wait3A_227 = arith.constant 200 : i32
    %dma_wait3A_228 = arith.constant 0 : i32
    %dma_wait3A_229 = tpu.memref_slice %arg3[%add3A, %dma_wait3A_226, %dma_wait3A_227, %dma_wait3A_228] : memref<32x3x224x224xf32, #tpu.memory_space<hbm>> -> memref<1x3x24x224xf32, #tpu.memory_space<hbm>>
    %dma_wait3A_230 = tpu.memref_squeeze %dma_wait3A_229 : memref<1x3x24x224xf32, #tpu.memory_space<hbm>> -> memref<3x24x224xf32, #tpu.memory_space<hbm>>
    %dma_wait3A_231 = arith.constant 0 : i32
    %dma_wait3A_232 = arith.constant 0 : i32
    %dma_wait3A_233 = arith.constant 0 : i32
    %dma_wait3A_234 = tpu.memref_slice %arg8[%dma_wait3A_220, %dma_wait3A_231, %dma_wait3A_232, %dma_wait3A_233] : memref<2x3x24x224xf32, #tpu.memory_space<vmem>> -> memref<1x3x24x224xf32, #tpu.memory_space<vmem>>
    %dma_wait3A_235 = tpu.memref_squeeze %dma_wait3A_234 : memref<1x3x24x224xf32, #tpu.memory_space<vmem>> -> memref<3x24x224xf32, #tpu.memory_space<vmem>>
    %dma_wait3A_236 = arith.constant 0 : i32
    %dma_wait3A_237 = arith.constant 200 : i32
    %dma_wait3A_238 = arith.constant 0 : i32
    %dma_wait3A_239 = tpu.memref_slice %arg3[%add3A, %dma_wait3A_236, %dma_wait3A_237, %dma_wait3A_238] : memref<32x3x224x224xf32, #tpu.memory_space<hbm>> -> memref<1x3x24x224xf32, #tpu.memory_space<hbm>>
    %dma_wait3A_240 = tpu.memref_squeeze %dma_wait3A_239 : memref<1x3x24x224xf32, #tpu.memory_space<hbm>> -> memref<3x24x224xf32, #tpu.memory_space<hbm>>
    tpu.wait_dma2 semaphore(%arg15 : memref<!tpu.dma_semaphore, #tpu.memory_space<semaphore_mem>>) src(%dma_wait3A_240 : memref<3x24x224xf32, #tpu.memory_space<hbm>>) dst(%dma_wait3A_235 : memref<3x24x224xf32, #tpu.memory_space<vmem>>)
    %parallel_loop3A_241 = arith.constant 0 : i32
    %parallel_loop3A_242 = arith.constant 48 : i32
    %parallel_loop3A_243 = arith.constant 1 : i32
    %parallel_loop3A_244:2 = scf.for %parallel_loop3A_254 = %parallel_loop3A_241 to %parallel_loop3A_242 step %parallel_loop3A_243 iter_args(%parallel_loop3A_255 = %parallel_loop3A_181#0, %parallel_loop3A_256 = %parallel_loop3A_181#1) -> (vector<16xf32>, vector<16xf32>)  : i32 {
      %parallel_loop3A_257 = arith.constant 1 : i32
      %parallel_loop3A_258 = arith.shrui %parallel_loop3A_254, %parallel_loop3A_257 : i32
      %parallel_loop3A_259 = arith.constant 1 : i32
      %parallel_loop3A_260 = arith.andi %parallel_loop3A_254, %parallel_loop3A_259 : i32
      %parallel_loop3A_261 = arith.constant 112 : i32
      %parallel_loop3A_262 = arith.muli %parallel_loop3A_260, %parallel_loop3A_261 : i32
      %parallel_loop3A_263 = arith.constant 0 : i32
      %parallel_loop3A_264 = arith.addi %parallel_loop3A_262, %parallel_loop3A_263 : i32
      %parallel_loop3A_265 = arith.constant 1 : i32
      %parallel_loop3A_266 = arith.index_cast %parallel_loop3A_265 : i32 to index
      %parallel_loop3A_267 = arith.index_cast %parallel_loop3A_258 : i32 to index
      %parallel_loop3A_268 = arith.index_cast %parallel_loop3A_264 : i32 to index
      %parallel_loop3A_269 = tpu.vector_load %arg6[%parallel_loop3A_266, %parallel_loop3A_267, %parallel_loop3A_268] {strides = array<i32>} : memref<2x24x224xi32, #tpu.memory_space<vmem>>, vector<1x1x16xi32>,
      %parallel_loop3A_270 = vector.shape_cast %parallel_loop3A_269 : vector<1x1x16xi32> to vector<16xi32>
      %parallel_loop3A_271 = arith.constant 0 : i32
      %parallel_loop3A_272 = vector.broadcast %parallel_loop3A_271 : i32 to vector<16xi32>
      %parallel_loop3A_273 = arith.cmpi ne, %parallel_loop3A_270, %parallel_loop3A_272 : vector<16xi32>
      %parallel_loop3A_274 = arith.constant 1.000000e+00 : f32
      %parallel_loop3A_275 = arith.constant 0.000000e+00 : f32
      %parallel_loop3A_276 = vector.broadcast %parallel_loop3A_274 : f32 to vector<16xf32>
      %parallel_loop3A_277 = vector.broadcast %parallel_loop3A_275 : f32 to vector<16xf32>
      %parallel_loop3A_278 = arith.select %parallel_loop3A_273, %parallel_loop3A_276, %parallel_loop3A_277 : vector<16xi1>, vector<16xf32>
      %parallel_loop3A_279 = arith.addf %parallel_loop3A_256, %parallel_loop3A_278 : vector<16xf32>
      %parallel_loop3A_280 = arith.constant 0.000000e+00 : f32
      %parallel_loop3A_281 = vector.broadcast %parallel_loop3A_280 : f32 to vector<16xf32>
      %parallel_loop3A_282 = arith.constant 0 : i32
      %parallel_loop3A_283 = arith.addi %parallel_loop3A_262, %parallel_loop3A_282 : i32
      %parallel_loop3A_284 = arith.constant 1 : i32
      %parallel_loop3A_285 = arith.constant 0 : i32
      %parallel_loop3A_286 = arith.index_cast %parallel_loop3A_284 : i32 to index
      %parallel_loop3A_287 = arith.index_cast %parallel_loop3A_285 : i32 to index
      %parallel_loop3A_288 = arith.index_cast %parallel_loop3A_258 : i32 to index
      %parallel_loop3A_289 = arith.index_cast %parallel_loop3A_283 : i32 to index
      %parallel_loop3A_290 = tpu.vector_load %arg7[%parallel_loop3A_286, %parallel_loop3A_287, %parallel_loop3A_288, %parallel_loop3A_289] {strides = array<i32>} : memref<2x3x24x224xf32, #tpu.memory_space<vmem>>, vector<1x1x1x16xf32>,
      %parallel_loop3A_291 = vector.shape_cast %parallel_loop3A_290 : vector<1x1x1x16xf32> to vector<16xf32>
      %parallel_loop3A_292 = arith.constant 0 : i32
      %parallel_loop3A_293 = arith.addi %parallel_loop3A_262, %parallel_loop3A_292 : i32
      %parallel_loop3A_294 = arith.constant 1 : i32
      %parallel_loop3A_295 = arith.constant 0 : i32
      %parallel_loop3A_296 = arith.index_cast %parallel_loop3A_294 : i32 to index
      %parallel_loop3A_297 = arith.index_cast %parallel_loop3A_295 : i32 to index
      %parallel_loop3A_298 = arith.index_cast %parallel_loop3A_258 : i32 to index
      %parallel_loop3A_299 = arith.index_cast %parallel_loop3A_293 : i32 to index
      %parallel_loop3A_300 = tpu.vector_load %arg8[%parallel_loop3A_296, %parallel_loop3A_297, %parallel_loop3A_298, %parallel_loop3A_299] {strides = array<i32>} : memref<2x3x24x224xf32, #tpu.memory_space<vmem>>, vector<1x1x1x16xf32>,
      %parallel_loop3A_301 = vector.shape_cast %parallel_loop3A_300 : vector<1x1x1x16xf32> to vector<16xf32>
      %parallel_loop3A_302 = arith.subf %parallel_loop3A_291, %parallel_loop3A_301 : vector<16xf32>
      %parallel_loop3A_303 = math.absf %parallel_loop3A_302 : vector<16xf32>
      %parallel_loop3A_304 = arith.addf %parallel_loop3A_281, %parallel_loop3A_303 : vector<16xf32>
      %parallel_loop3A_305 = arith.constant 0 : i32
      %parallel_loop3A_306 = arith.addi %parallel_loop3A_262, %parallel_loop3A_305 : i32
      %parallel_loop3A_307 = arith.constant 1 : i32
      %parallel_loop3A_308 = arith.constant 1 : i32
      %parallel_loop3A_309 = arith.index_cast %parallel_loop3A_307 : i32 to index
      %parallel_loop3A_310 = arith.index_cast %parallel_loop3A_308 : i32 to index
      %parallel_loop3A_311 = arith.index_cast %parallel_loop3A_258 : i32 to index
      %parallel_loop3A_312 = arith.index_cast %parallel_loop3A_306 : i32 to index
      %parallel_loop3A_313 = tpu.vector_load %arg7[%parallel_loop3A_309, %parallel_loop3A_310, %parallel_loop3A_311, %parallel_loop3A_312] {strides = array<i32>} : memref<2x3x24x224xf32, #tpu.memory_space<vmem>>, vector<1x1x1x16xf32>,
      %parallel_loop3A_314 = vector.shape_cast %parallel_loop3A_313 : vector<1x1x1x16xf32> to vector<16xf32>
      %parallel_loop3A_315 = arith.constant 0 : i32
      %parallel_loop3A_316 = arith.addi %parallel_loop3A_262, %parallel_loop3A_315 : i32
      %parallel_loop3A_317 = arith.constant 1 : i32
      %parallel_loop3A_318 = arith.constant 1 : i32
      %parallel_loop3A_319 = arith.index_cast %parallel_loop3A_317 : i32 to index
      %parallel_loop3A_320 = arith.index_cast %parallel_loop3A_318 : i32 to index
      %parallel_loop3A_321 = arith.index_cast %parallel_loop3A_258 : i32 to index
      %parallel_loop3A_322 = arith.index_cast %parallel_loop3A_316 : i32 to index
      %parallel_loop3A_323 = tpu.vector_load %arg8[%parallel_loop3A_319, %parallel_loop3A_320, %parallel_loop3A_321, %parallel_loop3A_322] {strides = array<i32>} : memref<2x3x24x224xf32, #tpu.memory_space<vmem>>, vector<1x1x1x16xf32>,
      %parallel_loop3A_324 = vector.shape_cast %parallel_loop3A_323 : vector<1x1x1x16xf32> to vector<16xf32>
      %parallel_loop3A_325 = arith.subf %parallel_loop3A_314, %parallel_loop3A_324 : vector<16xf32>
      %parallel_loop3A_326 = math.absf %parallel_loop3A_325 : vector<16xf32>
      %parallel_loop3A_327 = arith.addf %parallel_loop3A_304, %parallel_loop3A_326 : vector<16xf32>
      %parallel_loop3A_328 = arith.constant 0 : i32
      %parallel_loop3A_329 = arith.addi %parallel_loop3A_262, %parallel_loop3A_328 : i32
      %parallel_loop3A_330 = arith.constant 1 : i32
      %parallel_loop3A_331 = arith.constant 2 : i32
      %parallel_loop3A_332 = arith.index_cast %parallel_loop3A_330 : i32 to index
      %parallel_loop3A_333 = arith.index_cast %parallel_loop3A_331 : i32 to index
      %parallel_loop3A_334 = arith.index_cast %parallel_loop3A_258 : i32 to index
      %parallel_loop3A_335 = arith.index_cast %parallel_loop3A_329 : i32 to index
      %parallel_loop3A_336 = tpu.vector_load %arg7[%parallel_loop3A_332, %parallel_loop3A_333, %parallel_loop3A_334, %parallel_loop3A_335] {strides = array<i32>} : memref<2x3x24x224xf32, #tpu.memory_space<vmem>>, vector<1x1x1x16xf32>,
      %parallel_loop3A_337 = vector.shape_cast %parallel_loop3A_336 : vector<1x1x1x16xf32> to vector<16xf32>
      %parallel_loop3A_338 = arith.constant 0 : i32
      %parallel_loop3A_339 = arith.addi %parallel_loop3A_262, %parallel_loop3A_338 : i32
      %parallel_loop3A_340 = arith.constant 1 : i32
      %parallel_loop3A_341 = arith.constant 2 : i32
      %parallel_loop3A_342 = arith.index_cast %parallel_loop3A_340 : i32 to index
      %parallel_loop3A_343 = arith.index_cast %parallel_loop3A_341 : i32 to index
      %parallel_loop3A_344 = arith.index_cast %parallel_loop3A_258 : i32 to index
      %parallel_loop3A_345 = arith.index_cast %parallel_loop3A_339 : i32 to index
      %parallel_loop3A_346 = tpu.vector_load %arg8[%parallel_loop3A_342, %parallel_loop3A_343, %parallel_loop3A_344, %parallel_loop3A_345] {strides = array<i32>} : memref<2x3x24x224xf32, #tpu.memory_space<vmem>>, vector<1x1x1x16xf32>,
      %parallel_loop3A_347 = vector.shape_cast %parallel_loop3A_346 : vector<1x1x1x16xf32> to vector<16xf32>
      %parallel_loop3A_348 = arith.subf %parallel_loop3A_337, %parallel_loop3A_347 : vector<16xf32>
      %parallel_loop3A_349 = math.absf %parallel_loop3A_348 : vector<16xf32>
      %parallel_loop3A_350 = arith.addf %parallel_loop3A_327, %parallel_loop3A_349 : vector<16xf32>
      %parallel_loop3A_351 = arith.mulf %parallel_loop3A_350, %parallel_loop3A_278 : vector<16xf32>
      %parallel_loop3A_352 = arith.addf %parallel_loop3A_255, %parallel_loop3A_351 : vector<16xf32>
      %parallel_loop3A_353 = arith.constant 16 : i32
      %parallel_loop3A_354 = arith.addi %parallel_loop3A_262, %parallel_loop3A_353 : i32
      %parallel_loop3A_355 = arith.constant 1 : i32
      %parallel_loop3A_356 = arith.index_cast %parallel_loop3A_355 : i32 to index
      %parallel_loop3A_357 = arith.index_cast %parallel_loop3A_258 : i32 to index
      %parallel_loop3A_358 = arith.index_cast %parallel_loop3A_354 : i32 to index
      %parallel_loop3A_359 = tpu.vector_load %arg6[%parallel_loop3A_356, %parallel_loop3A_357, %parallel_loop3A_358] {strides = array<i32>} : memref<2x24x224xi32, #tpu.memory_space<vmem>>, vector<1x1x16xi32>,
      %parallel_loop3A_360 = vector.shape_cast %parallel_loop3A_359 : vector<1x1x16xi32> to vector<16xi32>
      %parallel_loop3A_361 = arith.constant 0 : i32
      %parallel_loop3A_362 = vector.broadcast %parallel_loop3A_361 : i32 to vector<16xi32>
      %parallel_loop3A_363 = arith.cmpi ne, %parallel_loop3A_360, %parallel_loop3A_362 : vector<16xi32>
      %parallel_loop3A_364 = arith.constant 1.000000e+00 : f32
      %parallel_loop3A_365 = arith.constant 0.000000e+00 : f32
      %parallel_loop3A_366 = vector.broadcast %parallel_loop3A_364 : f32 to vector<16xf32>
      %parallel_loop3A_367 = vector.broadcast %parallel_loop3A_365 : f32 to vector<16xf32>
      %parallel_loop3A_368 = arith.select %parallel_loop3A_363, %parallel_loop3A_366, %parallel_loop3A_367 : vector<16xi1>, vector<16xf32>
      %parallel_loop3A_369 = arith.addf %parallel_loop3A_279, %parallel_loop3A_368 : vector<16xf32>
      %parallel_loop3A_370 = arith.constant 0.000000e+00 : f32
      %parallel_loop3A_371 = vector.broadcast %parallel_loop3A_370 : f32 to vector<16xf32>
      %parallel_loop3A_372 = arith.constant 16 : i32
      %parallel_loop3A_373 = arith.addi %parallel_loop3A_262, %parallel_loop3A_372 : i32
      %parallel_loop3A_374 = arith.constant 1 : i32
      %parallel_loop3A_375 = arith.constant 0 : i32
      %parallel_loop3A_376 = arith.index_cast %parallel_loop3A_374 : i32 to index
      %parallel_loop3A_377 = arith.index_cast %parallel_loop3A_375 : i32 to index
      %parallel_loop3A_378 = arith.index_cast %parallel_loop3A_258 : i32 to index
      %parallel_loop3A_379 = arith.index_cast %parallel_loop3A_373 : i32 to index
      %parallel_loop3A_380 = tpu.vector_load %arg7[%parallel_loop3A_376, %parallel_loop3A_377, %parallel_loop3A_378, %parallel_loop3A_379] {strides = array<i32>} : memref<2x3x24x224xf32, #tpu.memory_space<vmem>>, vector<1x1x1x16xf32>,
      %parallel_loop3A_381 = vector.shape_cast %parallel_loop3A_380 : vector<1x1x1x16xf32> to vector<16xf32>
      %parallel_loop3A_382 = arith.constant 16 : i32
      %parallel_loop3A_383 = arith.addi %parallel_loop3A_262, %parallel_loop3A_382 : i32
      %parallel_loop3A_384 = arith.constant 1 : i32
      %parallel_loop3A_385 = arith.constant 0 : i32
      %parallel_loop3A_386 = arith.index_cast %parallel_loop3A_384 : i32 to index
      %parallel_loop3A_387 = arith.index_cast %parallel_loop3A_385 : i32 to index
      %parallel_loop3A_388 = arith.index_cast %parallel_loop3A_258 : i32 to index
      %parallel_loop3A_389 = arith.index_cast %parallel_loop3A_383 : i32 to index
      %parallel_loop3A_390 = tpu.vector_load %arg8[%parallel_loop3A_386, %parallel_loop3A_387, %parallel_loop3A_388, %parallel_loop3A_389] {strides = array<i32>} : memref<2x3x24x224xf32, #tpu.memory_space<vmem>>, vector<1x1x1x16xf32>,
      %parallel_loop3A_391 = vector.shape_cast %parallel_loop3A_390 : vector<1x1x1x16xf32> to vector<16xf32>
      %parallel_loop3A_392 = arith.subf %parallel_loop3A_381, %parallel_loop3A_391 : vector<16xf32>
      %parallel_loop3A_393 = math.absf %parallel_loop3A_392 : vector<16xf32>
      %parallel_loop3A_394 = arith.addf %parallel_loop3A_371, %parallel_loop3A_393 : vector<16xf32>
      %parallel_loop3A_395 = arith.constant 16 : i32
      %parallel_loop3A_396 = arith.addi %parallel_loop3A_262, %parallel_loop3A_395 : i32
      %parallel_loop3A_397 = arith.constant 1 : i32
      %parallel_loop3A_398 = arith.constant 1 : i32
      %parallel_loop3A_399 = arith.index_cast %parallel_loop3A_397 : i32 to index
      %parallel_loop3A_400 = arith.index_cast %parallel_loop3A_398 : i32 to index
      %parallel_loop3A_401 = arith.index_cast %parallel_loop3A_258 : i32 to index
      %parallel_loop3A_402 = arith.index_cast %parallel_loop3A_396 : i32 to index
      %parallel_loop3A_403 = tpu.vector_load %arg7[%parallel_loop3A_399, %parallel_loop3A_400, %parallel_loop3A_401, %parallel_loop3A_402] {strides = array<i32>} : memref<2x3x24x224xf32, #tpu.memory_space<vmem>>, vector<1x1x1x16xf32>,
      %parallel_loop3A_404 = vector.shape_cast %parallel_loop3A_403 : vector<1x1x1x16xf32> to vector<16xf32>
      %parallel_loop3A_405 = arith.constant 16 : i32
      %parallel_loop3A_406 = arith.addi %parallel_loop3A_262, %parallel_loop3A_405 : i32
      %parallel_loop3A_407 = arith.constant 1 : i32
      %parallel_loop3A_408 = arith.constant 1 : i32
      %parallel_loop3A_409 = arith.index_cast %parallel_loop3A_407 : i32 to index
      %parallel_loop3A_410 = arith.index_cast %parallel_loop3A_408 : i32 to index
      %parallel_loop3A_411 = arith.index_cast %parallel_loop3A_258 : i32 to index
      %parallel_loop3A_412 = arith.index_cast %parallel_loop3A_406 : i32 to index
      %parallel_loop3A_413 = tpu.vector_load %arg8[%parallel_loop3A_409, %parallel_loop3A_410, %parallel_loop3A_411, %parallel_loop3A_412] {strides = array<i32>} : memref<2x3x24x224xf32, #tpu.memory_space<vmem>>, vector<1x1x1x16xf32>,
      %parallel_loop3A_414 = vector.shape_cast %parallel_loop3A_413 : vector<1x1x1x16xf32> to vector<16xf32>
      %parallel_loop3A_415 = arith.subf %parallel_loop3A_404, %parallel_loop3A_414 : vector<16xf32>
      %parallel_loop3A_416 = math.absf %parallel_loop3A_415 : vector<16xf32>
      %parallel_loop3A_417 = arith.addf %parallel_loop3A_394, %parallel_loop3A_416 : vector<16xf32>
      %parallel_loop3A_418 = arith.constant 16 : i32
      %parallel_loop3A_419 = arith.addi %parallel_loop3A_262, %parallel_loop3A_418 : i32
      %parallel_loop3A_420 = arith.constant 1 : i32
      %parallel_loop3A_421 = arith.constant 2 : i32
      %parallel_loop3A_422 = arith.index_cast %parallel_loop3A_420 : i32 to index
      %parallel_loop3A_423 = arith.index_cast %parallel_loop3A_421 : i32 to index
      %parallel_loop3A_424 = arith.index_cast %parallel_loop3A_258 : i32 to index
      %parallel_loop3A_425 = arith.index_cast %parallel_loop3A_419 : i32 to index
      %parallel_loop3A_426 = tpu.vector_load %arg7[%parallel_loop3A_422, %parallel_loop3A_423, %parallel_loop3A_424, %parallel_loop3A_425] {strides = array<i32>} : memref<2x3x24x224xf32, #tpu.memory_space<vmem>>, vector<1x1x1x16xf32>,
      %parallel_loop3A_427 = vector.shape_cast %parallel_loop3A_426 : vector<1x1x1x16xf32> to vector<16xf32>
      %parallel_loop3A_428 = arith.constant 16 : i32
      %parallel_loop3A_429 = arith.addi %parallel_loop3A_262, %parallel_loop3A_428 : i32
      %parallel_loop3A_430 = arith.constant 1 : i32
      %parallel_loop3A_431 = arith.constant 2 : i32
      %parallel_loop3A_432 = arith.index_cast %parallel_loop3A_430 : i32 to index
      %parallel_loop3A_433 = arith.index_cast %parallel_loop3A_431 : i32 to index
      %parallel_loop3A_434 = arith.index_cast %parallel_loop3A_258 : i32 to index
      %parallel_loop3A_435 = arith.index_cast %parallel_loop3A_429 : i32 to index
      %parallel_loop3A_436 = tpu.vector_load %arg8[%parallel_loop3A_432, %parallel_loop3A_433, %parallel_loop3A_434, %parallel_loop3A_435] {strides = array<i32>} : memref<2x3x24x224xf32, #tpu.memory_space<vmem>>, vector<1x1x1x16xf32>,
      %parallel_loop3A_437 = vector.shape_cast %parallel_loop3A_436 : vector<1x1x1x16xf32> to vector<16xf32>
      %parallel_loop3A_438 = arith.subf %parallel_loop3A_427, %parallel_loop3A_437 : vector<16xf32>
      %parallel_loop3A_439 = math.absf %parallel_loop3A_438 : vector<16xf32>
      %parallel_loop3A_440 = arith.addf %parallel_loop3A_417, %parallel_loop3A_439 : vector<16xf32>
      %parallel_loop3A_441 = arith.mulf %parallel_loop3A_440, %parallel_loop3A_368 : vector<16xf32>
      %parallel_loop3A_442 = arith.addf %parallel_loop3A_352, %parallel_loop3A_441 : vector<16xf32>
      %parallel_loop3A_443 = arith.constant 32 : i32
      %parallel_loop3A_444 = arith.addi %parallel_loop3A_262, %parallel_loop3A_443 : i32
      %parallel_loop3A_445 = arith.constant 1 : i32
      %parallel_loop3A_446 = arith.index_cast %parallel_loop3A_445 : i32 to index
      %parallel_loop3A_447 = arith.index_cast %parallel_loop3A_258 : i32 to index
      %parallel_loop3A_448 = arith.index_cast %parallel_loop3A_444 : i32 to index
      %parallel_loop3A_449 = tpu.vector_load %arg6[%parallel_loop3A_446, %parallel_loop3A_447, %parallel_loop3A_448] {strides = array<i32>} : memref<2x24x224xi32, #tpu.memory_space<vmem>>, vector<1x1x16xi32>,
      %parallel_loop3A_450 = vector.shape_cast %parallel_loop3A_449 : vector<1x1x16xi32> to vector<16xi32>
      %parallel_loop3A_451 = arith.constant 0 : i32
      %parallel_loop3A_452 = vector.broadcast %parallel_loop3A_451 : i32 to vector<16xi32>
      %parallel_loop3A_453 = arith.cmpi ne, %parallel_loop3A_450, %parallel_loop3A_452 : vector<16xi32>
      %parallel_loop3A_454 = arith.constant 1.000000e+00 : f32
      %parallel_loop3A_455 = arith.constant 0.000000e+00 : f32
      %parallel_loop3A_456 = vector.broadcast %parallel_loop3A_454 : f32 to vector<16xf32>
      %parallel_loop3A_457 = vector.broadcast %parallel_loop3A_455 : f32 to vector<16xf32>
      %parallel_loop3A_458 = arith.select %parallel_loop3A_453, %parallel_loop3A_456, %parallel_loop3A_457 : vector<16xi1>, vector<16xf32>
      %parallel_loop3A_459 = arith.addf %parallel_loop3A_369, %parallel_loop3A_458 : vector<16xf32>
      %parallel_loop3A_460 = arith.constant 0.000000e+00 : f32
      %parallel_loop3A_461 = vector.broadcast %parallel_loop3A_460 : f32 to vector<16xf32>
      %parallel_loop3A_462 = arith.constant 32 : i32
      %parallel_loop3A_463 = arith.addi %parallel_loop3A_262, %parallel_loop3A_462 : i32
      %parallel_loop3A_464 = arith.constant 1 : i32
      %parallel_loop3A_465 = arith.constant 0 : i32
      %parallel_loop3A_466 = arith.index_cast %parallel_loop3A_464 : i32 to index
      %parallel_loop3A_467 = arith.index_cast %parallel_loop3A_465 : i32 to index
      %parallel_loop3A_468 = arith.index_cast %parallel_loop3A_258 : i32 to index
      %parallel_loop3A_469 = arith.index_cast %parallel_loop3A_463 : i32 to index
      %parallel_loop3A_470 = tpu.vector_load %arg7[%parallel_loop3A_466, %parallel_loop3A_467, %parallel_loop3A_468, %parallel_loop3A_469] {strides = array<i32>} : memref<2x3x24x224xf32, #tpu.memory_space<vmem>>, vector<1x1x1x16xf32>,
      %parallel_loop3A_471 = vector.shape_cast %parallel_loop3A_470 : vector<1x1x1x16xf32> to vector<16xf32>
      %parallel_loop3A_472 = arith.constant 32 : i32
      %parallel_loop3A_473 = arith.addi %parallel_loop3A_262, %parallel_loop3A_472 : i32
      %parallel_loop3A_474 = arith.constant 1 : i32
      %parallel_loop3A_475 = arith.constant 0 : i32
      %parallel_loop3A_476 = arith.index_cast %parallel_loop3A_474 : i32 to index
      %parallel_loop3A_477 = arith.index_cast %parallel_loop3A_475 : i32 to index
      %parallel_loop3A_478 = arith.index_cast %parallel_loop3A_258 : i32 to index
      %parallel_loop3A_479 = arith.index_cast %parallel_loop3A_473 : i32 to index
      %parallel_loop3A_480 = tpu.vector_load %arg8[%parallel_loop3A_476, %parallel_loop3A_477, %parallel_loop3A_478, %parallel_loop3A_479] {strides = array<i32>} : memref<2x3x24x224xf32, #tpu.memory_space<vmem>>, vector<1x1x1x16xf32>,
      %parallel_loop3A_481 = vector.shape_cast %parallel_loop3A_480 : vector<1x1x1x16xf32> to vector<16xf32>
      %parallel_loop3A_482 = arith.subf %parallel_loop3A_471, %parallel_loop3A_481 : vector<16xf32>
      %parallel_loop3A_483 = math.absf %parallel_loop3A_482 : vector<16xf32>
      %parallel_loop3A_484 = arith.addf %parallel_loop3A_461, %parallel_loop3A_483 : vector<16xf32>
      %parallel_loop3A_485 = arith.constant 32 : i32
      %parallel_loop3A_486 = arith.addi %parallel_loop3A_262, %parallel_loop3A_485 : i32
      %parallel_loop3A_487 = arith.constant 1 : i32
      %parallel_loop3A_488 = arith.constant 1 : i32
      %parallel_loop3A_489 = arith.index_cast %parallel_loop3A_487 : i32 to index
      %parallel_loop3A_490 = arith.index_cast %parallel_loop3A_488 : i32 to index
      %parallel_loop3A_491 = arith.index_cast %parallel_loop3A_258 : i32 to index
      %parallel_loop3A_492 = arith.index_cast %parallel_loop3A_486 : i32 to index
      %parallel_loop3A_493 = tpu.vector_load %arg7[%parallel_loop3A_489, %parallel_loop3A_490, %parallel_loop3A_491, %parallel_loop3A_492] {strides = array<i32>} : memref<2x3x24x224xf32, #tpu.memory_space<vmem>>, vector<1x1x1x16xf32>,
      %parallel_loop3A_494 = vector.shape_cast %parallel_loop3A_493 : vector<1x1x1x16xf32> to vector<16xf32>
      %parallel_loop3A_495 = arith.constant 32 : i32
      %parallel_loop3A_496 = arith.addi %parallel_loop3A_262, %parallel_loop3A_495 : i32
      %parallel_loop3A_497 = arith.constant 1 : i32
      %parallel_loop3A_498 = arith.constant 1 : i32
      %parallel_loop3A_499 = arith.index_cast %parallel_loop3A_497 : i32 to index
      %parallel_loop3A_500 = arith.index_cast %parallel_loop3A_498 : i32 to index
      %parallel_loop3A_501 = arith.index_cast %parallel_loop3A_258 : i32 to index
      %parallel_loop3A_502 = arith.index_cast %parallel_loop3A_496 : i32 to index
      %parallel_loop3A_503 = tpu.vector_load %arg8[%parallel_loop3A_499, %parallel_loop3A_500, %parallel_loop3A_501, %parallel_loop3A_502] {strides = array<i32>} : memref<2x3x24x224xf32, #tpu.memory_space<vmem>>, vector<1x1x1x16xf32>,
      %parallel_loop3A_504 = vector.shape_cast %parallel_loop3A_503 : vector<1x1x1x16xf32> to vector<16xf32>
      %parallel_loop3A_505 = arith.subf %parallel_loop3A_494, %parallel_loop3A_504 : vector<16xf32>
      %parallel_loop3A_506 = math.absf %parallel_loop3A_505 : vector<16xf32>
      %parallel_loop3A_507 = arith.addf %parallel_loop3A_484, %parallel_loop3A_506 : vector<16xf32>
      %parallel_loop3A_508 = arith.constant 32 : i32
      %parallel_loop3A_509 = arith.addi %parallel_loop3A_262, %parallel_loop3A_508 : i32
      %parallel_loop3A_510 = arith.constant 1 : i32
      %parallel_loop3A_511 = arith.constant 2 : i32
      %parallel_loop3A_512 = arith.index_cast %parallel_loop3A_510 : i32 to index
      %parallel_loop3A_513 = arith.index_cast %parallel_loop3A_511 : i32 to index
      %parallel_loop3A_514 = arith.index_cast %parallel_loop3A_258 : i32 to index
      %parallel_loop3A_515 = arith.index_cast %parallel_loop3A_509 : i32 to index
      %parallel_loop3A_516 = tpu.vector_load %arg7[%parallel_loop3A_512, %parallel_loop3A_513, %parallel_loop3A_514, %parallel_loop3A_515] {strides = array<i32>} : memref<2x3x24x224xf32, #tpu.memory_space<vmem>>, vector<1x1x1x16xf32>,
      %parallel_loop3A_517 = vector.shape_cast %parallel_loop3A_516 : vector<1x1x1x16xf32> to vector<16xf32>
      %parallel_loop3A_518 = arith.constant 32 : i32
      %parallel_loop3A_519 = arith.addi %parallel_loop3A_262, %parallel_loop3A_518 : i32
      %parallel_loop3A_520 = arith.constant 1 : i32
      %parallel_loop3A_521 = arith.constant 2 : i32
      %parallel_loop3A_522 = arith.index_cast %parallel_loop3A_520 : i32 to index
      %parallel_loop3A_523 = arith.index_cast %parallel_loop3A_521 : i32 to index
      %parallel_loop3A_524 = arith.index_cast %parallel_loop3A_258 : i32 to index
      %parallel_loop3A_525 = arith.index_cast %parallel_loop3A_519 : i32 to index
      %parallel_loop3A_526 = tpu.vector_load %arg8[%parallel_loop3A_522, %parallel_loop3A_523, %parallel_loop3A_524, %parallel_loop3A_525] {strides = array<i32>} : memref<2x3x24x224xf32, #tpu.memory_space<vmem>>, vector<1x1x1x16xf32>,
      %parallel_loop3A_527 = vector.shape_cast %parallel_loop3A_526 : vector<1x1x1x16xf32> to vector<16xf32>
      %parallel_loop3A_528 = arith.subf %parallel_loop3A_517, %parallel_loop3A_527 : vector<16xf32>
      %parallel_loop3A_529 = math.absf %parallel_loop3A_528 : vector<16xf32>
      %parallel_loop3A_530 = arith.addf %parallel_loop3A_507, %parallel_loop3A_529 : vector<16xf32>
      %parallel_loop3A_531 = arith.mulf %parallel_loop3A_530, %parallel_loop3A_458 : vector<16xf32>
      %parallel_loop3A_532 = arith.addf %parallel_loop3A_442, %parallel_loop3A_531 : vector<16xf32>
      %parallel_loop3A_533 = arith.constant 48 : i32
      %parallel_loop3A_534 = arith.addi %parallel_loop3A_262, %parallel_loop3A_533 : i32
      %parallel_loop3A_535 = arith.constant 1 : i32
      %parallel_loop3A_536 = arith.index_cast %parallel_loop3A_535 : i32 to index
      %parallel_loop3A_537 = arith.index_cast %parallel_loop3A_258 : i32 to index
      %parallel_loop3A_538 = arith.index_cast %parallel_loop3A_534 : i32 to index
      %parallel_loop3A_539 = tpu.vector_load %arg6[%parallel_loop3A_536, %parallel_loop3A_537, %parallel_loop3A_538] {strides = array<i32>} : memref<2x24x224xi32, #tpu.memory_space<vmem>>, vector<1x1x16xi32>,
      %parallel_loop3A_540 = vector.shape_cast %parallel_loop3A_539 : vector<1x1x16xi32> to vector<16xi32>
      %parallel_loop3A_541 = arith.constant 0 : i32
      %parallel_loop3A_542 = vector.broadcast %parallel_loop3A_541 : i32 to vector<16xi32>
      %parallel_loop3A_543 = arith.cmpi ne, %parallel_loop3A_540, %parallel_loop3A_542 : vector<16xi32>
      %parallel_loop3A_544 = arith.constant 1.000000e+00 : f32
      %parallel_loop3A_545 = arith.constant 0.000000e+00 : f32
      %parallel_loop3A_546 = vector.broadcast %parallel_loop3A_544 : f32 to vector<16xf32>
      %parallel_loop3A_547 = vector.broadcast %parallel_loop3A_545 : f32 to vector<16xf32>
      %parallel_loop3A_548 = arith.select %parallel_loop3A_543, %parallel_loop3A_546, %parallel_loop3A_547 : vector<16xi1>, vector<16xf32>
      %parallel_loop3A_549 = arith.addf %parallel_loop3A_459, %parallel_loop3A_548 : vector<16xf32>
      %parallel_loop3A_550 = arith.constant 0.000000e+00 : f32
      %parallel_loop3A_551 = vector.broadcast %parallel_loop3A_550 : f32 to vector<16xf32>
      %parallel_loop3A_552 = arith.constant 48 : i32
      %parallel_loop3A_553 = arith.addi %parallel_loop3A_262, %parallel_loop3A_552 : i32
      %parallel_loop3A_554 = arith.constant 1 : i32
      %parallel_loop3A_555 = arith.constant 0 : i32
      %parallel_loop3A_556 = arith.index_cast %parallel_loop3A_554 : i32 to index
      %parallel_loop3A_557 = arith.index_cast %parallel_loop3A_555 : i32 to index
      %parallel_loop3A_558 = arith.index_cast %parallel_loop3A_258 : i32 to index
      %parallel_loop3A_559 = arith.index_cast %parallel_loop3A_553 : i32 to index
      %parallel_loop3A_560 = tpu.vector_load %arg7[%parallel_loop3A_556, %parallel_loop3A_557, %parallel_loop3A_558, %parallel_loop3A_559] {strides = array<i32>} : memref<2x3x24x224xf32, #tpu.memory_space<vmem>>, vector<1x1x1x16xf32>,
      %parallel_loop3A_561 = vector.shape_cast %parallel_loop3A_560 : vector<1x1x1x16xf32> to vector<16xf32>
      %parallel_loop3A_562 = arith.constant 48 : i32
      %parallel_loop3A_563 = arith.addi %parallel_loop3A_262, %parallel_loop3A_562 : i32
      %parallel_loop3A_564 = arith.constant 1 : i32
      %parallel_loop3A_565 = arith.constant 0 : i32
      %parallel_loop3A_566 = arith.index_cast %parallel_loop3A_564 : i32 to index
      %parallel_loop3A_567 = arith.index_cast %parallel_loop3A_565 : i32 to index
      %parallel_loop3A_568 = arith.index_cast %parallel_loop3A_258 : i32 to index
      %parallel_loop3A_569 = arith.index_cast %parallel_loop3A_563 : i32 to index
      %parallel_loop3A_570 = tpu.vector_load %arg8[%parallel_loop3A_566, %parallel_loop3A_567, %parallel_loop3A_568, %parallel_loop3A_569] {strides = array<i32>} : memref<2x3x24x224xf32, #tpu.memory_space<vmem>>, vector<1x1x1x16xf32>,
      %parallel_loop3A_571 = vector.shape_cast %parallel_loop3A_570 : vector<1x1x1x16xf32> to vector<16xf32>
      %parallel_loop3A_572 = arith.subf %parallel_loop3A_561, %parallel_loop3A_571 : vector<16xf32>
      %parallel_loop3A_573 = math.absf %parallel_loop3A_572 : vector<16xf32>
      %parallel_loop3A_574 = arith.addf %parallel_loop3A_551, %parallel_loop3A_573 : vector<16xf32>
      %parallel_loop3A_575 = arith.constant 48 : i32
      %parallel_loop3A_576 = arith.addi %parallel_loop3A_262, %parallel_loop3A_575 : i32
      %parallel_loop3A_577 = arith.constant 1 : i32
      %parallel_loop3A_578 = arith.constant 1 : i32
      %parallel_loop3A_579 = arith.index_cast %parallel_loop3A_577 : i32 to index
      %parallel_loop3A_580 = arith.index_cast %parallel_loop3A_578 : i32 to index
      %parallel_loop3A_581 = arith.index_cast %parallel_loop3A_258 : i32 to index
      %parallel_loop3A_582 = arith.index_cast %parallel_loop3A_576 : i32 to index
      %parallel_loop3A_583 = tpu.vector_load %arg7[%parallel_loop3A_579, %parallel_loop3A_580, %parallel_loop3A_581, %parallel_loop3A_582] {strides = array<i32>} : memref<2x3x24x224xf32, #tpu.memory_space<vmem>>, vector<1x1x1x16xf32>,
      %parallel_loop3A_584 = vector.shape_cast %parallel_loop3A_583 : vector<1x1x1x16xf32> to vector<16xf32>
      %parallel_loop3A_585 = arith.constant 48 : i32
      %parallel_loop3A_586 = arith.addi %parallel_loop3A_262, %parallel_loop3A_585 : i32
      %parallel_loop3A_587 = arith.constant 1 : i32
      %parallel_loop3A_588 = arith.constant 1 : i32
      %parallel_loop3A_589 = arith.index_cast %parallel_loop3A_587 : i32 to index
      %parallel_loop3A_590 = arith.index_cast %parallel_loop3A_588 : i32 to index
      %parallel_loop3A_591 = arith.index_cast %parallel_loop3A_258 : i32 to index
      %parallel_loop3A_592 = arith.index_cast %parallel_loop3A_586 : i32 to index
      %parallel_loop3A_593 = tpu.vector_load %arg8[%parallel_loop3A_589, %parallel_loop3A_590, %parallel_loop3A_591, %parallel_loop3A_592] {strides = array<i32>} : memref<2x3x24x224xf32, #tpu.memory_space<vmem>>, vector<1x1x1x16xf32>,
      %parallel_loop3A_594 = vector.shape_cast %parallel_loop3A_593 : vector<1x1x1x16xf32> to vector<16xf32>
      %parallel_loop3A_595 = arith.subf %parallel_loop3A_584, %parallel_loop3A_594 : vector<16xf32>
      %parallel_loop3A_596 = math.absf %parallel_loop3A_595 : vector<16xf32>
      %parallel_loop3A_597 = arith.addf %parallel_loop3A_574, %parallel_loop3A_596 : vector<16xf32>
      %parallel_loop3A_598 = arith.constant 48 : i32
      %parallel_loop3A_599 = arith.addi %parallel_loop3A_262, %parallel_loop3A_598 : i32
      %parallel_loop3A_600 = arith.constant 1 : i32
      %parallel_loop3A_601 = arith.constant 2 : i32
      %parallel_loop3A_602 = arith.index_cast %parallel_loop3A_600 : i32 to index
      %parallel_loop3A_603 = arith.index_cast %parallel_loop3A_601 : i32 to index
      %parallel_loop3A_604 = arith.index_cast %parallel_loop3A_258 : i32 to index
      %parallel_loop3A_605 = arith.index_cast %parallel_loop3A_599 : i32 to index
      %parallel_loop3A_606 = tpu.vector_load %arg7[%parallel_loop3A_602, %parallel_loop3A_603, %parallel_loop3A_604, %parallel_loop3A_605] {strides = array<i32>} : memref<2x3x24x224xf32, #tpu.memory_space<vmem>>, vector<1x1x1x16xf32>,
      %parallel_loop3A_607 = vector.shape_cast %parallel_loop3A_606 : vector<1x1x1x16xf32> to vector<16xf32>
      %parallel_loop3A_608 = arith.constant 48 : i32
      %parallel_loop3A_609 = arith.addi %parallel_loop3A_262, %parallel_loop3A_608 : i32
      %parallel_loop3A_610 = arith.constant 1 : i32
      %parallel_loop3A_611 = arith.constant 2 : i32
      %parallel_loop3A_612 = arith.index_cast %parallel_loop3A_610 : i32 to index
      %parallel_loop3A_613 = arith.index_cast %parallel_loop3A_611 : i32 to index
      %parallel_loop3A_614 = arith.index_cast %parallel_loop3A_258 : i32 to index
      %parallel_loop3A_615 = arith.index_cast %parallel_loop3A_609 : i32 to index
      %parallel_loop3A_616 = tpu.vector_load %arg8[%parallel_loop3A_612, %parallel_loop3A_613, %parallel_loop3A_614, %parallel_loop3A_615] {strides = array<i32>} : memref<2x3x24x224xf32, #tpu.memory_space<vmem>>, vector<1x1x1x16xf32>,
      %parallel_loop3A_617 = vector.shape_cast %parallel_loop3A_616 : vector<1x1x1x16xf32> to vector<16xf32>
      %parallel_loop3A_618 = arith.subf %parallel_loop3A_607, %parallel_loop3A_617 : vector<16xf32>
      %parallel_loop3A_619 = math.absf %parallel_loop3A_618 : vector<16xf32>
      %parallel_loop3A_620 = arith.addf %parallel_loop3A_597, %parallel_loop3A_619 : vector<16xf32>
      %parallel_loop3A_621 = arith.mulf %parallel_loop3A_620, %parallel_loop3A_548 : vector<16xf32>
      %parallel_loop3A_622 = arith.addf %parallel_loop3A_532, %parallel_loop3A_621 : vector<16xf32>
      %parallel_loop3A_623 = arith.constant 64 : i32
      %parallel_loop3A_624 = arith.addi %parallel_loop3A_262, %parallel_loop3A_623 : i32
      %parallel_loop3A_625 = arith.constant 1 : i32
      %parallel_loop3A_626 = arith.index_cast %parallel_loop3A_625 : i32 to index
      %parallel_loop3A_627 = arith.index_cast %parallel_loop3A_258 : i32 to index
      %parallel_loop3A_628 = arith.index_cast %parallel_loop3A_624 : i32 to index
      %parallel_loop3A_629 = tpu.vector_load %arg6[%parallel_loop3A_626, %parallel_loop3A_627, %parallel_loop3A_628] {strides = array<i32>} : memref<2x24x224xi32, #tpu.memory_space<vmem>>, vector<1x1x16xi32>,
      %parallel_loop3A_630 = vector.shape_cast %parallel_loop3A_629 : vector<1x1x16xi32> to vector<16xi32>
      %parallel_loop3A_631 = arith.constant 0 : i32
      %parallel_loop3A_632 = vector.broadcast %parallel_loop3A_631 : i32 to vector<16xi32>
      %parallel_loop3A_633 = arith.cmpi ne, %parallel_loop3A_630, %parallel_loop3A_632 : vector<16xi32>
      %parallel_loop3A_634 = arith.constant 1.000000e+00 : f32
      %parallel_loop3A_635 = arith.constant 0.000000e+00 : f32
      %parallel_loop3A_636 = vector.broadcast %parallel_loop3A_634 : f32 to vector<16xf32>
      %parallel_loop3A_637 = vector.broadcast %parallel_loop3A_635 : f32 to vector<16xf32>
      %parallel_loop3A_638 = arith.select %parallel_loop3A_633, %parallel_loop3A_636, %parallel_loop3A_637 : vector<16xi1>, vector<16xf32>
      %parallel_loop3A_639 = arith.addf %parallel_loop3A_549, %parallel_loop3A_638 : vector<16xf32>
      %parallel_loop3A_640 = arith.constant 0.000000e+00 : f32
      %parallel_loop3A_641 = vector.broadcast %parallel_loop3A_640 : f32 to vector<16xf32>
      %parallel_loop3A_642 = arith.constant 64 : i32
      %parallel_loop3A_643 = arith.addi %parallel_loop3A_262, %parallel_loop3A_642 : i32
      %parallel_loop3A_644 = arith.constant 1 : i32
      %parallel_loop3A_645 = arith.constant 0 : i32
      %parallel_loop3A_646 = arith.index_cast %parallel_loop3A_644 : i32 to index
      %parallel_loop3A_647 = arith.index_cast %parallel_loop3A_645 : i32 to index
      %parallel_loop3A_648 = arith.index_cast %parallel_loop3A_258 : i32 to index
      %parallel_loop3A_649 = arith.index_cast %parallel_loop3A_643 : i32 to index
      %parallel_loop3A_650 = tpu.vector_load %arg7[%parallel_loop3A_646, %parallel_loop3A_647, %parallel_loop3A_648, %parallel_loop3A_649] {strides = array<i32>} : memref<2x3x24x224xf32, #tpu.memory_space<vmem>>, vector<1x1x1x16xf32>,
      %parallel_loop3A_651 = vector.shape_cast %parallel_loop3A_650 : vector<1x1x1x16xf32> to vector<16xf32>
      %parallel_loop3A_652 = arith.constant 64 : i32
      %parallel_loop3A_653 = arith.addi %parallel_loop3A_262, %parallel_loop3A_652 : i32
      %parallel_loop3A_654 = arith.constant 1 : i32
      %parallel_loop3A_655 = arith.constant 0 : i32
      %parallel_loop3A_656 = arith.index_cast %parallel_loop3A_654 : i32 to index
      %parallel_loop3A_657 = arith.index_cast %parallel_loop3A_655 : i32 to index
      %parallel_loop3A_658 = arith.index_cast %parallel_loop3A_258 : i32 to index
      %parallel_loop3A_659 = arith.index_cast %parallel_loop3A_653 : i32 to index
      %parallel_loop3A_660 = tpu.vector_load %arg8[%parallel_loop3A_656, %parallel_loop3A_657, %parallel_loop3A_658, %parallel_loop3A_659] {strides = array<i32>} : memref<2x3x24x224xf32, #tpu.memory_space<vmem>>, vector<1x1x1x16xf32>,
      %parallel_loop3A_661 = vector.shape_cast %parallel_loop3A_660 : vector<1x1x1x16xf32> to vector<16xf32>
      %parallel_loop3A_662 = arith.subf %parallel_loop3A_651, %parallel_loop3A_661 : vector<16xf32>
      %parallel_loop3A_663 = math.absf %parallel_loop3A_662 : vector<16xf32>
      %parallel_loop3A_664 = arith.addf %parallel_loop3A_641, %parallel_loop3A_663 : vector<16xf32>
      %parallel_loop3A_665 = arith.constant 64 : i32
      %parallel_loop3A_666 = arith.addi %parallel_loop3A_262, %parallel_loop3A_665 : i32
      %parallel_loop3A_667 = arith.constant 1 : i32
      %parallel_loop3A_668 = arith.constant 1 : i32
      %parallel_loop3A_669 = arith.index_cast %parallel_loop3A_667 : i32 to index
      %parallel_loop3A_670 = arith.index_cast %parallel_loop3A_668 : i32 to index
      %parallel_loop3A_671 = arith.index_cast %parallel_loop3A_258 : i32 to index
      %parallel_loop3A_672 = arith.index_cast %parallel_loop3A_666 : i32 to index
      %parallel_loop3A_673 = tpu.vector_load %arg7[%parallel_loop3A_669, %parallel_loop3A_670, %parallel_loop3A_671, %parallel_loop3A_672] {strides = array<i32>} : memref<2x3x24x224xf32, #tpu.memory_space<vmem>>, vector<1x1x1x16xf32>,
      %parallel_loop3A_674 = vector.shape_cast %parallel_loop3A_673 : vector<1x1x1x16xf32> to vector<16xf32>
      %parallel_loop3A_675 = arith.constant 64 : i32
      %parallel_loop3A_676 = arith.addi %parallel_loop3A_262, %parallel_loop3A_675 : i32
      %parallel_loop3A_677 = arith.constant 1 : i32
      %parallel_loop3A_678 = arith.constant 1 : i32
      %parallel_loop3A_679 = arith.index_cast %parallel_loop3A_677 : i32 to index
      %parallel_loop3A_680 = arith.index_cast %parallel_loop3A_678 : i32 to index
      %parallel_loop3A_681 = arith.index_cast %parallel_loop3A_258 : i32 to index
      %parallel_loop3A_682 = arith.index_cast %parallel_loop3A_676 : i32 to index
      %parallel_loop3A_683 = tpu.vector_load %arg8[%parallel_loop3A_679, %parallel_loop3A_680, %parallel_loop3A_681, %parallel_loop3A_682] {strides = array<i32>} : memref<2x3x24x224xf32, #tpu.memory_space<vmem>>, vector<1x1x1x16xf32>,
      %parallel_loop3A_684 = vector.shape_cast %parallel_loop3A_683 : vector<1x1x1x16xf32> to vector<16xf32>
      %parallel_loop3A_685 = arith.subf %parallel_loop3A_674, %parallel_loop3A_684 : vector<16xf32>
      %parallel_loop3A_686 = math.absf %parallel_loop3A_685 : vector<16xf32>
      %parallel_loop3A_687 = arith.addf %parallel_loop3A_664, %parallel_loop3A_686 : vector<16xf32>
      %parallel_loop3A_688 = arith.constant 64 : i32
      %parallel_loop3A_689 = arith.addi %parallel_loop3A_262, %parallel_loop3A_688 : i32
      %parallel_loop3A_690 = arith.constant 1 : i32
      %parallel_loop3A_691 = arith.constant 2 : i32
      %parallel_loop3A_692 = arith.index_cast %parallel_loop3A_690 : i32 to index
      %parallel_loop3A_693 = arith.index_cast %parallel_loop3A_691 : i32 to index
      %parallel_loop3A_694 = arith.index_cast %parallel_loop3A_258 : i32 to index
      %parallel_loop3A_695 = arith.index_cast %parallel_loop3A_689 : i32 to index
      %parallel_loop3A_696 = tpu.vector_load %arg7[%parallel_loop3A_692, %parallel_loop3A_693, %parallel_loop3A_694, %parallel_loop3A_695] {strides = array<i32>} : memref<2x3x24x224xf32, #tpu.memory_space<vmem>>, vector<1x1x1x16xf32>,
      %parallel_loop3A_697 = vector.shape_cast %parallel_loop3A_696 : vector<1x1x1x16xf32> to vector<16xf32>
      %parallel_loop3A_698 = arith.constant 64 : i32
      %parallel_loop3A_699 = arith.addi %parallel_loop3A_262, %parallel_loop3A_698 : i32
      %parallel_loop3A_700 = arith.constant 1 : i32
      %parallel_loop3A_701 = arith.constant 2 : i32
      %parallel_loop3A_702 = arith.index_cast %parallel_loop3A_700 : i32 to index
      %parallel_loop3A_703 = arith.index_cast %parallel_loop3A_701 : i32 to index
      %parallel_loop3A_704 = arith.index_cast %parallel_loop3A_258 : i32 to index
      %parallel_loop3A_705 = arith.index_cast %parallel_loop3A_699 : i32 to index
      %parallel_loop3A_706 = tpu.vector_load %arg8[%parallel_loop3A_702, %parallel_loop3A_703, %parallel_loop3A_704, %parallel_loop3A_705] {strides = array<i32>} : memref<2x3x24x224xf32, #tpu.memory_space<vmem>>, vector<1x1x1x16xf32>,
      %parallel_loop3A_707 = vector.shape_cast %parallel_loop3A_706 : vector<1x1x1x16xf32> to vector<16xf32>
      %parallel_loop3A_708 = arith.subf %parallel_loop3A_697, %parallel_loop3A_707 : vector<16xf32>
      %parallel_loop3A_709 = math.absf %parallel_loop3A_708 : vector<16xf32>
      %parallel_loop3A_710 = arith.addf %parallel_loop3A_687, %parallel_loop3A_709 : vector<16xf32>
      %parallel_loop3A_711 = arith.mulf %parallel_loop3A_710, %parallel_loop3A_638 : vector<16xf32>
      %parallel_loop3A_712 = arith.addf %parallel_loop3A_622, %parallel_loop3A_711 : vector<16xf32>
      %parallel_loop3A_713 = arith.constant 80 : i32
      %parallel_loop3A_714 = arith.addi %parallel_loop3A_262, %parallel_loop3A_713 : i32
      %parallel_loop3A_715 = arith.constant 1 : i32
      %parallel_loop3A_716 = arith.index_cast %parallel_loop3A_715 : i32 to index
      %parallel_loop3A_717 = arith.index_cast %parallel_loop3A_258 : i32 to index
      %parallel_loop3A_718 = arith.index_cast %parallel_loop3A_714 : i32 to index
      %parallel_loop3A_719 = tpu.vector_load %arg6[%parallel_loop3A_716, %parallel_loop3A_717, %parallel_loop3A_718] {strides = array<i32>} : memref<2x24x224xi32, #tpu.memory_space<vmem>>, vector<1x1x16xi32>,
      %parallel_loop3A_720 = vector.shape_cast %parallel_loop3A_719 : vector<1x1x16xi32> to vector<16xi32>
      %parallel_loop3A_721 = arith.constant 0 : i32
      %parallel_loop3A_722 = vector.broadcast %parallel_loop3A_721 : i32 to vector<16xi32>
      %parallel_loop3A_723 = arith.cmpi ne, %parallel_loop3A_720, %parallel_loop3A_722 : vector<16xi32>
      %parallel_loop3A_724 = arith.constant 1.000000e+00 : f32
      %parallel_loop3A_725 = arith.constant 0.000000e+00 : f32
      %parallel_loop3A_726 = vector.broadcast %parallel_loop3A_724 : f32 to vector<16xf32>
      %parallel_loop3A_727 = vector.broadcast %parallel_loop3A_725 : f32 to vector<16xf32>
      %parallel_loop3A_728 = arith.select %parallel_loop3A_723, %parallel_loop3A_726, %parallel_loop3A_727 : vector<16xi1>, vector<16xf32>
      %parallel_loop3A_729 = arith.addf %parallel_loop3A_639, %parallel_loop3A_728 : vector<16xf32>
      %parallel_loop3A_730 = arith.constant 0.000000e+00 : f32
      %parallel_loop3A_731 = vector.broadcast %parallel_loop3A_730 : f32 to vector<16xf32>
      %parallel_loop3A_732 = arith.constant 80 : i32
      %parallel_loop3A_733 = arith.addi %parallel_loop3A_262, %parallel_loop3A_732 : i32
      %parallel_loop3A_734 = arith.constant 1 : i32
      %parallel_loop3A_735 = arith.constant 0 : i32
      %parallel_loop3A_736 = arith.index_cast %parallel_loop3A_734 : i32 to index
      %parallel_loop3A_737 = arith.index_cast %parallel_loop3A_735 : i32 to index
      %parallel_loop3A_738 = arith.index_cast %parallel_loop3A_258 : i32 to index
      %parallel_loop3A_739 = arith.index_cast %parallel_loop3A_733 : i32 to index
      %parallel_loop3A_740 = tpu.vector_load %arg7[%parallel_loop3A_736, %parallel_loop3A_737, %parallel_loop3A_738, %parallel_loop3A_739] {strides = array<i32>} : memref<2x3x24x224xf32, #tpu.memory_space<vmem>>, vector<1x1x1x16xf32>,
      %parallel_loop3A_741 = vector.shape_cast %parallel_loop3A_740 : vector<1x1x1x16xf32> to vector<16xf32>
      %parallel_loop3A_742 = arith.constant 80 : i32
      %parallel_loop3A_743 = arith.addi %parallel_loop3A_262, %parallel_loop3A_742 : i32
      %parallel_loop3A_744 = arith.constant 1 : i32
      %parallel_loop3A_745 = arith.constant 0 : i32
      %parallel_loop3A_746 = arith.index_cast %parallel_loop3A_744 : i32 to index
      %parallel_loop3A_747 = arith.index_cast %parallel_loop3A_745 : i32 to index
      %parallel_loop3A_748 = arith.index_cast %parallel_loop3A_258 : i32 to index
      %parallel_loop3A_749 = arith.index_cast %parallel_loop3A_743 : i32 to index
      %parallel_loop3A_750 = tpu.vector_load %arg8[%parallel_loop3A_746, %parallel_loop3A_747, %parallel_loop3A_748, %parallel_loop3A_749] {strides = array<i32>} : memref<2x3x24x224xf32, #tpu.memory_space<vmem>>, vector<1x1x1x16xf32>,
      %parallel_loop3A_751 = vector.shape_cast %parallel_loop3A_750 : vector<1x1x1x16xf32> to vector<16xf32>
      %parallel_loop3A_752 = arith.subf %parallel_loop3A_741, %parallel_loop3A_751 : vector<16xf32>
      %parallel_loop3A_753 = math.absf %parallel_loop3A_752 : vector<16xf32>
      %parallel_loop3A_754 = arith.addf %parallel_loop3A_731, %parallel_loop3A_753 : vector<16xf32>
      %parallel_loop3A_755 = arith.constant 80 : i32
      %parallel_loop3A_756 = arith.addi %parallel_loop3A_262, %parallel_loop3A_755 : i32
      %parallel_loop3A_757 = arith.constant 1 : i32
      %parallel_loop3A_758 = arith.constant 1 : i32
      %parallel_loop3A_759 = arith.index_cast %parallel_loop3A_757 : i32 to index
      %parallel_loop3A_760 = arith.index_cast %parallel_loop3A_758 : i32 to index
      %parallel_loop3A_761 = arith.index_cast %parallel_loop3A_258 : i32 to index
      %parallel_loop3A_762 = arith.index_cast %parallel_loop3A_756 : i32 to index
      %parallel_loop3A_763 = tpu.vector_load %arg7[%parallel_loop3A_759, %parallel_loop3A_760, %parallel_loop3A_761, %parallel_loop3A_762] {strides = array<i32>} : memref<2x3x24x224xf32, #tpu.memory_space<vmem>>, vector<1x1x1x16xf32>,
      %parallel_loop3A_764 = vector.shape_cast %parallel_loop3A_763 : vector<1x1x1x16xf32> to vector<16xf32>
      %parallel_loop3A_765 = arith.constant 80 : i32
      %parallel_loop3A_766 = arith.addi %parallel_loop3A_262, %parallel_loop3A_765 : i32
      %parallel_loop3A_767 = arith.constant 1 : i32
      %parallel_loop3A_768 = arith.constant 1 : i32
      %parallel_loop3A_769 = arith.index_cast %parallel_loop3A_767 : i32 to index
      %parallel_loop3A_770 = arith.index_cast %parallel_loop3A_768 : i32 to index
      %parallel_loop3A_771 = arith.index_cast %parallel_loop3A_258 : i32 to index
      %parallel_loop3A_772 = arith.index_cast %parallel_loop3A_766 : i32 to index
      %parallel_loop3A_773 = tpu.vector_load %arg8[%parallel_loop3A_769, %parallel_loop3A_770, %parallel_loop3A_771, %parallel_loop3A_772] {strides = array<i32>} : memref<2x3x24x224xf32, #tpu.memory_space<vmem>>, vector<1x1x1x16xf32>,
      %parallel_loop3A_774 = vector.shape_cast %parallel_loop3A_773 : vector<1x1x1x16xf32> to vector<16xf32>
      %parallel_loop3A_775 = arith.subf %parallel_loop3A_764, %parallel_loop3A_774 : vector<16xf32>
      %parallel_loop3A_776 = math.absf %parallel_loop3A_775 : vector<16xf32>
      %parallel_loop3A_777 = arith.addf %parallel_loop3A_754, %parallel_loop3A_776 : vector<16xf32>
      %parallel_loop3A_778 = arith.constant 80 : i32
      %parallel_loop3A_779 = arith.addi %parallel_loop3A_262, %parallel_loop3A_778 : i32
      %parallel_loop3A_780 = arith.constant 1 : i32
      %parallel_loop3A_781 = arith.constant 2 : i32
      %parallel_loop3A_782 = arith.index_cast %parallel_loop3A_780 : i32 to index
      %parallel_loop3A_783 = arith.index_cast %parallel_loop3A_781 : i32 to index
      %parallel_loop3A_784 = arith.index_cast %parallel_loop3A_258 : i32 to index
      %parallel_loop3A_785 = arith.index_cast %parallel_loop3A_779 : i32 to index
      %parallel_loop3A_786 = tpu.vector_load %arg7[%parallel_loop3A_782, %parallel_loop3A_783, %parallel_loop3A_784, %parallel_loop3A_785] {strides = array<i32>} : memref<2x3x24x224xf32, #tpu.memory_space<vmem>>, vector<1x1x1x16xf32>,
      %parallel_loop3A_787 = vector.shape_cast %parallel_loop3A_786 : vector<1x1x1x16xf32> to vector<16xf32>
      %parallel_loop3A_788 = arith.constant 80 : i32
      %parallel_loop3A_789 = arith.addi %parallel_loop3A_262, %parallel_loop3A_788 : i32
      %parallel_loop3A_790 = arith.constant 1 : i32
      %parallel_loop3A_791 = arith.constant 2 : i32
      %parallel_loop3A_792 = arith.index_cast %parallel_loop3A_790 : i32 to index
      %parallel_loop3A_793 = arith.index_cast %parallel_loop3A_791 : i32 to index
      %parallel_loop3A_794 = arith.index_cast %parallel_loop3A_258 : i32 to index
      %parallel_loop3A_795 = arith.index_cast %parallel_loop3A_789 : i32 to index
      %parallel_loop3A_796 = tpu.vector_load %arg8[%parallel_loop3A_792, %parallel_loop3A_793, %parallel_loop3A_794, %parallel_loop3A_795] {strides = array<i32>} : memref<2x3x24x224xf32, #tpu.memory_space<vmem>>, vector<1x1x1x16xf32>,
      %parallel_loop3A_797 = vector.shape_cast %parallel_loop3A_796 : vector<1x1x1x16xf32> to vector<16xf32>
      %parallel_loop3A_798 = arith.subf %parallel_loop3A_787, %parallel_loop3A_797 : vector<16xf32>
      %parallel_loop3A_799 = math.absf %parallel_loop3A_798 : vector<16xf32>
      %parallel_loop3A_800 = arith.addf %parallel_loop3A_777, %parallel_loop3A_799 : vector<16xf32>
      %parallel_loop3A_801 = arith.mulf %parallel_loop3A_800, %parallel_loop3A_728 : vector<16xf32>
      %parallel_loop3A_802 = arith.addf %parallel_loop3A_712, %parallel_loop3A_801 : vector<16xf32>
      %parallel_loop3A_803 = arith.constant 96 : i32
      %parallel_loop3A_804 = arith.addi %parallel_loop3A_262, %parallel_loop3A_803 : i32
      %parallel_loop3A_805 = arith.constant 1 : i32
      %parallel_loop3A_806 = arith.index_cast %parallel_loop3A_805 : i32 to index
      %parallel_loop3A_807 = arith.index_cast %parallel_loop3A_258 : i32 to index
      %parallel_loop3A_808 = arith.index_cast %parallel_loop3A_804 : i32 to index
      %parallel_loop3A_809 = tpu.vector_load %arg6[%parallel_loop3A_806, %parallel_loop3A_807, %parallel_loop3A_808] {strides = array<i32>} : memref<2x24x224xi32, #tpu.memory_space<vmem>>, vector<1x1x16xi32>,
      %parallel_loop3A_810 = vector.shape_cast %parallel_loop3A_809 : vector<1x1x16xi32> to vector<16xi32>
      %parallel_loop3A_811 = arith.constant 0 : i32
      %parallel_loop3A_812 = vector.broadcast %parallel_loop3A_811 : i32 to vector<16xi32>
      %parallel_loop3A_813 = arith.cmpi ne, %parallel_loop3A_810, %parallel_loop3A_812 : vector<16xi32>
      %parallel_loop3A_814 = arith.constant 1.000000e+00 : f32
      %parallel_loop3A_815 = arith.constant 0.000000e+00 : f32
      %parallel_loop3A_816 = vector.broadcast %parallel_loop3A_814 : f32 to vector<16xf32>
      %parallel_loop3A_817 = vector.broadcast %parallel_loop3A_815 : f32 to vector<16xf32>
      %parallel_loop3A_818 = arith.select %parallel_loop3A_813, %parallel_loop3A_816, %parallel_loop3A_817 : vector<16xi1>, vector<16xf32>
      %parallel_loop3A_819 = arith.addf %parallel_loop3A_729, %parallel_loop3A_818 : vector<16xf32>
      %parallel_loop3A_820 = arith.constant 0.000000e+00 : f32
      %parallel_loop3A_821 = vector.broadcast %parallel_loop3A_820 : f32 to vector<16xf32>
      %parallel_loop3A_822 = arith.constant 96 : i32
      %parallel_loop3A_823 = arith.addi %parallel_loop3A_262, %parallel_loop3A_822 : i32
      %parallel_loop3A_824 = arith.constant 1 : i32
      %parallel_loop3A_825 = arith.constant 0 : i32
      %parallel_loop3A_826 = arith.index_cast %parallel_loop3A_824 : i32 to index
      %parallel_loop3A_827 = arith.index_cast %parallel_loop3A_825 : i32 to index
      %parallel_loop3A_828 = arith.index_cast %parallel_loop3A_258 : i32 to index
      %parallel_loop3A_829 = arith.index_cast %parallel_loop3A_823 : i32 to index
      %parallel_loop3A_830 = tpu.vector_load %arg7[%parallel_loop3A_826, %parallel_loop3A_827, %parallel_loop3A_828, %parallel_loop3A_829] {strides = array<i32>} : memref<2x3x24x224xf32, #tpu.memory_space<vmem>>, vector<1x1x1x16xf32>,
      %parallel_loop3A_831 = vector.shape_cast %parallel_loop3A_830 : vector<1x1x1x16xf32> to vector<16xf32>
      %parallel_loop3A_832 = arith.constant 96 : i32
      %parallel_loop3A_833 = arith.addi %parallel_loop3A_262, %parallel_loop3A_832 : i32
      %parallel_loop3A_834 = arith.constant 1 : i32
      %parallel_loop3A_835 = arith.constant 0 : i32
      %parallel_loop3A_836 = arith.index_cast %parallel_loop3A_834 : i32 to index
      %parallel_loop3A_837 = arith.index_cast %parallel_loop3A_835 : i32 to index
      %parallel_loop3A_838 = arith.index_cast %parallel_loop3A_258 : i32 to index
      %parallel_loop3A_839 = arith.index_cast %parallel_loop3A_833 : i32 to index
      %parallel_loop3A_840 = tpu.vector_load %arg8[%parallel_loop3A_836, %parallel_loop3A_837, %parallel_loop3A_838, %parallel_loop3A_839] {strides = array<i32>} : memref<2x3x24x224xf32, #tpu.memory_space<vmem>>, vector<1x1x1x16xf32>,
      %parallel_loop3A_841 = vector.shape_cast %parallel_loop3A_840 : vector<1x1x1x16xf32> to vector<16xf32>
      %parallel_loop3A_842 = arith.subf %parallel_loop3A_831, %parallel_loop3A_841 : vector<16xf32>
      %parallel_loop3A_843 = math.absf %parallel_loop3A_842 : vector<16xf32>
      %parallel_loop3A_844 = arith.addf %parallel_loop3A_821, %parallel_loop3A_843 : vector<16xf32>
      %parallel_loop3A_845 = arith.constant 96 : i32
      %parallel_loop3A_846 = arith.addi %parallel_loop3A_262, %parallel_loop3A_845 : i32
      %parallel_loop3A_847 = arith.constant 1 : i32
      %parallel_loop3A_848 = arith.constant 1 : i32
      %parallel_loop3A_849 = arith.index_cast %parallel_loop3A_847 : i32 to index
      %parallel_loop3A_850 = arith.index_cast %parallel_loop3A_848 : i32 to index
      %parallel_loop3A_851 = arith.index_cast %parallel_loop3A_258 : i32 to index
      %parallel_loop3A_852 = arith.index_cast %parallel_loop3A_846 : i32 to index
      %parallel_loop3A_853 = tpu.vector_load %arg7[%parallel_loop3A_849, %parallel_loop3A_850, %parallel_loop3A_851, %parallel_loop3A_852] {strides = array<i32>} : memref<2x3x24x224xf32, #tpu.memory_space<vmem>>, vector<1x1x1x16xf32>,
      %parallel_loop3A_854 = vector.shape_cast %parallel_loop3A_853 : vector<1x1x1x16xf32> to vector<16xf32>
      %parallel_loop3A_855 = arith.constant 96 : i32
      %parallel_loop3A_856 = arith.addi %parallel_loop3A_262, %parallel_loop3A_855 : i32
      %parallel_loop3A_857 = arith.constant 1 : i32
      %parallel_loop3A_858 = arith.constant 1 : i32
      %parallel_loop3A_859 = arith.index_cast %parallel_loop3A_857 : i32 to index
      %parallel_loop3A_860 = arith.index_cast %parallel_loop3A_858 : i32 to index
      %parallel_loop3A_861 = arith.index_cast %parallel_loop3A_258 : i32 to index
      %parallel_loop3A_862 = arith.index_cast %parallel_loop3A_856 : i32 to index
      %parallel_loop3A_863 = tpu.vector_load %arg8[%parallel_loop3A_859, %parallel_loop3A_860, %parallel_loop3A_861, %parallel_loop3A_862] {strides = array<i32>} : memref<2x3x24x224xf32, #tpu.memory_space<vmem>>, vector<1x1x1x16xf32>,
      %parallel_loop3A_864 = vector.shape_cast %parallel_loop3A_863 : vector<1x1x1x16xf32> to vector<16xf32>
      %parallel_loop3A_865 = arith.subf %parallel_loop3A_854, %parallel_loop3A_864 : vector<16xf32>
      %parallel_loop3A_866 = math.absf %parallel_loop3A_865 : vector<16xf32>
      %parallel_loop3A_867 = arith.addf %parallel_loop3A_844, %parallel_loop3A_866 : vector<16xf32>
      %parallel_loop3A_868 = arith.constant 96 : i32
      %parallel_loop3A_869 = arith.addi %parallel_loop3A_262, %parallel_loop3A_868 : i32
      %parallel_loop3A_870 = arith.constant 1 : i32
      %parallel_loop3A_871 = arith.constant 2 : i32
      %parallel_loop3A_872 = arith.index_cast %parallel_loop3A_870 : i32 to index
      %parallel_loop3A_873 = arith.index_cast %parallel_loop3A_871 : i32 to index
      %parallel_loop3A_874 = arith.index_cast %parallel_loop3A_258 : i32 to index
      %parallel_loop3A_875 = arith.index_cast %parallel_loop3A_869 : i32 to index
      %parallel_loop3A_876 = tpu.vector_load %arg7[%parallel_loop3A_872, %parallel_loop3A_873, %parallel_loop3A_874, %parallel_loop3A_875] {strides = array<i32>} : memref<2x3x24x224xf32, #tpu.memory_space<vmem>>, vector<1x1x1x16xf32>,
      %parallel_loop3A_877 = vector.shape_cast %parallel_loop3A_876 : vector<1x1x1x16xf32> to vector<16xf32>
      %parallel_loop3A_878 = arith.constant 96 : i32
      %parallel_loop3A_879 = arith.addi %parallel_loop3A_262, %parallel_loop3A_878 : i32
      %parallel_loop3A_880 = arith.constant 1 : i32
      %parallel_loop3A_881 = arith.constant 2 : i32
      %parallel_loop3A_882 = arith.index_cast %parallel_loop3A_880 : i32 to index
      %parallel_loop3A_883 = arith.index_cast %parallel_loop3A_881 : i32 to index
      %parallel_loop3A_884 = arith.index_cast %parallel_loop3A_258 : i32 to index
      %parallel_loop3A_885 = arith.index_cast %parallel_loop3A_879 : i32 to index
      %parallel_loop3A_886 = tpu.vector_load %arg8[%parallel_loop3A_882, %parallel_loop3A_883, %parallel_loop3A_884, %parallel_loop3A_885] {strides = array<i32>} : memref<2x3x24x224xf32, #tpu.memory_space<vmem>>, vector<1x1x1x16xf32>,
      %parallel_loop3A_887 = vector.shape_cast %parallel_loop3A_886 : vector<1x1x1x16xf32> to vector<16xf32>
      %parallel_loop3A_888 = arith.subf %parallel_loop3A_877, %parallel_loop3A_887 : vector<16xf32>
      %parallel_loop3A_889 = math.absf %parallel_loop3A_888 : vector<16xf32>
      %parallel_loop3A_890 = arith.addf %parallel_loop3A_867, %parallel_loop3A_889 : vector<16xf32>
      %parallel_loop3A_891 = arith.mulf %parallel_loop3A_890, %parallel_loop3A_818 : vector<16xf32>
      %parallel_loop3A_892 = arith.addf %parallel_loop3A_802, %parallel_loop3A_891 : vector<16xf32>
      scf.yield %parallel_loop3A_892, %parallel_loop3A_819 : vector<16xf32>, vector<16xf32>
    } {sc.loop_unroll_factor = 2 : i64, sc.parallel_access}
    %swap3A = arith.constant 0 : index
    %swap3A_245 = tpu.vector_load %arg9[%swap3A] {strides = array<i32>} : memref<32xf32, #tpu.memory_space<vmem>>, vector<16xf32>,
    %swap3A_246 = vector.shape_cast %swap3A_245 : vector<16xf32> to vector<16xf32>
    %swap3A_247 = vector.shape_cast %parallel_loop3A_244#0 : vector<16xf32> to vector<16xf32>
    tpu.vector_store %arg9[%swap3A], %swap3A_247 {strides = array<i32>} : memref<32xf32, #tpu.memory_space<vmem>>, vector<16xf32>,
    %swap3A_248 = arith.constant 16 : index
    %swap3A_249 = tpu.vector_load %arg9[%swap3A_248] {strides = array<i32>} : memref<32xf32, #tpu.memory_space<vmem>>, vector<16xf32>,
    %swap3A_250 = vector.shape_cast %swap3A_249 : vector<16xf32> to vector<16xf32>
    %swap3A_251 = vector.shape_cast %parallel_loop3A_244#1 : vector<16xf32> to vector<16xf32>
    tpu.vector_store %arg9[%swap3A_248], %swap3A_251 {strides = array<i32>} : memref<32xf32, #tpu.memory_space<vmem>>, vector<16xf32>,
    %mul3A_252 = arith.constant 32 : i32
    %mul3A_253 = arith.muli %add3A, %mul3A_252 : i32
    "tpu.region"() ({
      %run_scoped3A = tpu.sem_alloc : memref<!tpu.dma_semaphore, #tpu.memory_space<semaphore_mem>>
      %dma_start3A_254 = tpu.memref_slice %arg5[%mul3A_253] : memref<1024xf32, #tpu.memory_space<hbm>> -> memref<32xf32, #tpu.memory_space<hbm>>
      %dma_start3A_255 = tpu.memref_slice %arg5[%mul3A_253] : memref<1024xf32, #tpu.memory_space<hbm>> -> memref<32xf32, #tpu.memory_space<hbm>>
      tpu.enqueue_dma source(%arg9 : memref<32xf32, #tpu.memory_space<vmem>>) target(%dma_start3A_255 : memref<32xf32, #tpu.memory_space<hbm>>) target_semaphore(%run_scoped3A : memref<!tpu.dma_semaphore, #tpu.memory_space<semaphore_mem>>)
      %dma_wait3A_256 = tpu.memref_slice %arg5[%mul3A_253] : memref<1024xf32, #tpu.memory_space<hbm>> -> memref<32xf32, #tpu.memory_space<hbm>>
      %dma_wait3A_257 = tpu.memref_slice %arg5[%mul3A_253] : memref<1024xf32, #tpu.memory_space<hbm>> -> memref<32xf32, #tpu.memory_space<hbm>>
      tpu.wait_dma2 semaphore(%run_scoped3A : memref<!tpu.dma_semaphore, #tpu.memory_space<semaphore_mem>>) src(%arg9 : memref<32xf32, #tpu.memory_space<vmem>>) dst(%dma_wait3A_257 : memref<32xf32, #tpu.memory_space<hbm>>)
      tpu.yield
    }) : () -> ()
    return
  }
}

module attributes {stable_mosaic.version = 14 : i64} {
  func.func @_finish_body(%arg0: memref<8x128xf32, #tpu.memory_space<vmem>>, %arg1: memref<2xf32, #tpu.memory_space<smem>>, %arg2: memref<1x1xf32, #tpu.memory_space<smem>>) attributes {dimension_semantics = [], scalar_prefetch = 0 : i64, scratch_operands = 0 : i64, tpu.core_type = #tpu.core_type<tc>} {
    %get3A = arith.constant 0 : index
    %get3A_0 = arith.constant 0 : index
    %get3A_1 = vector.load %arg0[%get3A, %get3A_0] : memref<8x128xf32, #tpu.memory_space<vmem>>, vector<8x128xf32>
    %iota3A = tpu.iota {dimensions = array<i32: 1>} : vector<8x128xi32>
    %jit3A = arith.constant 32 : i32
    %eq3A = arith.constant 0 : i32
    %eq3A_2 = arith.cmpi eq, %jit3A, %eq3A : i32
    %jit3A_3 = arith.constant 1 : i32
    %select_n3A = arith.select %eq3A_2, %jit3A_3, %jit3A : i32
    %rem3A = vector.broadcast %select_n3A : i32 to vector<8x128xi32>
    %rem3A_4 = arith.remsi %iota3A, %rem3A : vector<8x128xi32>
    %ne3A = arith.constant 0 : i32
    %ne3A_5 = vector.broadcast %ne3A : i32 to vector<8x128xi32>
    %ne3A_6 = arith.cmpi ne, %rem3A_4, %ne3A_5 : vector<8x128xi32>
    %lt3A = arith.constant 0 : i32
    %lt3A_7 = vector.broadcast %lt3A : i32 to vector<8x128xi32>
    %lt3A_8 = arith.cmpi slt, %rem3A_4, %lt3A_7 : vector<8x128xi32>
    %lt3A_9 = arith.constant 0 : i32
    %lt3A_10 = arith.cmpi slt, %select_n3A, %lt3A_9 : i32
    %ne3A_11 = vector.broadcast %lt3A_10 : i1 to vector<8x128xi1>
    %ne3A_12 = vector.broadcast %ne3A_11 : vector<8x128xi1> to vector<8x128xi1>
    %ne3A_13 = arith.xori %lt3A_8, %ne3A_12 : vector<8x128xi1>
    %and3A = arith.andi %ne3A_13, %ne3A_6 : vector<8x128xi1>
    %add3A = vector.broadcast %select_n3A : i32 to vector<8x128xi32>
    %add3A_14 = arith.addi %rem3A_4, %add3A : vector<8x128xi32>
    %select_n3A_15 = arith.select %and3A, %add3A_14, %rem3A_4 : vector<8x128xi1>, vector<8x128xi32>
    %lt3A_16 = arith.constant 16 : i32
    %lt3A_17 = vector.broadcast %lt3A_16 : i32 to vector<8x128xi32>
    %lt3A_18 = arith.cmpi slt, %select_n3A_15, %lt3A_17 : vector<8x128xi32>
    %jit3A_19 = arith.constant 0.000000e+00 : f32
    %broadcast_in_dim3A = vector.broadcast %jit3A_19 : f32 to vector<8x128xf32>
    %select_n3A_20 = arith.select %lt3A_18, %get3A_1, %broadcast_in_dim3A : vector<8x128xi1>, vector<8x128xf32>
    %reduce_sum3A = vector.shape_cast %select_n3A_20 : vector<8x128xf32> to vector<1x8x128xf32>
    %reduce_sum3A_21 = arith.constant dense<0.000000e+00> : vector<1xf32>
    %reduce_sum3A_22 = vector.multi_reduction <add>, %reduce_sum3A, %reduce_sum3A_21 [1, 2] : vector<1x8x128xf32> to vector<1xf32>
    %reduce_sum3A_23 = vector.shape_cast %reduce_sum3A_22 : vector<1xf32> to vector<1x1x1xf32>
    %reduce_sum3A_24 = vector.extract %reduce_sum3A_23[0, 0, 0] : f32 from vector<1x1x1xf32>
    %get3A_25 = arith.constant 0 : index
    %get3A_26 = memref.load %arg1[%get3A_25] : memref<2xf32, #tpu.memory_space<smem>>
    %add3A_27 = arith.addf %reduce_sum3A_24, %get3A_26 : f32
    %jit3A_28 = arith.constant 0.000000e+00 : f32
    %broadcast_in_dim3A_29 = vector.broadcast %jit3A_28 : f32 to vector<8x128xf32>
    %select_n3A_30 = arith.select %lt3A_18, %broadcast_in_dim3A_29, %get3A_1 : vector<8x128xi1>, vector<8x128xf32>
    %reduce_sum3A_31 = vector.shape_cast %select_n3A_30 : vector<8x128xf32> to vector<1x8x128xf32>
    %reduce_sum3A_32 = arith.constant dense<0.000000e+00> : vector<1xf32>
    %reduce_sum3A_33 = vector.multi_reduction <add>, %reduce_sum3A_31, %reduce_sum3A_32 [1, 2] : vector<1x8x128xf32> to vector<1xf32>
    %reduce_sum3A_34 = vector.shape_cast %reduce_sum3A_33 : vector<1xf32> to vector<1x1x1xf32>
    %reduce_sum3A_35 = vector.extract %reduce_sum3A_34[0, 0, 0] : f32 from vector<1x1x1xf32>
    %get3A_36 = arith.constant 1 : index
    %get3A_37 = memref.load %arg1[%get3A_36] : memref<2xf32, #tpu.memory_space<smem>>
    %add3A_38 = arith.addf %reduce_sum3A_35, %get3A_37 : f32
    %mul3A = arith.constant 3.000000e+00 : f32
    %mul3A_39 = arith.mulf %mul3A, %add3A_38 : f32
    %div3A = arith.divf %add3A_27, %mul3A_39 : f32
    %swap3A = arith.constant 0 : index
    %swap3A_40 = arith.constant 0 : index
    %swap3A_41 = memref.load %arg2[%swap3A, %swap3A_40] : memref<1x1xf32, #tpu.memory_space<smem>>
    memref.store %div3A, %arg2[%swap3A, %swap3A_40] : memref<1x1xf32, #tpu.memory_space<smem>>
    return
  }
}

module attributes {stable_mosaic.version = 14 : i64} {
  func.func @_tc_body(%arg0: i32, %arg1: memref<4x1x176x224xf32, #tpu.memory_space<vmem>>, %arg2: memref<4x1x176x224xf32, #tpu.memory_space<vmem>>, %arg3: memref<4x1x176x224xf32, #tpu.memory_space<vmem>>, %arg4: memref<4x1x176x224xf32, #tpu.memory_space<vmem>>, %arg5: memref<4x1x176x224xf32, #tpu.memory_space<vmem>>, %arg6: memref<4x1x176x224xf32, #tpu.memory_space<vmem>>, %arg7: memref<4x176x224xi32, #tpu.memory_space<vmem>>, %arg8: memref<2xf32, #tpu.memory_space<smem>>, %arg9: memref<2x4x176x224xf32, #tpu.memory_space<vmem>>) attributes {dimension_semantics = [#tpu.dimension_semantics<arbitrary>], iteration_bounds = array<i64: 8>, scalar_prefetch = 0 : i64, scratch_operands = 1 : i64, tpu.core_type = #tpu.core_type<tc>, window_params = [{transform_indices = @transform_0, window_bounds = array<i64: 4, 1, 176, 224>}, {transform_indices = @transform_1, window_bounds = array<i64: 4, 1, 176, 224>}, {transform_indices = @transform_2, window_bounds = array<i64: 4, 1, 176, 224>}, {transform_indices = @transform_3, window_bounds = array<i64: 4, 1, 176, 224>}, {transform_indices = @transform_4, window_bounds = array<i64: 4, 1, 176, 224>}, {transform_indices = @transform_5, window_bounds = array<i64: 4, 1, 176, 224>}, {transform_indices = @transform_6, window_bounds = array<i64: 4, 176, 224>}, {transform_indices = @transform_7, window_bounds = array<i64: 2>}]} {
    %eq3A = arith.constant 0 : i32
    %eq3A_0 = arith.cmpi eq, %arg0, %eq3A : i32
    %convert_element_type3A = arith.extui %eq3A_0 : i1 to i32
    %cond3A = arith.constant 0 : i32
    %cond3A_1 = arith.cmpi ne, %convert_element_type3A, %cond3A : i32
    scf.if %cond3A_1 {
      %broadcast_in_dim3A_82 = arith.constant 0.000000e+00 : f32
      %broadcast_in_dim3A_83 = vector.broadcast %broadcast_in_dim3A_82 : f32 to vector<2x4x176x224xf32>
      %swap3A_84 = arith.constant 0 : index
      %swap3A_85 = arith.constant 0 : index
      %swap3A_86 = arith.constant 0 : index
      %swap3A_87 = arith.constant 0 : index
      %swap3A_88 = vector.load %arg9[%swap3A_84, %swap3A_85, %swap3A_86, %swap3A_87] : memref<2x4x176x224xf32, #tpu.memory_space<vmem>>, vector<2x4x176x224xf32>
      tpu.vector_store %arg9[%swap3A_84, %swap3A_85, %swap3A_86, %swap3A_87], %broadcast_in_dim3A_83 {strides = array<i32>} : memref<2x4x176x224xf32, #tpu.memory_space<vmem>>, vector<2x4x176x224xf32>,
    } else {
    }
    %get3A = arith.constant 0 : index
    %get3A_2 = arith.constant 0 : index
    %get3A_3 = arith.constant 0 : index
    %get3A_4 = vector.load %arg7[%get3A, %get3A_2, %get3A_3] : memref<4x176x224xi32, #tpu.memory_space<vmem>>, vector<4x176x224xi32>
    %ne3A = arith.constant 0 : i32
    %ne3A_5 = vector.broadcast %ne3A : i32 to vector<4x176x224xi32>
    %ne3A_6 = arith.cmpi ne, %get3A_4, %ne3A_5 : vector<4x176x224xi32>
    %jit3A = arith.constant 1.000000e+00 : f32
    %jit3A_7 = arith.constant 0.000000e+00 : f32
    %broadcast_in_dim3A = vector.broadcast %jit3A : f32 to vector<4x176x224xf32>
    %broadcast_in_dim3A_8 = vector.broadcast %jit3A_7 : f32 to vector<4x176x224xf32>
    %select_n3A = arith.select %ne3A_6, %broadcast_in_dim3A, %broadcast_in_dim3A_8 : vector<4x176x224xi1>, vector<4x176x224xf32>
    %get3A_9 = arith.constant 0 : index
    %get3A_10 = arith.constant 0 : index
    %get3A_11 = arith.constant 0 : index
    %get3A_12 = arith.constant 0 : index
    %get3A_13 = vector.load %arg1[%get3A_9, %get3A_10, %get3A_11, %get3A_12] : memref<4x1x176x224xf32, #tpu.memory_space<vmem>>, vector<4x1x176x224xf32>
    %get3A_14 = vector.shape_cast %get3A_13 : vector<4x1x176x224xf32> to vector<4x176x224xf32>
    %get3A_15 = arith.constant 0 : index
    %get3A_16 = arith.constant 0 : index
    %get3A_17 = arith.constant 0 : index
    %get3A_18 = arith.constant 0 : index
    %get3A_19 = vector.load %arg4[%get3A_15, %get3A_16, %get3A_17, %get3A_18] : memref<4x1x176x224xf32, #tpu.memory_space<vmem>>, vector<4x1x176x224xf32>
    %get3A_20 = vector.shape_cast %get3A_19 : vector<4x1x176x224xf32> to vector<4x176x224xf32>
    %sub3A = arith.subf %get3A_14, %get3A_20 : vector<4x176x224xf32>
    %abs3A = math.absf %sub3A : vector<4x176x224xf32>
    %get3A_21 = arith.constant 0 : index
    %get3A_22 = arith.constant 0 : index
    %get3A_23 = arith.constant 0 : index
    %get3A_24 = arith.constant 0 : index
    %get3A_25 = vector.load %arg2[%get3A_21, %get3A_22, %get3A_23, %get3A_24] : memref<4x1x176x224xf32, #tpu.memory_space<vmem>>, vector<4x1x176x224xf32>
    %get3A_26 = vector.shape_cast %get3A_25 : vector<4x1x176x224xf32> to vector<4x176x224xf32>
    %get3A_27 = arith.constant 0 : index
    %get3A_28 = arith.constant 0 : index
    %get3A_29 = arith.constant 0 : index
    %get3A_30 = arith.constant 0 : index
    %get3A_31 = vector.load %arg5[%get3A_27, %get3A_28, %get3A_29, %get3A_30] : memref<4x1x176x224xf32, #tpu.memory_space<vmem>>, vector<4x1x176x224xf32>
    %get3A_32 = vector.shape_cast %get3A_31 : vector<4x1x176x224xf32> to vector<4x176x224xf32>
    %sub3A_33 = arith.subf %get3A_26, %get3A_32 : vector<4x176x224xf32>
    %abs3A_34 = math.absf %sub3A_33 : vector<4x176x224xf32>
    %add3A = arith.addf %abs3A, %abs3A_34 : vector<4x176x224xf32>
    %get3A_35 = arith.constant 0 : index
    %get3A_36 = arith.constant 0 : index
    %get3A_37 = arith.constant 0 : index
    %get3A_38 = arith.constant 0 : index
    %get3A_39 = vector.load %arg3[%get3A_35, %get3A_36, %get3A_37, %get3A_38] : memref<4x1x176x224xf32, #tpu.memory_space<vmem>>, vector<4x1x176x224xf32>
    %get3A_40 = vector.shape_cast %get3A_39 : vector<4x1x176x224xf32> to vector<4x176x224xf32>
    %get3A_41 = arith.constant 0 : index
    %get3A_42 = arith.constant 0 : index
    %get3A_43 = arith.constant 0 : index
    %get3A_44 = arith.constant 0 : index
    %get3A_45 = vector.load %arg6[%get3A_41, %get3A_42, %get3A_43, %get3A_44] : memref<4x1x176x224xf32, #tpu.memory_space<vmem>>, vector<4x1x176x224xf32>
    %get3A_46 = vector.shape_cast %get3A_45 : vector<4x1x176x224xf32> to vector<4x176x224xf32>
    %sub3A_47 = arith.subf %get3A_40, %get3A_46 : vector<4x176x224xf32>
    %abs3A_48 = math.absf %sub3A_47 : vector<4x176x224xf32>
    %add3A_49 = arith.addf %add3A, %abs3A_48 : vector<4x176x224xf32>
    %get3A_50 = arith.constant 0 : index
    %get3A_51 = arith.constant 0 : index
    %get3A_52 = arith.constant 0 : index
    %get3A_53 = arith.constant 0 : index
    %get3A_54 = vector.load %arg9[%get3A_50, %get3A_51, %get3A_52, %get3A_53] : memref<2x4x176x224xf32, #tpu.memory_space<vmem>>, vector<1x4x176x224xf32>
    %get3A_55 = vector.shape_cast %get3A_54 : vector<1x4x176x224xf32> to vector<4x176x224xf32>
    %mul3A = arith.mulf %add3A_49, %select_n3A : vector<4x176x224xf32>
    %add3A_56 = arith.addf %get3A_55, %mul3A : vector<4x176x224xf32>
    %swap3A = arith.constant 0 : index
    %swap3A_57 = arith.constant 0 : index
    %swap3A_58 = arith.constant 0 : index
    %swap3A_59 = arith.constant 0 : index
    %swap3A_60 = vector.load %arg9[%swap3A, %swap3A_57, %swap3A_58, %swap3A_59] : memref<2x4x176x224xf32, #tpu.memory_space<vmem>>, vector<1x4x176x224xf32>
    %swap3A_61 = vector.shape_cast %swap3A_60 : vector<1x4x176x224xf32> to vector<4x176x224xf32>
    %swap3A_62 = vector.shape_cast %add3A_56 : vector<4x176x224xf32> to vector<1x4x176x224xf32>
    tpu.vector_store %arg9[%swap3A, %swap3A_57, %swap3A_58, %swap3A_59], %swap3A_62 {strides = array<i32>} : memref<2x4x176x224xf32, #tpu.memory_space<vmem>>, vector<1x4x176x224xf32>,
    %get3A_63 = arith.constant 1 : index
    %get3A_64 = arith.constant 0 : index
    %get3A_65 = arith.constant 0 : index
    %get3A_66 = arith.constant 0 : index
    %get3A_67 = vector.load %arg9[%get3A_63, %get3A_64, %get3A_65, %get3A_66] : memref<2x4x176x224xf32, #tpu.memory_space<vmem>>, vector<1x4x176x224xf32>
    %get3A_68 = vector.shape_cast %get3A_67 : vector<1x4x176x224xf32> to vector<4x176x224xf32>
    %add3A_69 = arith.addf %get3A_68, %select_n3A : vector<4x176x224xf32>
    %swap3A_70 = arith.constant 1 : index
    %swap3A_71 = arith.constant 0 : index
    %swap3A_72 = arith.constant 0 : index
    %swap3A_73 = arith.constant 0 : index
    %swap3A_74 = vector.load %arg9[%swap3A_70, %swap3A_71, %swap3A_72, %swap3A_73] : memref<2x4x176x224xf32, #tpu.memory_space<vmem>>, vector<1x4x176x224xf32>
    %swap3A_75 = vector.shape_cast %swap3A_74 : vector<1x4x176x224xf32> to vector<4x176x224xf32>
    %swap3A_76 = vector.shape_cast %add3A_69 : vector<4x176x224xf32> to vector<1x4x176x224xf32>
    tpu.vector_store %arg9[%swap3A_70, %swap3A_71, %swap3A_72, %swap3A_73], %swap3A_76 {strides = array<i32>} : memref<2x4x176x224xf32, #tpu.memory_space<vmem>>, vector<1x4x176x224xf32>,
    %eq3A_77 = arith.constant 7 : i32
    %eq3A_78 = arith.cmpi eq, %arg0, %eq3A_77 : i32
    %convert_element_type3A_79 = arith.extui %eq3A_78 : i1 to i32
    %cond3A_80 = arith.constant 0 : i32
    %cond3A_81 = arith.cmpi ne, %convert_element_type3A_79, %cond3A_80 : i32
    scf.if %cond3A_81 {
      %get3A_82 = arith.constant 0 : index
      %get3A_83 = arith.constant 0 : index
      %get3A_84 = arith.constant 0 : index
      %get3A_85 = arith.constant 0 : index
      %get3A_86 = vector.load %arg9[%get3A_82, %get3A_83, %get3A_84, %get3A_85] : memref<2x4x176x224xf32, #tpu.memory_space<vmem>>, vector<1x4x176x224xf32>
      %get3A_87 = vector.shape_cast %get3A_86 : vector<1x4x176x224xf32> to vector<4x176x224xf32>
      %reduce_sum3A = vector.shape_cast %get3A_87 : vector<4x176x224xf32> to vector<1x4x176x224xf32>
      %reduce_sum3A_88 = arith.constant dense<0.000000e+00> : vector<1xf32>
      %reduce_sum3A_89 = vector.multi_reduction <add>, %reduce_sum3A, %reduce_sum3A_88 [1, 2, 3] : vector<1x4x176x224xf32> to vector<1xf32>
      %reduce_sum3A_90 = vector.shape_cast %reduce_sum3A_89 : vector<1xf32> to vector<1x1x1x1xf32>
      %reduce_sum3A_91 = vector.extract %reduce_sum3A_90[0, 0, 0, 0] : f32 from vector<1x1x1x1xf32>
      %swap3A_92 = arith.constant 0 : index
      %swap3A_93 = memref.load %arg8[%swap3A_92] : memref<2xf32, #tpu.memory_space<smem>>
      memref.store %reduce_sum3A_91, %arg8[%swap3A_92] : memref<2xf32, #tpu.memory_space<smem>>
      %get3A_94 = arith.constant 1 : index
      %get3A_95 = arith.constant 0 : index
      %get3A_96 = arith.constant 0 : index
      %get3A_97 = arith.constant 0 : index
      %get3A_98 = vector.load %arg9[%get3A_94, %get3A_95, %get3A_96, %get3A_97] : memref<2x4x176x224xf32, #tpu.memory_space<vmem>>, vector<1x4x176x224xf32>
      %get3A_99 = vector.shape_cast %get3A_98 : vector<1x4x176x224xf32> to vector<4x176x224xf32>
      %reduce_sum3A_100 = vector.shape_cast %get3A_99 : vector<4x176x224xf32> to vector<1x4x176x224xf32>
      %reduce_sum3A_101 = arith.constant dense<0.000000e+00> : vector<1xf32>
      %reduce_sum3A_102 = vector.multi_reduction <add>, %reduce_sum3A_100, %reduce_sum3A_101 [1, 2, 3] : vector<1x4x176x224xf32> to vector<1xf32>
      %reduce_sum3A_103 = vector.shape_cast %reduce_sum3A_102 : vector<1xf32> to vector<1x1x1x1xf32>
      %reduce_sum3A_104 = vector.extract %reduce_sum3A_103[0, 0, 0, 0] : f32 from vector<1x1x1x1xf32>
      %swap3A_105 = arith.constant 1 : index
      %swap3A_106 = memref.load %arg8[%swap3A_105] : memref<2xf32, #tpu.memory_space<smem>>
      memref.store %reduce_sum3A_104, %arg8[%swap3A_105] : memref<2xf32, #tpu.memory_space<smem>>
    } else {
    }
    return
  }
  func.func @transform_0(%arg0: i32) -> (i32, i32, i32, i32) {
    %c0_i32 = arith.constant 0 : i32
    %c0_i32_0 = arith.constant 0 : i32
    %c0_i32_1 = arith.constant 0 : i32
    %c0_i32_2 = arith.constant 0 : i32
    return %arg0, %c0_i32, %c0_i32_0, %c0_i32_1 : i32, i32, i32, i32
  }
  func.func @transform_1(%arg0: i32) -> (i32, i32, i32, i32) {
    %c1_i32 = arith.constant 1 : i32
    %c0_i32 = arith.constant 0 : i32
    %c0_i32_0 = arith.constant 0 : i32
    %c0_i32_1 = arith.constant 0 : i32
    return %arg0, %c1_i32, %c0_i32, %c0_i32_0 : i32, i32, i32, i32
  }
  func.func @transform_2(%arg0: i32) -> (i32, i32, i32, i32) {
    %c2_i32 = arith.constant 2 : i32
    %c0_i32 = arith.constant 0 : i32
    %c0_i32_0 = arith.constant 0 : i32
    %c0_i32_1 = arith.constant 0 : i32
    return %arg0, %c2_i32, %c0_i32, %c0_i32_0 : i32, i32, i32, i32
  }
  func.func @transform_3(%arg0: i32) -> (i32, i32, i32, i32) {
    %c0_i32 = arith.constant 0 : i32
    %c0_i32_0 = arith.constant 0 : i32
    %c0_i32_1 = arith.constant 0 : i32
    %c0_i32_2 = arith.constant 0 : i32
    return %arg0, %c0_i32, %c0_i32_0, %c0_i32_1 : i32, i32, i32, i32
  }
  func.func @transform_4(%arg0: i32) -> (i32, i32, i32, i32) {
    %c1_i32 = arith.constant 1 : i32
    %c0_i32 = arith.constant 0 : i32
    %c0_i32_0 = arith.constant 0 : i32
    %c0_i32_1 = arith.constant 0 : i32
    return %arg0, %c1_i32, %c0_i32, %c0_i32_0 : i32, i32, i32, i32
  }
  func.func @transform_5(%arg0: i32) -> (i32, i32, i32, i32) {
    %c2_i32 = arith.constant 2 : i32
    %c0_i32 = arith.constant 0 : i32
    %c0_i32_0 = arith.constant 0 : i32
    %c0_i32_1 = arith.constant 0 : i32
    return %arg0, %c2_i32, %c0_i32, %c0_i32_0 : i32, i32, i32, i32
  }
  func.func @transform_6(%arg0: i32) -> (i32, i32, i32) {
    %c0_i32 = arith.constant 0 : i32
    %c0_i32_0 = arith.constant 0 : i32
    %c0_i32_1 = arith.constant 0 : i32
    return %arg0, %c0_i32, %c0_i32_0 : i32, i32, i32
  }
  func.func @transform_7(%arg0: i32) -> i32 {
    %c0_i32 = arith.constant 0 : i32
    %c0_i32_0 = arith.constant 0 : i32
    return %c0_i32 : i32
  }
}

</mosaic_0001>

<sc_bundles>
// kernel: kernel.5.cloned.1.call-start
scs
__scs_entry_jumppad:
0x0: {  	(pc) =	sbr.rel $0x88, $3  }
0x1: {  	(tag) =	ssettag $0x0;
	lr =	simm.s32 $0x1  }
0x2: {  	[smem:$0x3F9E] =	sst lr;
	_ =	strace $0xD0000000  }
0x3: {  	_ = 	snop  }
0x4: {  	_ = 	snop  }
0x5: {  	_ = 	snop  }
0x6: {  	_ = 	snop  }
0x7: {  	_ = 	snop  }
__scs_overlays_trampoline_lowered:
0x8: {  	[smem:$0x3FAD] =	sst s0  }
0x9: {  	[smem:$0x3FAE] =	sst s1  }
0xa: {  	[smem:$0x3FAF] =	sst s2  }
0xb: {  	[smem:$0x3FB0] =	sst s3  }
0xc: {  	[smem:$0x3FB1] =	sst s4  }
0xd: {  	[smem:$0x3FB2] =	sst s5  }
0xe: {  	[smem:$0x3FB3] =	sst s6  }
0xf: {  	[smem:$0x3FB4] =	sst s7  }
0x10: {  	[smem:$0x3FB5] =	sst s8  }
0x11: {  	[smem:$0x3FB6] =	sst s9;
	s0 =	simm.s32 @!p0 $0x0  }
0x12: {  	s1 =	sld [smem:$0x3F9C];
	s0 =	simm.s32 @p0 $0x1  }
0x13: {  	[smem:$0x3FB7] =	sst s0;
	s0 =	simm.s32 @!p1 $0x0  }
0x14: {  	s2 =	sld [smem:$0x3F9B];
	s0 =	simm.s32 @p1 $0x1  }
0x15: {  	[smem:$0x3FB8] =	sst s0;
	s0 =	simm.s32 @!p2 $0x0  }
0x16: {  	s3 =	sld [smem:$0x3FDB];
	s0 =	simm.s32 @p2 $0x1  }
0x17: {  	s4 =	simm.s32 $0x1BF5;
	[smem:$0x3FBA] =	sst s0  }
0x18: {  	s0 =	sld [smem:$0x3F9D];
	_ =	swait.ge [sflag:s4], $0x0  }
0x19: {  	s7 =	sld [smem:$0x3F9E]  }
0x1a: {  	s8 =	sadd.s32 $0xFFFFE003, lr  }
0x1b: {  	s9 =	sadd.s32 $0xFFFFFEF7, lr;
	s5 =	simm.s32 $0xFFFFFFFF;
	p2 =	slt.u32 s8, $0xFFFFF086  }
0x1c: {  	p1 =	slt.u32 s9, $0xF7A;
	s5 =	simm.s32 @!p2 $0x0  }
0x1d: {  	s5 =	simm.s32 @p1 $0x1;
	p0 =	seq.s32 s7, s2  }
0x1e: {  	s7 =	smul.u32 @!p0 $0xF7A, s2;
	p2 =	seq.s32 @!p0 s5, $0x0  }
0x1f: {  	s9 =	smul.u32 $0xF7A, s1;
	s8 =	simm.s32 @!p0 $0x1BF5;
	p2 =	por !p2, p0  }
0x20: {  	[sflag:s8] =	ssyncset.s32 @!p0 $0xFFFFF086;
	s6 =	sadd.s32 @!p0 s3, s7;
	s7 =	simm.s32 @!p0 $0x108  }
0x21: {  	s3 =	sadd.s32 s3, s9;
	s6 =	sadd.s32 @!p0 $0x88, s6;
	s7 =	simm.s32 @p2 $0x1082  }
0x22: {  	[simem:s7], [sflag:s8] =	dma.local @!p0 [hbm:s6], $0xF7A  }
0x23: {  	s9 =	sor.u32 $0xD0000000, s2;
	s6 =	simm.s32 $0x108;
	_ =	swait.ge @!p0 [sflag:s8], $0x0  }
0x24: {  	s3 =	sadd.s32 $0x88, s3;
	s6 =	simm.s32 @!p1 $0x1082;
	[sflag:s4] =	ssyncset.s32 $0xFFFFF086  }
0x25: {  	[simem:s6], [sflag:s4] =	dma.local [hbm:s3], $0xF7A  }
0x26: {  	[smem:$0x3F9E] =	sst s1;
	(tag) =	ssettag s2;
	_ =	strace s9  }
0x27: {  	s1 =	sld [smem:$0x3FAE]  }
0x28: {  	s2 =	sld [smem:$0x3FAF]  }
0x29: {  	s4 =	sld [smem:$0x3FB1]  }
0x2a: {  	p0 =	seq.s32 s5, $0x0;
	s5 =	sld [smem:$0x3FB2]  }
0x2b: {  	s6 =	sld [smem:$0x3FB3]  }
0x2c: {  	s7 =	sld [smem:$0x3FB4]  }
0x2d: {  	s3 =	simm.s32 $0x108;
	s8 =	sld [smem:$0x3FB5]  }
0x2e: {  	s3 =	simm.s32 @!p0 $0x1082;
	s9 =	sld [smem:$0x3FB6]  }
0x2f: {  	lr =	sadd.s32 s0, s3;
	s0 =	sld [smem:$0x3FAD]  }
0x30: {  	s3 =	sld [smem:$0x3FB0]  }
0x31: {  	[smem:$0x3FB9] =	sst s10  }
0x32: {  	s10 =	sld [smem:$0x3FB7];
	_ =	sdelay $0x3  }
0x33: {  	p0 =	seq.s32 s10, $0x1;
	s10 =	sld [smem:$0x3FB9];
	_ =	sdelay $0x3  }
0x34: {  	[smem:$0x3FB9] =	sst s10  }
0x35: {  	s10 =	sld [smem:$0x3FB8];
	_ =	sdelay $0x3  }
0x36: {  	p1 =	seq.s32 s10, $0x1;
	s10 =	sld [smem:$0x3FB9];
	_ =	sdelay $0x3  }
0x37: {  	[smem:$0x3FB9] =	sst s10  }
0x38: {  	s10 =	sld [smem:$0x3FBA]  }
0x39: {  	_ = 	snop;
	(pc) =	sbr.ind lr, $3  }
0x3a: {  	_ = 	snop  }
0x3b: {  	_ = 	snop  }
0x3c: {  	p2 =	seq.s32 s10, $0x1;
	s10 =	sld [smem:$0x3FB9]  }
0x3d: {  	_ =	shalt  }
0x3e: {  	_ =	shalt  }
0x3f: {  	_ =	shalt  }
0x40: {  	_ =	shalt  }
0x41: {  	_ =	shalt  }
0x42: {  	_ =	shalt  }
0x43: {  	_ =	shalt  }
0x44: {  	_ =	shalt  }
0x45: {  	_ =	shalt  }
0x46: {  	_ =	shalt  }
0x47: {  	_ =	shalt  }
0x48: {  	_ =	shalt  }
0x49: {  	_ =	shalt  }
0x4a: {  	_ =	shalt  }
0x4b: {  	_ =	shalt  }
0x4c: {  	_ =	shalt  }
0x4d: {  	_ =	shalt  }
0x4e: {  	_ =	shalt  }
0x4f: {  	_ =	shalt  }
0x50: {  	_ =	shalt  }
0x51: {  	_ =	shalt  }
0x52: {  	_ =	shalt  }
0x53: {  	_ =	shalt  }
0x54: {  	_ =	shalt  }
0x55: {  	_ =	shalt  }
0x56: {  	_ =	shalt  }
0x57: {  	_ =	shalt  }
0x58: {  	_ =	shalt  }
0x59: {  	_ =	shalt  }
0x5a: {  	_ =	shalt  }
0x5b: {  	_ =	shalt  }
0x5c: {  	_ =	shalt  }
0x5d: {  	_ =	shalt  }
0x5e: {  	_ =	shalt  }
0x5f: {  	_ =	shalt  }
0x60: {  	_ =	shalt  }
0x61: {  	_ =	shalt  }
0x62: {  	_ =	shalt  }
0x63: {  	_ =	shalt  }
0x64: {  	_ =	shalt  }
0x65: {  	_ =	shalt  }
0x66: {  	_ =	shalt  }
0x67: {  	_ =	shalt  }
0x68: {  	_ =	shalt  }
0x69: {  	_ =	shalt  }
0x6a: {  	_ =	shalt  }
0x6b: {  	_ =	shalt  }
0x6c: {  	_ =	shalt  }
0x6d: {  	_ =	shalt  }
0x6e: {  	_ =	shalt  }
0x6f: {  	_ =	shalt  }
0x70: {  	_ =	shalt  }
0x71: {  	_ =	shalt  }
0x72: {  	_ =	shalt  }
0x73: {  	_ =	shalt  }
0x74: {  	_ =	shalt  }
0x75: {  	_ =	shalt  }
0x76: {  	_ =	shalt  }
0x77: {  	_ =	shalt  }
0x78: {  	_ =	shalt  }
0x79: {  	_ =	shalt  }
0x7a: {  	_ =	shalt  }
0x7b: {  	_ =	shalt  }
0x7c: {  	_ =	shalt  }
0x7d: {  	_ =	shalt  }
0x7e: {  	_ =	shalt  }
0x7f: {  	_ =	shalt  }
0x80: {  	_ =	shalt  }
0x81: {  	_ =	shalt  }
0x82: {  	_ =	shalt  }
0x83: {  	_ =	shalt  }
0x84: {  	_ =	shalt  }
0x85: {  	_ =	shalt  }
0x86: {  	_ =	shalt  }
0x87: {  	_ =	shalt  }
.Lfunc_end0:
.L_simem_size_0:
called_computation_lowered:
.L_overlay_start_0:
0x88: {  	s2 =	sld [smem:$0x3FD9]  }
0x89: {  	s3 =	sld [smem:$0x3FFE];
	_ =	sdelay $0x1  }
0x8a: {  	s1 =	srdreg.scid  }
0x8b: {  	s0 =	sand.u32 $0x1, s1  }
0x8c: {  	s17 =	sshll.u32 s0, $0xA;
	s2 =	sadd.s32 s3, s2  }
0x8d: {  	s2 =	sadd.s32 s2, s17  }
0x8e: {  	[smem:$0x3FC5] =	sst s2  }
0x8f: {  	_ = 	snop  }
0x90: {  	s2 =	sld [smem:$0x3FC9]  }
0x91: {  	s18 =	sld [smem:$0x3FC8]  }
0x92: {  	s4 =	sld [smem:$0x3FC7];
	(tm) =	ssettm $0x1  }
0x93: {  	s5 =	sld [smem:$0x3FFB];
	_ =	sdelay $0x3  }
0x94: {  	_ =	strace s5  }
0x95: {  	s5 =	sld [smem:$0x3FFC];
	_ =	sdelay $0x3  }
0x96: {  	_ =	strace s5  }
0x97: {  	s5 =	sld [smem:$0x3FFD];
	_ =	sdelay $0x3  }
0x98: {  	_ =	strace s5  }
0x99: {  	_ =	strace $0x8FFFFFFF  }
0x9a: {  	s19 =	sld [smem:$0x3FDB];
	_ =	sdelay $0x1  }
0x9b: {  	s6 =	simm.s32 $_scs_section_size  }
0x9c: {  	s7 =	simm.s32 $_size__tile_overlayer_lowered;
	s8 =	simm.s32 $_tile_overlayer_lowered  }
0x9d: {  	s22 =	simm.s32 $0x1BFF;
	s21 =	sshll.u32 s8, $0x1;
	s5 =	sadd.s32 s6, s19  }
0x9e: {  	s9 =	simm.s32 $0x0;
	s20 =	sshll.u32 s7, $0x1;
	s7 =	sadd.s32 s21, s5  }
0x9f: {  	[timem:s9], [sflag:s22] =	dma.local [hbm:s7], s20  }
0xa0: {  	_ =	swait.ge [sflag:s22], s20  }
0xa1: {  	s6 =	ssub.s32 $0x0, s20;
	[sflag:s22] =	ssyncset.done $0x0  }
0xa2: {  	[sflag:s22] =	ssyncadd.s32 s6;
	_ =	sdelay $0x1  }
0xa3: {  	s23 =	simm.s32 $0x1B8B  }
0xa4: {  	_ =	swait.ge [sflag:s23], $0x1  }
0xa5: {  	[sflag:s23] =	ssyncset.done $0x0  }
0xa6: {  	s25 =	simm.s32 $0x1B8E;
	s24 =	sld [smem:$0x3FFE];
	[sflag:s23] =	ssyncadd.s32 $0xFFFFFFFF  }
0xa7: {  	s26 =	simm.s32 $execute0_lowered;
	[smem:$0x3FD2] =	sst s25  }
0xa8: {  	s7 =	sshll.u32 s26, $0x1;
	_ =	strace $0x80000046;
	[dreg:$0x1] =	wrdreg $0xFFFFFFFF  }
0xa9: {  	s28 =	simm.s32 $_size_execute0_lowered;
	s5 =	sadd.s32 s5, s7;
	[dreg:$0x0] =	wrdreg $0x0  }
0xaa: {  	s7 =	sshll.u32 s28, $0x1;
	[dreg:$0x2] =	wrdreg s5  }
0xab: {  	[dreg:$0x3] =	wrdreg s7  }
0xac: {  	[dreg:$0x4] =	wrdreg $0xC0  }
0xad: {  	_ =	task [dreg:s9], $0x5FFFF  }
0xae: {  	[dreg:$0x1] =	wrdreg $0xFFFFFFFF  }
0xaf: {  	[dreg:$0x0] =	wrdreg $0x60  }
0xb0: {  	[dreg:$0x2] =	wrdreg s2  }
0xb1: {  	[dreg:$0x3] =	wrdreg s18  }
0xb2: {  	[dreg:$0x4] =	wrdreg s4  }
0xb3: {  	[dreg:$0x5] =	wrdreg s24  }
0xb4: {  	[dreg:$0x6] =	wrdreg $0x9  }
0xb5: {  	_ =	task.clear_ibuf [dreg:s9], $0x7FFFF;
	_ =	strace $0x90000046  }
0xb6: {  	s29 =	simm.s32 $0x9;
	_ =	strace $0x80000048  }
0xb7: {  	_ =	swait.ge [sflag:s29], $0x1  }
0xb8: {  	[sflag:s29] =	ssyncadd.s32 $0xFFFFFFFF  }
0xb9: {  	_ =	strace $0x90000048  }
0xba: {  	_ =	sfence  }
0xbb: {  	s30 =	sld [smem:$0x0];
	_ =	sdelay $0x2  }
0xbc: {  	s31 =	sshll.u32 s1, $0xD;
	s1 =	sshrl.u32 s1, $0x2  }
0xbd: {  	s3 =	sand.u32 $0x4000, s31;
	s1 =	sadd.s32 s1, s30  }
0xbe: {  	s0 =	sor.u32 s3, s0;
	s1 =	sshll.u32 s1, $0x11  }
0xbf: {  	s0 =	sor.u32 s1, s0  }
0xc0: {  	s0 =	sadd.s32 $0x8F2B, s0  }
0xc1: {  	[sflag:s0] =	ssyncadd.remote.s32 $0x1  }
0xc2: {  	_ =	sfence.sel $0xFFFF  }
0xc3: {  	[dreg:$0x0] =	wrdreg $0xFFFFFFFF;
	(pc) =	sbr.abs _section_cstart, $3  }
0xc4: {  	[dreg:$0x1] =	wrdreg $0xFFFFFFFF  }
0xc5: {  	_ =	task.clear_ibuf [dreg:s9], $0x2FFFF;
	_ =	strace $0x9FFFFFFF  }
0xc6: {  	(tm) =	ssettm $0x7FFFFFFF  }
0xc7: {  	_ =	shalt  }
tec
execute0_lowered:
.L_overlay_start_1:
0x0: {  	(tag) =	ssettag $0x1  }
0x1: {  	s0 =	rddreg [dreg:$0x0]  }
0x2: {  	s1 =	rddreg [dreg:$0x1]  }
0x3: {  	s2 =	srdreg.scid;
	s5 =	stileid.u32  }
0x4: {  	s3 =	rddreg [dreg:$0x2];
	s4 =	sand.u32 $0x1, s2;
	s22 =	sshll.u32 s5, $0x1  }
0x5: {  	s23 =	rddreg [dreg:$0x3];
	s2 =	simm.s32 $0x0;
	s6 =	sor.u32 s4, s22  }
0x6: {  	[smem:$0x7FF] =	sst s2;
	s4 =	ssub.s32 $0x2, s4;
	s7 =	smul.u32 $0xE000, s6  }
0x7: {  	s8 =	sshll.u32 s6, $0x2;
	s6 =	smul.u32 $0x2A000, s6;
	s24 =	sshrl.u32 s4, $0x1  }
0x8: {  	_ =	strace $0x80000047;
	s5 =	sadd.s32 s8, s23;
	s4 =	ssub.s32 s4, s24  }
0x9: {  	s7 =	sshrl.u32 s7, $0x3;
	s6 =	sshrl.u32 s6, $0x3;
	s30 =	sadd.s32 $0x600, s5  }
0xa: {  	s31 =	smax.u32 s4, $0x1;
	s3 =	sadd.s32 s3, s7;
	[dreg:$0xb] =	wrdreg s30  }
0xb: {  	s25 =	sadd.s32 $0x1600, s6;
	[dreg:$0xc] =	wrdreg s31;
	s26 =	sadd.s32 $0x1600, s3  }
0xc: {  	s28 =	sadd.s32 s0, s25;
	[dreg:$0x5] =	wrdreg s26  }
0xd: {  	s7 =	sadd.s32 s1, s25;
	[dreg:$0x6] =	wrdreg s28  }
0xe: {  	s6 =	sadd.s32 $0x1900, s6;
	s3 =	sadd.s32 $0x1900, s3;
	[dreg:$0x7] =	wrdreg s7  }
0xf: {  	s11 =	simm.s32 $0x1800;
	s0 =	sadd.s32 s0, s6;
	[dreg:$0x8] =	wrdreg s3  }
0x10: {  	s12 =	simm.s32 $0xE000;
	s29 =	sadd.s32 s1, s6;
	[dreg:$0x9] =	wrdreg s0  }
0x11: {  	v0 =	vimm.f32 $1.000000000e+00;
	s24 =	simm.s32 $0x7;
	s25 =	simm.s32 $0x0;
	[dreg:$0xa] =	wrdreg s29  }
.LBB2_1:
0x12: {  	s0 =	rddreg [dreg:$0x5]  }
0x13: {  	[tilespmem:s2], [sflag:$0x1] =	stream.linear.gather [hbm4b:s0+s2], $0x1800, $0x38;
	[tilespmem:$0x15080] =	vst v63  }
0x14: {  	s7 =	rddreg [dreg:$0x6];
	s1 =	simm.s32 $0x3000  }
0x15: {  	[tilespmem:s1], [sflag:$0x2] =	stream.strided.gather [hbm4b:s7+s11], $0x4800, s12, s11, $0x38;
	[tilespmem:$0x15080] =	vst v63  }
0x16: {  	s8 =	rddreg [dreg:$0x7];
	s9 =	simm.s32 $0xC000  }
0x17: {  	[tilespmem:s9], [sflag:$0x3] =	stream.strided.gather [hbm4b:s8+s11], $0x4800, s12, s11, $0x38;
	[tilespmem:$0x15080] =	vst v63  }
0x18: {  	s10 =	rddreg [dreg:$0x8]  }
0x19: {  	[tilespmem:s11], [sflag:$0x4] =	stream.linear.gather [hbm4b:s10+s2], $0x1800, $0x38;
	[tilespmem:$0x15080] =	vst v63  }
0x1a: {  	s13 =	rddreg [dreg:$0x9];
	s14 =	simm.s32 $0x7800  }
0x1b: {  	[tilespmem:s14], [sflag:$0x5] =	stream.strided.gather [hbm4b:s13+s11], $0x4800, s12, s11, $0x38;
	[tilespmem:$0x15080] =	vst v63  }
0x1c: {  	s15 =	rddreg [dreg:$0xa];
	s16 =	simm.s32 $0x10800;
	s17 =	simm.s32 $0x1  }
0x1d: {  	[tilespmem:s16], [sflag:$0x6] =	stream.strided.gather [hbm4b:s15+s11], $0x4800, s12, s11, $0x38;
	[tilespmem:$0x15080] =	vst v63  }
0x1e: {  	_ =	swait.ge [sflag:s17], $0x1800  }
0x1f: {  	[sflag:s17] =	ssyncset.done $0x0  }
0x20: {  	s18 =	simm.s32 $0x2;
	[sflag:s17] =	ssyncadd.s32 $0xFFFFE800  }
0x21: {  	_ =	swait.ge [sflag:s18], $0x4800  }
0x22: {  	s4 =	simm.s32 $0x3;
	s19 =	sand.u32 $0x1, s2;
	[sflag:s18] =	ssyncset.done $0x0  }
0x23: {  	s20 =	sand.u32 $0x1800, s2;
	s3 =	sand.u32 $0x380, s2;
	[sflag:s18] =	ssyncadd.s32 $0xFFFFB800  }
0x24: {  	p0 =	seq.s32 s19, $0x1;
	s0 =	simm.s32 $0x70;
	_ =	swait.ge [sflag:s4], $0x4800  }
0x25: {  	s3 =	sor.u32 s3, s20;
	s0 =	simm.s32 @!p0 $0x0;
	[sflag:s4] =	ssyncset.done $0x0  }
0x26: {  	s7 =	sor.u32 s0, s3;
	[sflag:s4] =	ssyncadd.s32 $0xFFFFB800  }
0x27: {  	s5 =	sadd.s32 $0x1800, s3;
	s21 =	sadd.s32 $0x10, s0;
	v2 =	vld [tilespmem:s7+$0xC000]  }
0x28: {  	s22 =	sor.u32 s0, s5;
	s1 =	sshll.u32 s21, $0x3;
	s8 =	sand.u32 $0x70, s21;
	v5 =	vld [tilespmem:s7+$0x3000]  }
0x29: {  	s9 =	sor.u32 s8, s3;
	s13 =	sand.u32 $0x400, s1;
	v6 =	vld [tilespmem:s22+$0xC000]  }
0x2a: {  	s9 =	sor.u32 s13, s9;
	v7 =	vld [tilespmem:s22+$0x3000]  }
0x2b: {  	v8 =	vld [tilespmem:s9+$0xC000]  }
0x2c: {  	v9 =	vld [tilespmem:s9+$0x0]  }
0x2d: {  	s6 =	sadd.s32 $0x60, s0;
	s26 =	sor.u32 s8, s5;
	v14 =	vld [tilespmem:s9+$0x3000]  }
0x2e: {  	s23 =	sshll.u32 s6, $0x3;
	s28 =	sor.u32 s13, s26;
	s4 =	sand.u32 $0x70, s6;
	v15 =	vld [tilespmem:s7+$0x0]  }
0x2f: {  	s1 =	sand.u32 $0x400, s23;
	s6 =	sor.u32 s4, s3;
	v16 =	vld [tilespmem:s28+$0xC000]  }
0x30: {  	v18 =	vld [tilespmem:s28+$0x3000];
	s6 =	sor.u32 s1, s6  }
0x31: {  	v1 =	vld [tilespmem:s6+$0x0]  }
0x32: {  	s16 =	sadd.s32 $0x30, s0;
	s14 =	sor.u32 s4, s5;
	v10 =	vld [tilespmem:s6+$0xC000]  }
0x33: {  	s23 =	sshll.u32 s16, $0x3;
	s16 =	sand.u32 $0x70, s16;
	s14 =	sor.u32 s1, s14;
	v11 =	vld [tilespmem:s6+$0x3000]  }
0x34: {  	s10 =	sor.u32 s16, s3;
	s23 =	sand.u32 $0x400, s23;
	v12 =	vld [tilespmem:s14+$0xC000]  }
0x35: {  	v13 =	vld [tilespmem:s14+$0x3000];
	s14 =	sor.u32 s23, s10  }
0x36: {  	v20 =	vld [tilespmem:s14+$0xC000]  }
0x37: {  	s29 =	sadd.s32 $0x40, s0;
	s6 =	sadd.s32 $0x3000, s3;
	v23 =	vld [tilespmem:s14+$0x0]  }
0x38: {  	s15 =	sshll.u32 s29, $0x3;
	s7 =	sand.u32 $0x70, s29;
	s30 =	sor.u32 s0, s6;
	v24 =	vld [tilespmem:s14+$0x3000]  }
0x39: {  	s15 =	sand.u32 $0x400, s15;
	s31 =	sor.u32 s7, s6;
	v17 =	vld [tilespmem:s30+$0x3000]  }
0x3a: {  	v19 =	vld [tilespmem:s30+$0xC000];
	s9 =	sor.u32 s15, s31  }
0x3b: {  	s8 =	sor.u32 s8, s6;
	v3 =	vld [tilespmem:s9+$0xC000]  }
0x3c: {  	s19 =	sadd.s32 $0x20, s0;
	s17 =	sor.u32 s16, s5;
	s8 =	sor.u32 s13, s8;
	v4 =	vld [tilespmem:s9+$0x3000]  }
0x3d: {  	s18 =	sor.u32 s7, s5;
	s0 =	sadd.s32 $0x50, s0;
	s7 =	sor.u32 s7, s3;
	v27 =	vld [tilespmem:s8+$0xC000]  }
0x3e: {  	s26 =	sand.u32 $0x70, s0;
	s28 =	sshll.u32 s0, $0x3;
	s0 =	sor.u32 s15, s7;
	v28 =	vld [tilespmem:s8+$0x3000]  }
0x3f: {  	s9 =	sor.u32 s23, s17;
	v32 =	vld [tilespmem:s0+$0xC000]  }
0x40: {  	s22 =	sor.u32 s16, s6;
	v21 =	vld [tilespmem:s9+$0xC000]  }
0x41: {  	s8 =	sor.u32 s23, s22;
	v22 =	vld [tilespmem:s9+$0x3000]  }
0x42: {  	v2 =	vsub.f32 v5, v2;
	v5 =	vsub.f32 v7, v6;
	s9 =	sor.u32 s15, s18;
	v7 =	vld [tilespmem:s8+$0x3000]  }
0x43: {  	s20 =	sand.u32 $0x70, s19;
	s14 =	sshll.u32 s19, $0x3;
	v25 =	vld [tilespmem:s9+$0xC000]  }
0x44: {  	s21 =	sor.u32 s20, s3;
	s14 =	sand.u32 $0x400, s14;
	v26 =	vld [tilespmem:s9+$0x3000]  }
0x45: {  	v6 =	vimm.f32 $0.0e+00;
	s9 =	sor.u32 s14, s21;
	v10 =	vsub.f32 v11, v10;
	v11 =	vsub.f32 v13, v12;
	v12 =	vld [tilespmem:s8+$0xC000]  }
0x46: {  	s23 =	sor.u32 s20, s6;
	v8 =	vsub.f32 v14, v8;
	vm0 =	veq.s32 v15, $0x0;
	vm14 =	veq.s32 v9, $0x0;
	v29 =	vld [tilespmem:s9+$0x0]  }
0x47: {  	v31 =	vsel vm0, $0x0, v0;
	v15 =	vsel vm14, $0x0, v0;
	v13 =	vsub.f32 v18, v16;
	s8 =	sor.u32 s14, s23;
	v16 =	vld [tilespmem:s9+$0xC000]  }
0x48: {  	s3 =	sor.u32 s26, s3;
	s29 =	sand.u32 $0x400, s28;
	v5 =	vand.u32 $0x7FFFFFFF, v5;
	v2 =	vand.u32 $0x7FFFFFFF, v2;
	v8 =	vand.u32 $0x7FFFFFFF, v8;
	v30 =	vld [tilespmem:s8+$0xC000]  }
0x49: {  	s3 =	sor.u32 s29, s3;
	v2 =	vadd.f32 v5, v2;
	v18 =	vsub.f32 v24, v20;
	v5 =	vand.u32 $0x7FFFFFFF, v11;
	v11 =	vld [tilespmem:s9+$0x3000]  }
0x4a: {  	v20 =	vadd.f32 v31, v6;
	v9 =	vsub.f32 v17, v19;
	v19 =	vld [tilespmem:s3+$0xC000];
	v10 =	vand.u32 $0x7FFFFFFF, v10  }
0x4b: {  	vm1 =	veq.s32 v23, $0x0;
	v13 =	vand.u32 $0x7FFFFFFF, v13;
	v5 =	vadd.f32 v5, v10;
	v10 =	vld [tilespmem:s0+$0x3000]  }
0x4c: {  	s30 =	sor.u32 s20, s5;
	v23 =	vadd.f32 v15, v20;
	v24 =	vand.u32 $0x7FFFFFFF, v18;
	v14 =	vsub.f32 v22, v21;
	v22 =	vld [tilespmem:s8+$0x3000]  }
0x4d: {  	v8 =	vadd.f32 v13, v8;
	v9 =	vand.u32 $0x7FFFFFFF, v9;
	v21 =	vld [tilespmem:s3+$0x3000];
	s8 =	sor.u32 s14, s30;
	v17 =	vsub.f32 v26, v25  }
0x4e: {  	s5 =	sor.u32 s26, s5;
	v2 =	vadd.f32 v9, v2;
	v25 =	vsub.f32 v28, v27;
	v20 =	vld [tilespmem:s8+$0xC000];
	vm15 =	veq.s32 v29, $0x0  }
0x4f: {  	s5 =	sor.u32 s29, s5;
	v12 =	vsub.f32 v7, v12;
	v28 =	vld [tilespmem:s8+$0x3000];
	v14 =	vand.u32 $0x7FFFFFFF, v14;
	v9 =	vsel vm15, $0x0, v0  }
0x50: {  	s31 =	sor.u32 s26, s6;
	v26 =	vld [tilespmem:s5+$0xC000];
	v29 =	vadd.f32 v14, v24;
	v13 =	vand.u32 $0x7FFFFFFF, v25;
	v49 =	vsub.f32 v11, v16  }
0x51: {  	s4 =	sor.u32 s4, s6;
	s7 =	sor.u32 s29, s31;
	v24 =	vld [tilespmem:s5+$0x3000];
	v7 =	vadd.f32 v9, v23;
	v23 =	vmul.f32 v2, v31;
	v31 =	vadd.f32 v13, v8  }
0x52: {  	s4 =	sor.u32 s1, s4;
	v18 =	vsel vm1, $0x0, v0;
	v25 =	vsub.f32 v10, v32;
	v21 =	vsub.f32 v21, v19;
	v19 =	vld [tilespmem:s7+$0x3000]  }
0x53: {  	s1 =	simm.s32 $0x40;
	s26 =	simm.s32 $0x80;
	s8 =	simm.s32 $0x1;
	v45 =	vand.u32 $0x7FFFFFFF, v12;
	v27 =	vsub.f32 v22, v30;
	v22 =	vld [tilespmem:s7+$0xC000];
	v7 =	vadd.f32 v18, v7  }
.LBB2_2:
0x54: {  	s5 =	sand.u32 $0x1, s8;
	s6 =	sand.u32 $0x1800, s26  }
0x55: {  	s7 =	sand.u32 $0x380, s1;
	v2 =	vsub.f32 v28, v20;
	v8 =	vadd.f32 v45, v29;
	vm0 =	veq.s32 v1, $0x0;
	v1 =	vld [tilespmem:s4+$0x3000];
	s9 =	smov.u32 s8;
	s28 =	sadd.s32 $0x1, s8  }
0x56: {  	v6 =	vadd.f32 v23, v6;
	v11 =	vand.u32 $0x7FFFFFFF, v17;
	p0 =	seq.s32 s5, $0x1;
	s6 =	sor.u32 s7, s6;
	v10 =	vand.u32 $0x7FFFFFFF, v49;
	v12 =	vld [tilespmem:s4+$0xC000];
	s5 =	simm.s32 $0x70  }
0x57: {  	v13 =	vmul.f32 v31, v15;
	v15 =	vsel vm0, $0x0, v0;
	s5 =	simm.s32 @!p0 $0x0;
	s7 =	sadd.s32 $0x1800, s6;
	p0 =	sne.s32 s8, $0x2F;
	v2 =	vand.u32 $0x7FFFFFFF, v2;
	v14 =	vld [tilespmem:s3+$0x0]  }
0x58: {  	s4 =	sor.u32 s5, s6;
	s3 =	sadd.s32 $0x10, s5;
	s9 =	sadd.s32 $0x60, s5;
	v2 =	vadd.f32 v2, v10;
	v10 =	vand.u32 $0x7FFFFFFF, v27;
	v16 =	vld [tilespmem:s0+$0x0];
	v17 =	vsub.f32 v24, v26  }
0x59: {  	v3 =	vsub.f32 v4, v3;
	v6 =	vadd.f32 v13, v6;
	v13 =	vand.u32 $0x7FFFFFFF, v25;
	v20 =	vld [tilespmem:s4+$0xC000];
	s8 =	sand.u32 $0x70, s3;
	s0 =	sshll.u32 s3, $0x3;
	s13 =	sshll.u32 s9, $0x3  }
0x5a: {  	v8 =	vmul.f32 v8, v18;
	s15 =	sor.u32 s5, s7;
	s3 =	sadd.s32 $0x50, s5;
	v4 =	vld [tilespmem:s4+$0x3000];
	s16 =	sor.u32 s8, s6;
	v2 =	vadd.f32 v10, v2;
	v10 =	vadd.f32 v11, v13  }
0x5b: {  	v3 =	vand.u32 $0x7FFFFFFF, v3;
	s14 =	sadd.s32 $0x30, s5;
	s30 =	sand.u32 $0x400, s0;
	s0 =	sand.u32 $0x400, s13;
	v13 =	vand.u32 $0x7FFFFFFF, v21;
	v17 =	vand.u32 $0x7FFFFFFF, v17;
	v11 =	vld [tilespmem:s15+$0xC000]  }
0x5c: {  	s9 =	sand.u32 $0x70, s9;
	s13 =	sor.u32 s8, s7;
	s31 =	sor.u32 s30, s16;
	v18 =	vld [tilespmem:s15+$0x3000];
	v2 =	vmul.f32 v2, v9;
	v9 =	vadd.f32 v17, v13;
	v13 =	vsub.f32 v19, v22  }
0x5d: {  	s10 =	sadd.s32 $0x20, s5;
	s17 =	sshll.u32 s14, $0x3;
	s23 =	sor.u32 s9, s6;
	v3 =	vadd.f32 v3, v10;
	vm0 =	veq.s32 v14, $0x0;
	v10 =	vsub.f32 v1, v12;
	v17 =	vld [tilespmem:s31+$0xC000]  }
0x5e: {  	s16 =	sor.u32 s30, s13;
	s18 =	sor.u32 s0, s23;
	s15 =	sadd.s32 $0x40, s5;
	vm1 =	veq.s32 v16, $0x0;
	v12 =	vld [tilespmem:s31+$0x0];
	v2 =	vadd.f32 v2, v6;
	v6 =	vand.u32 $0x7FFFFFFF, v13  }
0x5f: {  	s29 =	sadd.s32 $0x3000, s6;
	s19 =	sand.u32 $0x70, s10;
	s20 =	sor.u32 s9, s7;
	v10 =	vand.u32 $0x7FFFFFFF, v10;
	v4 =	vsub.f32 v4, v20;
	v1 =	vld [tilespmem:s18+$0x0]  }
0x60: {  	s23 =	sor.u32 s5, s29;
	s13 =	sor.u32 s19, s29;
	s20 =	sor.u32 s0, s20;
	v14 =	vsel vm1, $0x0, v0;
	v6 =	vadd.f32 v6, v9;
	v5 =	vadd.f32 v10, v5;
	v13 =	vld [tilespmem:s18+$0xC000]  }
0x61: {  	s21 =	sand.u32 $0x70, s3;
	s5 =	sor.u32 s8, s29;
	v3 =	vmul.f32 v3, v14;
	v2 =	vadd.f32 v8, v2;
	v9 =	vsub.f32 v18, v11;
	v10 =	vld [tilespmem:s18+$0x3000];
	s18 =	sor.u32 s9, s29  }
0x62: {  	s8 =	sor.u32 s30, s5;
	s5 =	sor.u32 s21, s7;
	v7 =	vadd.f32 v14, v7;
	s9 =	sor.u32 s19, s7;
	v11 =	vsel vm0, $0x0, v0;
	v5 =	vmul.f32 v5, v15;
	v8 =	vld [tilespmem:s20+$0xC000]  }
0x63: {  	s10 =	sshll.u32 s10, $0x3;
	s30 =	sand.u32 $0x70, s14;
	s19 =	sor.u32 s19, s6;
	v2 =	vadd.f32 v3, v2;
	v3 =	vmul.f32 v6, v11;
	v9 =	vand.u32 $0x7FFFFFFF, v9;
	v14 =	vld [tilespmem:s20+$0x3000]  }
0x64: {  	s14 =	sand.u32 $0x400, s10;
	s10 =	sor.u32 s30, s6;
	v6 =	vadd.f32 v11, v7;
	s20 =	sshll.u32 s15, $0x3;
	v16 =	vld [tilespmem:s31+$0x3000]  }
0x65: {  	s17 =	sand.u32 $0x400, s17;
	s31 =	sor.u32 s30, s29;
	s20 =	sand.u32 $0x400, s20;
	v2 =	vadd.f32 v3, v2;
	v7 =	vld [tilespmem:s4+$0x0]  }
0x66: {  	s22 =	sor.u32 s21, s6;
	s30 =	sor.u32 s30, s7;
	s4 =	sor.u32 s0, s18;
	v11 =	vld [tilespmem:s16+$0xC000];
	v10 =	vsub.f32 v10, v13;
	v13 =	vadd.f32 v15, v6  }
0x67: {  	s10 =	sor.u32 s17, s10;
	v3 =	vand.u32 $0x7FFFFFFF, v4;
	s0 =	sand.u32 $0x70, s15;
	s15 =	sor.u32 s21, s29;
	v6 =	vadd.f32 v5, v2;
	v18 =	vld [tilespmem:s23+$0x3000]  }
0x68: {  	v2 =	vadd.f32 v9, v3;
	s7 =	sor.u32 s0, s7;
	s18 =	sor.u32 s0, s29;
	v4 =	vld [tilespmem:s16+$0x3000];
	s16 =	sor.u32 s0, s6;
	v3 =	vsub.f32 v14, v8  }
0x69: {  	s6 =	sor.u32 s14, s19;
	v8 =	vsub.f32 v16, v17;
	v5 =	vld [tilespmem:s10+$0xC000];
	s0 =	sor.u32 s20, s16  }
0x6a: {  	s19 =	sor.u32 s20, s7;
	s7 =	sor.u32 s20, s18;
	s16 =	sor.u32 s17, s30;
	v9 =	vld [tilespmem:s23+$0xC000];
	v14 =	vand.u32 $0x7FFFFFFF, v3  }
0x6b: {  	v16 =	vld [tilespmem:s0+$0xC000]  }
0x6c: {  	v3 =	vld [tilespmem:s7+$0xC000]  }
0x6d: {  	v11 =	vsub.f32 v4, v11;
	v4 =	vld [tilespmem:s7+$0x3000]  }
0x6e: {  	v22 =	vld [tilespmem:s0+$0x3000]  }
0x6f: {  	s3 =	sshll.u32 s3, $0x3;
	v11 =	vand.u32 $0x7FFFFFFF, v11;
	v15 =	vld [tilespmem:s10+$0x0]  }
0x70: {  	vm0 =	veq.s32 v7, $0x0;
	s7 =	sand.u32 $0x400, s3;
	v7 =	vld [tilespmem:s6+$0x0]  }
0x71: {  	v19 =	vsel vm0, $0x0, v0;
	s3 =	sor.u32 s7, s22;
	v17 =	vld [tilespmem:s16+$0xC000]  }
0x72: {  	v20 =	vld [tilespmem:s16+$0x3000];
	s16 =	sor.u32 s17, s31  }
0x73: {  	v21 =	vld [tilespmem:s19+$0xC000]  }
0x74: {  	vm1 =	veq.s32 v12, $0x0;
	vm0 =	veq.s32 v15, $0x0;
	v12 =	vld [tilespmem:s3+$0xC000]  }
0x75: {  	v15 =	vsel vm1, $0x0, v0;
	v23 =	vld [tilespmem:s10+$0x3000]  }
0x76: {  	s9 =	sor.u32 s14, s9;
	v13 =	vadd.f32 v19, v13;
	v24 =	vld [tilespmem:s19+$0x3000]  }
0x77: {  	v25 =	vsub.f32 v20, v17;
	v26 =	vld [tilespmem:s3+$0x3000]  }
0x78: {  	v27 =	vld [tilespmem:s16+$0x3000]  }
0x79: {  	v9 =	vsub.f32 v18, v9;
	v18 =	vld [tilespmem:s8+$0xC000]  }
0x7a: {  	v30 =	vld [tilespmem:s6+$0xC000];
	v5 =	vsub.f32 v23, v5  }
0x7b: {  	v9 =	vand.u32 $0x7FFFFFFF, v9;
	v13 =	vadd.f32 v15, v13;
	v28 =	vld [tilespmem:s8+$0x3000];
	v17 =	vsub.f32 v24, v21  }
0x7c: {  	v2 =	vadd.f32 v9, v2;
	vm1 =	veq.s32 v7, $0x0;
	v7 =	vand.u32 $0x7FFFFFFF, v5;
	v21 =	vld [tilespmem:s16+$0xC000]  }
0x7d: {  	v9 =	vsel vm1, $0x0, v0;
	v20 =	vld [tilespmem:s9+$0xC000]  }
0x7e: {  	v23 =	vmul.f32 v2, v19;
	v5 =	vand.u32 $0x7FFFFFFF, v10;
	v2 =	vld [tilespmem:s6+$0x3000];
	s6 =	sor.u32 s14, s13  }
0x7f: {  	v5 =	vadd.f32 v14, v5;
	v10 =	vld [tilespmem:s6+$0x3000]  }
0x80: {  	v13 =	vadd.f32 v9, v13;
	v14 =	vsub.f32 v28, v18;
	v32 =	vld [tilespmem:s6+$0xC000]  }
.Ltmp0:
0x81: {  	v8 =	vand.u32 $0x7FFFFFFF, v8;
	v19 =	vand.u32 $0x7FFFFFFF, v25;
	s6 =	sor.u32 s7, s15;
	v28 =	vld [tilespmem:s9+$0x3000];
	v25 =	vsub.f32 v27, v21;
	(pc) =	sbr.rel @p0 .LBB2_2-.Ltmp0, $4  }
0x82: {  	s5 =	sor.u32 s7, s5;
	v8 =	vadd.f32 v11, v8;
	v29 =	vadd.f32 v19, v7;
	v18 =	vsel vm0, $0x0, v0;
	v19 =	vld [tilespmem:s6+$0x3000]  }
0x83: {  	v7 =	vadd.f32 v18, v13;
	v21 =	vsub.f32 v26, v12;
	v11 =	vand.u32 $0x7FFFFFFF, v14;
	v24 =	vld [tilespmem:s5+$0x3000]  }
0x84: {  	v31 =	vadd.f32 v11, v8;
	v45 =	vand.u32 $0x7FFFFFFF, v25;
	v25 =	vsub.f32 v22, v16;
	v26 =	vld [tilespmem:s5+$0xC000]  }
0x85: {  	s1 =	sadd.s32 $0x40, s1;
	s26 =	sadd.s32 $0x80, s26;
	s8 =	smov.u32 s28;
	v49 =	vsub.f32 v2, v30;
	v27 =	vsub.f32 v10, v32;
	v22 =	vld [tilespmem:s6+$0xC000]  }
0x86: {  	v37 =	vld [tilespmem:s4+$0x3000]  }
0x87: {  	v38 =	vld [tilespmem:s4+$0xC000]  }
0x88: {  	v35 =	vld [tilespmem:s3+$0x0];
	s17 =	simm.s32 $0x4  }
0x89: {  	v33 =	vld [tilespmem:s0+$0x0];
	_ =	swait.ge [sflag:s17], $0x1800  }
0x8a: {  	[sflag:s17] =	ssyncset.done $0x0  }
0x8b: {  	s18 =	simm.s32 $0x5;
	[sflag:s17] =	ssyncadd.s32 $0xFFFFE800  }
0x8c: {  	s19 =	simm.s32 $0x6;
	s20 =	simm.s32 $0x0;
	_ =	swait.ge [sflag:s18], $0x4800  }
0x8d: {  	s8 =	simm.s32 $0x70;
	s1 =	sand.u32 $0x1, s20;
	[sflag:s18] =	ssyncset.done $0x0  }
0x8e: {  	s21 =	sand.u32 $0x1800, s20;
	s0 =	sand.u32 $0x380, s20;
	[sflag:s18] =	ssyncadd.s32 $0xFFFFB800  }
0x8f: {  	p0 =	seq.s32 s1, $0x1;
	s0 =	sor.u32 s0, s21;
	_ =	swait.ge [sflag:s19], $0x4800  }
0x90: {  	s8 =	simm.s32 @!p0 $0x0;
	s26 =	sadd.s32 $0x1800, s0;
	[sflag:s19] =	ssyncset.done $0x0  }
0x91: {  	s14 =	sadd.s32 $0x7800, s0;
	s22 =	sor.u32 s8, s26;
	[sflag:s19] =	ssyncadd.s32 $0xFFFFB800  }
0x92: {  	s23 =	sor.u32 s8, s14;
	v2 =	vld [tilespmem:s22+$0x0]  }
0x93: {  	s4 =	sadd.s32 $0x4800, s0;
	v30 =	vld [tilespmem:s23+$0x3000]  }
0x94: {  	s5 =	sor.u32 s8, s4;
	v34 =	vld [tilespmem:s23+$0xC000]  }
0x95: {  	s3 =	sor.u32 $0x6000, s0;
	s1 =	sadd.s32 $0x60, s8;
	v32 =	vld [tilespmem:s5+$0x3000]  }
0x96: {  	s6 =	sor.u32 s8, s3;
	s28 =	sand.u32 $0x70, s1;
	s0 =	sshll.u32 s1, $0x3;
	v36 =	vld [tilespmem:s5+$0xC000]  }
0x97: {  	s29 =	sand.u32 $0x400, s0;
	s9 =	sor.u32 s28, s14;
	v39 =	vld [tilespmem:s6+$0x3000]  }
0x98: {  	s0 =	sor.u32 s29, s9;
	v41 =	vld [tilespmem:s6+$0xC000]  }
0x99: {  	s15 =	sor.u32 s28, s3;
	v40 =	vld [tilespmem:s0+$0x3000]  }
0x9a: {  	s16 =	sor.u32 s29, s15;
	v42 =	vld [tilespmem:s0+$0xC000]  }
0x9b: {  	s7 =	sadd.s32 $0x50, s8;
	s13 =	sor.u32 s28, s4;
	v48 =	vld [tilespmem:s16+$0x3000]  }
0x9c: {  	s1 =	sand.u32 $0x70, s7;
	s5 =	sshll.u32 s7, $0x3;
	s0 =	sor.u32 s29, s13;
	v53 =	vld [tilespmem:s16+$0xC000]  }
0x9d: {  	s10 =	sor.u32 s1, s14;
	s6 =	sand.u32 $0x400, s5;
	v43 =	vld [tilespmem:s0+$0x3000]  }
0x9e: {  	v46 =	vld [tilespmem:s0+$0xC000];
	s5 =	sor.u32 s6, s10  }
0x9f: {  	s9 =	sadd.s32 $0x40, s8;
	s19 =	sor.u32 s1, s4;
	v44 =	vld [tilespmem:s5+$0x3000]  }
0xa0: {  	s17 =	sshll.u32 s9, $0x3;
	s7 =	sand.u32 $0x70, s9;
	s20 =	sor.u32 s6, s19;
	v47 =	vld [tilespmem:s5+$0xC000]  }
0xa1: {  	s13 =	sand.u32 $0x400, s17;
	s18 =	sor.u32 s7, s14;
	v11 =	vld [tilespmem:s20+$0x3000]  }
0xa2: {  	s5 =	sor.u32 s13, s18;
	v12 =	vld [tilespmem:s20+$0xC000]  }
0xa3: {  	s21 =	sadd.s32 $0x30, s8;
	s10 =	sor.u32 s1, s3;
	v8 =	vld [tilespmem:s5+$0x3000]  }
0xa4: {  	v28 =	vsub.f32 v28, v20;
	s9 =	sshll.u32 s21, $0x3;
	s0 =	sand.u32 $0x70, s21;
	s22 =	sor.u32 s6, s10;
	v10 =	vld [tilespmem:s5+$0xC000]  }
0xa5: {  	s15 =	sand.u32 $0x400, s9;
	s23 =	sor.u32 s0, s14;
	v13 =	vld [tilespmem:s22+$0x3000]  }
0xa6: {  	v50 =	vadd.f32 v23, v6;
	v23 =	vand.u32 $0x7FFFFFFF, v49;
	v28 =	vand.u32 $0x7FFFFFFF, v28;
	s9 =	sor.u32 s15, s23;
	v14 =	vld [tilespmem:s22+$0xC000]  }
0xa7: {  	v28 =	vadd.f32 v28, v23;
	v26 =	vsub.f32 v24, v26;
	s19 =	sor.u32 s0, s4;
	v16 =	vld [tilespmem:s9+$0x3000]  }
0xa8: {  	v31 =	vmul.f32 v31, v15;
	v27 =	vand.u32 $0x7FFFFFFF, v27;
	s20 =	sor.u32 s15, s19;
	v20 =	vld [tilespmem:s9+$0xC000]  }
0xa9: {  	v21 =	vand.u32 $0x7FFFFFFF, v21;
	v27 =	vadd.f32 v27, v28;
	v28 =	vand.u32 $0x7FFFFFFF, v26;
	s10 =	sor.u32 s7, s4;
	v26 =	vld [tilespmem:s20+$0x3000]  }
0xaa: {  	v25 =	vand.u32 $0x7FFFFFFF, v25;
	v21 =	vadd.f32 v28, v21;
	s5 =	sor.u32 s13, s10;
	v28 =	vld [tilespmem:s20+$0xC000]  }
0xab: {  	v3 =	vsub.f32 v4, v3;
	v63 =	vadd.f32 v31, v50;
	v31 =	vand.u32 $0x7FFFFFFF, v17;
	s17 =	sor.u32 s7, s3;
	v6 =	vld [tilespmem:s5+$0x3000]  }
0xac: {  	v4 =	vadd.f32 v31, v25;
	s10 =	sor.u32 s13, s17;
	v15 =	vld [tilespmem:s5+$0xC000]  }
0xad: {  	v3 =	vand.u32 $0x7FFFFFFF, v3;
	s21 =	sor.u32 s0, s3;
	v23 =	vld [tilespmem:s10+$0x3000]  }
0xae: {  	v3 =	vadd.f32 v3, v4;
	v4 =	vsub.f32 v37, v38;
	s16 =	sadd.s32 $0x20, s8;
	s8 =	sadd.s32 $0x10, s8;
	s22 =	sor.u32 s15, s21;
	v24 =	vld [tilespmem:s10+$0xC000]  }
0xaf: {  	v29 =	vadd.f32 v45, v29;
	v19 =	vsub.f32 v19, v22;
	vm0 =	veq.s32 v33, $0x0;
	s23 =	sand.u32 $0x70, s16;
	s9 =	sshll.u32 s16, $0x3;
	s21 =	sor.u32 s6, s26;
	v31 =	vld [tilespmem:s22+$0x3000]  }
0xb0: {  	v22 =	vsel vm0, $0x0, v0;
	v9 =	vmul.f32 v27, v9;
	v4 =	vand.u32 $0x7FFFFFFF, v4;
	s18 =	sor.u32 s23, s14;
	s5 =	sand.u32 $0x400, s9;
	v33 =	vld [tilespmem:s22+$0xC000];
	s1 =	sor.u32 s1, s21  }
0xb1: {  	v3 =	vmul.f32 v3, v22;
	v4 =	vadd.f32 v4, v5;
	v5 =	vadd.f32 v22, v7;
	s16 =	sand.u32 $0x70, s8;
	s8 =	sshll.u32 s8, $0x3;
	s9 =	sor.u32 s5, s18;
	v22 =	vld [tilespmem:s1+$0x0]  }
0xb2: {  	v18 =	vmul.f32 v29, v18;
	v9 =	vadd.f32 v9, v63;
	s8 =	sand.u32 $0x400, s8;
	s17 =	sor.u32 s16, s14;
	v17 =	vld [tilespmem:s9+$0x3000]  }
0xb3: {  	v19 =	vand.u32 $0x7FFFFFFF, v19;
	s10 =	sor.u32 s8, s17;
	v25 =	vld [tilespmem:s9+$0xC000]  }
0xb4: {  	vm1 =	veq.s32 v35, $0x0;
	v19 =	vadd.f32 v19, v21;
	v9 =	vadd.f32 v18, v9;
	s19 =	sor.u32 s23, s3;
	v35 =	vld [tilespmem:s10+$0x3000]  }
0xb5: {  	vm15 =	veq.s32 v1, $0x0;
	v7 =	vsel vm1, $0x0, v0;
	s20 =	sor.u32 s5, s19;
	v38 =	vld [tilespmem:s10+$0xC000]  }
0xb6: {  	v5 =	vadd.f32 v7, v5;
	v1 =	vadd.f32 v3, v9;
	v3 =	vmul.f32 v19, v7;
	s3 =	sor.u32 s16, s3;
	v49 =	vld [tilespmem:s20+$0x3000]  }
0xb7: {  	v9 =	vsel vm15, $0x0, v0;
	s3 =	sor.u32 s8, s3;
	v51 =	vld [tilespmem:s20+$0xC000]  }
0xb8: {  	v3 =	vadd.f32 v3, v1;
	v1 =	vadd.f32 v9, v5;
	s18 =	sor.u32 s23, s4;
	v5 =	vld [tilespmem:s3+$0x3000]  }
0xb9: {  	v39 =	vsub.f32 v39, v41;
	s9 =	sor.u32 s5, s18;
	v41 =	vld [tilespmem:s3+$0xC000]  }
0xba: {  	v52 =	vsub.f32 v30, v34;
	s4 =	sor.u32 s16, s4;
	v37 =	vld [tilespmem:s9+$0x3000]  }
0xbb: {  	v4 =	vmul.f32 v4, v9;
	v7 =	vsub.f32 v32, v36;
	v18 =	vsub.f32 v40, v42;
	s4 =	sor.u32 s8, s4;
	v45 =	vld [tilespmem:s9+$0xC000]  }
0xbc: {  	s30 =	simm.s32 $0x40;
	s31 =	simm.s32 $0x80;
	s22 =	sor.u32 s13, s26;
	v21 =	vsub.f32 v48, v53;
	v19 =	vsub.f32 v43, v46;
	v50 =	vld [tilespmem:s4+$0x3000]  }
0xbd: {  	s1 =	simm.s32 $0x1;
	v3 =	vadd.f32 v4, v3;
	s3 =	sor.u32 s15, s26;
	v4 =	vld [tilespmem:s4+$0xC000];
	v9 =	vsub.f32 v44, v47;
	s4 =	sor.u32 s7, s22  }
.LBB2_4:
0xbe: {  	p0 =	sne.s32 s1, $0x2F;
	s5 =	sor.u32 s5, s26;
	s0 =	sor.u32 s0, s3;
	v27 =	vld [tilespmem:s4+$0x0];
	v8 =	vsub.f32 v8, v10;
	v10 =	vsub.f32 v11, v12  }
0xbf: {  	s3 =	sand.u32 $0x1, s1;
	s4 =	sor.u32 s8, s26;
	v12 =	vsub.f32 v16, v20;
	v13 =	vsub.f32 v13, v14;
	s5 =	sor.u32 s23, s5;
	v11 =	vld [tilespmem:s0+$0x0]  }
0xc0: {  	s6 =	sand.u32 $0x380, s30;
	v6 =	vsub.f32 v6, v15;
	v15 =	vsub.f32 v23, v24;
	s0 =	sand.u32 $0x1800, s31;
	s4 =	sor.u32 s16, s4;
	v14 =	vld [tilespmem:s5+$0x0]  }
0xc1: {  	vm0 =	veq.s32 v2, $0x0;
	v17 =	vsub.f32 v17, v25;
	v20 =	vsub.f32 v26, v28;
	p1 =	seq.s32 s3, $0x1;
	s16 =	simm.s32 $0x70;
	s3 =	sor.u32 s6, s0;
	v16 =	vld [tilespmem:s4+$0x0]  }
0xc2: {  	v24 =	vsub.f32 v35, v38;
	v25 =	vsub.f32 v31, v33;
	v23 =	vsel vm0, $0x0, v0;
	s16 =	simm.s32 @!p1 $0x0;
	s0 =	sadd.s32 $0x1800, s3  }
0xc3: {  	v26 =	vand.u32 $0x7FFFFFFF, v52;
	v28 =	vsub.f32 v37, v45;
	v29 =	vsub.f32 v49, v51;
	s15 =	sadd.s32 $0x7800, s3;
	s4 =	sor.u32 s16, s0  }
0xc4: {  	v30 =	vand.u32 $0x7FFFFFFF, v7;
	v31 =	vand.u32 $0x7FFFFFFF, v39;
	v32 =	vsub.f32 v50, v4;
	v2 =	vld [tilespmem:s4+$0x0];
	s4 =	sor.u32 s16, s15  }
0xc5: {  	s13 =	sadd.s32 $0x4800, s3;
	v33 =	vsub.f32 v5, v41;
	vm0 =	veq.s32 v22, $0x0;
	vm1 =	veq.s32 v27, $0x0;
	v4 =	vld [tilespmem:s4+$0x3000]  }
0xc6: {  	s5 =	sor.u32 s16, s13;
	vm2 =	veq.s32 v11, $0x0;
	vm3 =	veq.s32 v14, $0x0;
	v5 =	vld [tilespmem:s4+$0xC000];
	vm4 =	veq.s32 v16, $0x0  }
0xc7: {  	s14 =	sor.u32 $0x6000, s3;
	s3 =	sadd.s32 $0x60, s16;
	v11 =	vadd.f32 v31, v30;
	v14 =	vand.u32 $0x7FFFFFFF, v9;
	v16 =	vand.u32 $0x7FFFFFFF, v18;
	v7 =	vld [tilespmem:s5+$0x3000]  }
0xc8: {  	v35 =	vand.u32 $0x7FFFFFFF, v21;
	v8 =	vand.u32 $0x7FFFFFFF, v8;
	v31 =	vand.u32 $0x7FFFFFFF, v19;
	s4 =	sor.u32 s16, s14;
	v9 =	vld [tilespmem:s5+$0xC000];
	s5 =	sand.u32 $0x70, s3;
	s3 =	sshll.u32 s3, $0x3  }
0xc9: {  	v12 =	vand.u32 $0x7FFFFFFF, v12;
	v10 =	vand.u32 $0x7FFFFFFF, v10;
	v13 =	vand.u32 $0x7FFFFFFF, v13;
	s6 =	sadd.s32 $0x50, s16;
	v18 =	vld [tilespmem:s4+$0x3000];
	s8 =	sand.u32 $0x400, s3;
	s7 =	sor.u32 s5, s15  }
0xca: {  	v17 =	vand.u32 $0x7FFFFFFF, v17;
	v6 =	vand.u32 $0x7FFFFFFF, v6;
	v15 =	vand.u32 $0x7FFFFFFF, v15;
	s3 =	sand.u32 $0x70, s6;
	v19 =	vld [tilespmem:s4+$0xC000];
	s4 =	sshll.u32 s6, $0x3;
	s6 =	sor.u32 s8, s7  }
0xcb: {  	v28 =	vand.u32 $0x7FFFFFFF, v28;
	v27 =	vand.u32 $0x7FFFFFFF, v32;
	v30 =	vand.u32 $0x7FFFFFFF, v33;
	s7 =	sor.u32 s3, s15;
	s4 =	sand.u32 $0x400, s4;
	v21 =	vld [tilespmem:s6+$0x3000]  }
0xcc: {  	v29 =	vand.u32 $0x7FFFFFFF, v29;
	v11 =	vadd.f32 v26, v11;
	v26 =	vadd.f32 v30, v27;
	s7 =	sor.u32 s4, s7;
	v22 =	vld [tilespmem:s6+$0xC000]  }
0xcd: {  	v24 =	vand.u32 $0x7FFFFFFF, v24;
	v20 =	vand.u32 $0x7FFFFFFF, v20;
	v28 =	vadd.f32 v29, v28;
	s6 =	sor.u32 s5, s13;
	v27 =	vld [tilespmem:s7+$0x3000]  }
0xce: {  	v25 =	vand.u32 $0x7FFFFFFF, v25;
	v11 =	vmul.f32 v11, v23;
	v24 =	vadd.f32 v24, v26;
	s6 =	sor.u32 s8, s6;
	v30 =	vld [tilespmem:s7+$0xC000]  }
0xcf: {  	v20 =	vadd.f32 v25, v20;
	v17 =	vadd.f32 v17, v28;
	v26 =	vsel vm4, $0x0, v0;
	s7 =	sor.u32 s5, s14;
	v29 =	vld [tilespmem:s6+$0x3000]  }
0xd0: {  	v1 =	vadd.f32 v23, v1;
	s9 =	sadd.s32 $0x40, s16;
	v3 =	vadd.f32 v11, v3;
	v11 =	vmul.f32 v24, v26;
	s10 =	sor.u32 s8, s7;
	s7 =	sor.u32 s29, s26;
	v32 =	vld [tilespmem:s6+$0xC000]  }
0xd1: {  	v6 =	vadd.f32 v15, v6;
	v12 =	vadd.f32 v12, v20;
	v23 =	vsel vm3, $0x0, v0;
	s6 =	sand.u32 $0x70, s9;
	s9 =	sshll.u32 s9, $0x3;
	s17 =	sor.u32 s28, s7;
	v34 =	vld [tilespmem:s10+$0x3000]  }
0xd2: {  	v1 =	vadd.f32 v26, v1;
	v3 =	vadd.f32 v11, v3;
	v11 =	vmul.f32 v17, v23;
	s26 =	smov.u32 s0;
	s7 =	sand.u32 $0x400, s9;
	s9 =	sor.u32 s6, s15;
	v15 =	vld [tilespmem:s17+$0x0]  }
0xd3: {  	v13 =	vadd.f32 v13, v10;
	v6 =	vadd.f32 v8, v6;
	v17 =	vsel vm2, $0x0, v0;
	s29 =	smov.u32 s8;
	s28 =	smov.u32 s5;
	s0 =	sor.u32 s7, s9;
	v36 =	vld [tilespmem:s10+$0xC000]  }
0xd4: {  	v1 =	vadd.f32 v23, v1;
	v12 =	vmul.f32 v12, v17;
	v3 =	vadd.f32 v11, v3;
	s5 =	sor.u32 s3, s13;
	v8 =	vld [tilespmem:s0+$0x3000]  }
0xd5: {  	v20 =	vsel vm1, $0x0, v0;
	v14 =	vadd.f32 v14, v13;
	v13 =	vadd.f32 v35, v31;
	s5 =	sor.u32 s4, s5;
	v10 =	vld [tilespmem:s0+$0xC000]  }
0xd6: {  	v6 =	vmul.f32 v6, v20;
	v1 =	vadd.f32 v17, v1;
	s8 =	sadd.s32 $0x30, s16;
	v3 =	vadd.f32 v12, v3;
	s9 =	sor.u32 s3, s14;
	v11 =	vld [tilespmem:s5+$0x3000]  }
0xd7: {  	v17 =	vsel vm0, $0x0, v0;
	s0 =	sand.u32 $0x70, s8;
	s8 =	sshll.u32 s8, $0x3;
	v12 =	vld [tilespmem:s5+$0xC000];
	s5 =	sor.u32 s4, s9;
	vm0 =	veq.s32 v15, $0x0;
	v15 =	vadd.f32 v16, v13  }
0xd8: {  	v1 =	vadd.f32 v20, v1;
	v3 =	vadd.f32 v6, v3;
	v6 =	vmul.f32 v14, v17;
	s9 =	sand.u32 $0x400, s8;
	s8 =	sor.u32 s0, s15;
	v13 =	vld [tilespmem:s5+$0x3000]  }
0xd9: {  	s8 =	sor.u32 s9, s8;
	v23 =	vsel vm0, $0x0, v0;
	v14 =	vld [tilespmem:s5+$0xC000]  }
0xda: {  	v1 =	vadd.f32 v17, v1;
	v3 =	vadd.f32 v6, v3;
	s5 =	sor.u32 s6, s13;
	v15 =	vmul.f32 v15, v23;
	v16 =	vld [tilespmem:s8+$0x3000]  }
0xdb: {  	s5 =	sor.u32 s7, s5;
	v20 =	vld [tilespmem:s8+$0xC000]  }
0xdc: {  	s10 =	sor.u32 s6, s14;
	v1 =	vadd.f32 v23, v1;
	s8 =	sadd.s32 $0x20, s16;
	v3 =	vadd.f32 v15, v3;
	v6 =	vld [tilespmem:s5+$0x3000]  }
0xdd: {  	s10 =	sor.u32 s7, s10;
	s23 =	sand.u32 $0x70, s8;
	s8 =	sshll.u32 s8, $0x3;
	v15 =	vld [tilespmem:s5+$0xC000]  }
0xde: {  	s5 =	sand.u32 $0x400, s8;
	s8 =	sor.u32 s23, s15;
	v23 =	vld [tilespmem:s10+$0x3000]  }
0xdf: {  	s8 =	sor.u32 s5, s8;
	v24 =	vld [tilespmem:s10+$0xC000]  }
0xe0: {  	s10 =	sor.u32 s0, s13;
	v17 =	vld [tilespmem:s8+$0x3000]  }
0xe1: {  	v25 =	vld [tilespmem:s8+$0xC000];
	s8 =	sor.u32 s9, s10  }
0xe2: {  	s17 =	sor.u32 s0, s14;
	s10 =	sadd.s32 $0x10, s16;
	v26 =	vld [tilespmem:s8+$0x3000]  }
0xe3: {  	s17 =	sor.u32 s9, s17;
	s16 =	sand.u32 $0x70, s10;
	s10 =	sshll.u32 s10, $0x3;
	v28 =	vld [tilespmem:s8+$0xC000]  }
0xe4: {  	s8 =	sand.u32 $0x400, s10;
	s10 =	sor.u32 s16, s15;
	v31 =	vld [tilespmem:s17+$0x3000]  }
0xe5: {  	s10 =	sor.u32 s8, s10;
	v33 =	vld [tilespmem:s17+$0xC000]  }
0xe6: {  	s15 =	sor.u32 s23, s13;
	v35 =	vld [tilespmem:s10+$0x3000]  }
0xe7: {  	v38 =	vld [tilespmem:s10+$0xC000];
	s10 =	sor.u32 s5, s15  }
0xe8: {  	s15 =	sor.u32 s23, s14;
	v37 =	vld [tilespmem:s10+$0x3000]  }
0xe9: {  	v45 =	vld [tilespmem:s10+$0xC000];
	s10 =	sor.u32 s5, s15  }
0xea: {  	s13 =	sor.u32 s16, s13;
	v49 =	vld [tilespmem:s10+$0x3000]  }
0xeb: {  	s13 =	sor.u32 s8, s13;
	v51 =	vld [tilespmem:s10+$0xC000]  }
.Ltmp1:
0xec: {  	s10 =	sor.u32 s16, s14;
	v50 =	vld [tilespmem:s13+$0x3000];
	(pc) =	sbr.rel @p0 .LBB2_4-.Ltmp1, $4  }
0xed: {  	v52 =	vsub.f32 v4, v5;
	s10 =	sor.u32 s8, s10;
	v4 =	vld [tilespmem:s13+$0xC000]  }
0xee: {  	s30 =	sadd.s32 $0x40, s30;
	v7 =	vsub.f32 v7, v9;
	v39 =	vsub.f32 v18, v19;
	s4 =	sor.u32 s4, s26;
	v5 =	vld [tilespmem:s10+$0x3000]  }
0xef: {  	s31 =	sadd.s32 $0x80, s31;
	v18 =	vsub.f32 v21, v22;
	v9 =	vsub.f32 v27, v30;
	s7 =	sor.u32 s7, s26;
	v41 =	vld [tilespmem:s10+$0xC000];
	s10 =	sor.u32 s3, s4  }
0xf0: {  	s1 =	sadd.s32 $0x1, s1;
	v19 =	vsub.f32 v29, v32;
	v21 =	vsub.f32 v34, v36;
	s3 =	sor.u32 s9, s26;
	s4 =	sor.u32 s6, s7;
	v22 =	vld [tilespmem:s10+$0x0]  }
0xf1: {  	v8 =	vsub.f32 v8, v10;
	v11 =	vsub.f32 v11, v12  }
0xf2: {  	v61 =	vsub.f32 v16, v20;
	v13 =	vsub.f32 v13, v14  }
0xf3: {  	v6 =	vsub.f32 v6, v15;
	v63 =	vsub.f32 v23, v24  }
0xf4: {  	vm0 =	veq.s32 v2, $0x0;
	v32 =	vsub.f32 v17, v25;
	v36 =	vsub.f32 v26, v28  }
0xf5: {  	v42 =	vsub.f32 v35, v38;
	v43 =	vsub.f32 v31, v33;
	v44 =	vand.u32 $0x7FFFFFFF, v52  }
0xf6: {  	s22 =	sor.u32 s8, s26;
	v27 =	vsub.f32 v37, v45;
	v45 =	vsub.f32 v49, v51;
	v7 =	vand.u32 $0x7FFFFFFF, v7  }
0xf7: {  	v60 =	vld [tilespmem:s4+$0x0];
	v29 =	vand.u32 $0x7FFFFFFF, v39;
	v46 =	vand.u32 $0x7FFFFFFF, v9;
	v47 =	vand.u32 $0x7FFFFFFF, v18;
	s4 =	sor.u32 s16, s22  }
0xf8: {  	v40 =	vsel vm0, $0x0, v0;
	v4 =	vsub.f32 v50, v4;
	v48 =	vand.u32 $0x7FFFFFFF, v19;
	v2 =	vld [tilespmem:s4+$0x0]  }
0xf9: {  	v49 =	vand.u32 $0x7FFFFFFF, v21;
	v8 =	vand.u32 $0x7FFFFFFF, v8;
	v12 =	vand.u32 $0x7FFFFFFF, v61  }
0xfa: {  	v11 =	vand.u32 $0x7FFFFFFF, v11;
	v13 =	vand.u32 $0x7FFFFFFF, v13;
	v16 =	vand.u32 $0x7FFFFFFF, v32  }
0xfb: {  	s1 =	sor.u32 s5, s26;
	v6 =	vand.u32 $0x7FFFFFFF, v6;
	v50 =	vand.u32 $0x7FFFFFFF, v27;
	v51 =	vand.u32 $0x7FFFFFFF, v45  }
0xfc: {  	s1 =	sor.u32 s23, s1;
	v53 =	vand.u32 $0x7FFFFFFF, v36;
	v54 =	vand.u32 $0x7FFFFFFF, v43;
	v5 =	vsub.f32 v5, v41  }
0xfd: {  	v62 =	vld [tilespmem:s1+$0x0];
	v1 =	vadd.f32 v40, v1;
	vm4 =	veq.s32 v2, $0x0;
	v2 =	vadd.f32 v29, v7  }
0xfe: {  	v4 =	vand.u32 $0x7FFFFFFF, v4;
	v17 =	vadd.f32 v54, v53;
	v5 =	vand.u32 $0x7FFFFFFF, v5  }
0xff: {  	s0 =	sor.u32 s0, s3;
	v15 =	vand.u32 $0x7FFFFFFF, v63;
	v4 =	vadd.f32 v5, v4;
	v2 =	vadd.f32 v44, v2  }
0x100: {  	v34 =	vld [tilespmem:s0+$0x0];
	v52 =	vand.u32 $0x7FFFFFFF, v42;
	v6 =	vadd.f32 v15, v6;
	v11 =	vadd.f32 v13, v11  }
0x101: {  	v5 =	vadd.f32 v51, v50;
	v4 =	vadd.f32 v52, v4;
	v2 =	vmul.f32 v2, v40  }
0x102: {  	vm14 =	veq.s32 v22, $0x0;
	vm3 =	veq.s32 v62, $0x0;
	v55 =	vsel vm4, $0x0, v0  }
0x103: {  	s26 =	sor.u32 s29, s26;
	v5 =	vadd.f32 v16, v5;
	v2 =	vadd.f32 v2, v3;
	v3 =	vmul.f32 v4, v55  }
0x104: {  	s0 =	sor.u32 s28, s26;
	v12 =	vadd.f32 v12, v17;
	v56 =	vsel vm3, $0x0, v0;
	v1 =	vadd.f32 v55, v1  }
0x105: {  	v57 =	vld [tilespmem:s0+$0x0];
	vm2 =	veq.s32 v34, $0x0;
	v2 =	vadd.f32 v3, v2;
	v3 =	vmul.f32 v5, v56  }
0x106: {  	vm1 =	veq.s32 v60, $0x0;
	v58 =	vsel vm2, $0x0, v0;
	v1 =	vadd.f32 v56, v1  }
0x107: {  	v6 =	vadd.f32 v8, v6;
	v2 =	vadd.f32 v3, v2;
	v3 =	vmul.f32 v12, v58  }
0x108: {  	v60 =	vadd.f32 v49, v48;
	v59 =	vsel vm1, $0x0, v0;
	v1 =	vadd.f32 v58, v1  }
0x109: {  	v7 =	vadd.f32 v46, v11;
	v2 =	vadd.f32 v3, v2;
	v3 =	vmul.f32 v6, v59  }
0x10a: {  	v61 =	vsel vm14, $0x0, v0;
	vm15 =	veq.s32 v57, $0x0;
	v1 =	vadd.f32 v59, v1  }
0x10b: {  	v62 =	vadd.f32 v47, v60;
	v2 =	vadd.f32 v3, v2;
	v3 =	vmul.f32 v7, v61  }
0x10c: {  	v63 =	vsel vm15, $0x0, v0;
	v1 =	vadd.f32 v61, v1  }
0x10d: {  	v2 =	vadd.f32 v3, v2;
	v3 =	vmul.f32 v62, v63  }
0x10e: {  	v1 =	vadd.f32 v63, v1  }
0x10f: {  	v2 =	vadd.f32 v3, v2  }
0x110: {  	[tilespmem:$0x15010] =	vst v1  }
0x111: {  	s29 =	rddreg [dreg:$0xb];
	s30 =	simm.s32 $0x15000;
	[tilespmem:$0x15000] =	vst v2  }
0x112: {  	[hbm4b:s29+s2] =	stream.linear.scatter [tilespmem:s30], [sflag:$0x7], $0x20, $0x38;
	[tilespmem:$0x15080] =	vst v63  }
0x113: {  	_ =	swait.ge [sflag:s24], $0x20  }
0x114: {  	s25 =	sadd.s32 $0x1, s25;
	s31 =	rddreg [dreg:$0xc]  }
0x115: {  	p0 =	sne.s32 s25, s31  }
.Ltmp2:
0x116: {  	_ = 	snop;
	(pc) =	sbr.rel @p0 .LBB2_1-.Ltmp2, $3  }
0x117: {  	_ =	sdelay $0x1  }
0x118: {  	[sflag:s24] =	ssyncset.done $0x0  }
0x119: {  	[sflag:s24] =	ssyncadd.s32 $0xFFFFFFE0  }
0x11a: {  	_ =	sfence.sel $0x180000  }
0x11b: {  	[bflag:$0x0] =	sbarrier.arrive $0xFFFF  }
0x11c: {  	_ =	strace $0x90000047  }
0x11d: {  	s0 =	stileid.u32;
	[bflag:$0x2] =	sbarrier.arrive $0xFFFF  }
0x11e: {  	p0 =	sne.s32 s0, $0x0;
	s0 =	rddreg [dreg:$0x4]  }
0x11f: {  	s0 =	sadd.s32 @!p0 $0x100000, s0  }
0x120: {  	[sflag:s0] =	ssyncadd.tile.s32 @!p0 $0x1;
	_ =	shalt  }
.Lfunc_end2:
_tile_overlayer_lowered:
.L_overlay_start_2:
0x121: {  	(tag) =	ssettag $0x2  }
0x122: {  	s0 =	rddreg [dreg:$0x0];
	s2 =	stileid.u32  }
0x123: {  	s1 =	rddreg [dreg:$0x1];
	p0 =	sne.s32 s2, $0x0  }
0x124: {  	s3 =	rddreg [dreg:$0x2];
	[bflag:$0x3] =	sbarrier.arrive $0xFFFF;
	s2 =	simm.s32 @!p0 $0x1C07  }
0x125: {  	[timem:s3], [sflag:s2] =	dma.local @!p0 [hbm:s0], s1  }
0x126: {  	s0 =	simm.s32 @!p0 $0x7  }
0x127: {  	_ =	swait.ge @!p0 [sflag:s0], s1  }
0x128: {  	s1 =	ssub.s32 @!p0 $0x0, s1;
	[sflag:s0] =	ssyncset.done @!p0 $0x0  }
0x129: {  	[sflag:s0] =	ssyncadd.s32 @!p0 s1  }
0x12a: {  	[bflag:$0x3] =	sbarrier.arrive $0xFFFF  }
0x12b: {  	_ =	shalt  }

</sc_bundles>
